<compile_context>
chip_gen: v7x
topology: tpu7x:2x2x1
jax: 0.10.2.dev20260603
libtpu: 0.0.44.dev20260713+nightly
codegen_flags: <defaults>
</compile_context>

<pallas_src>
import jax
import jax.numpy as jnp
from jax import lax
from jax.experimental import pallas as pl
from jax.experimental.pallas import tpu as pltpu
from jax.experimental.pallas import tpu_sc as plsc

_DIM = 64
_N = 1000000
_K = 16384
_NC = 2
_NS = 16
_NW = _NC * _NS
_CHUNK = _K // _NW
_L = 16


_DEPTH = 8


def _body(bank_hbm, idx_hbm, out_hbm, idx_v, *scratch):
    bufs = scratch[:_DEPTH]
    out_v = scratch[_DEPTH]
    sems = scratch[_DEPTH + 1:]
    wid = lax.axis_index("s") * _NC + lax.axis_index("c")
    base = wid * _CHUNK
    pltpu.sync_copy(idx_hbm.at[pl.ds(base, _CHUNK)], idx_v)

    iota = lax.iota(jnp.int32, _L)

    def _start(c, slot):
        pltpu.make_async_copy(
            bank_hbm.at[:, pl.ds(c * 128, 128)], bufs[slot], sems[slot]
        ).start()

    def _finish(c, lane, pos, slot):
        blk = bufs[slot]
        pltpu.make_async_copy(
            bank_hbm.at[:, pl.ds(c * 128, 128)], blk, sems[slot]
        ).wait()
        lv = jnp.full((_L,), lane, jnp.int32)
        for t in range(_DIM // _L):
            rows = iota + (t * _L)
            col = plsc.load_gather(blk, [rows, lv])
            plsc.store_scatter(out_v, [rows * _CHUNK + pos], col)

    @pl.loop(0, _CHUNK, step=_L)
    def _(i):
        v = idx_v[pl.ds(i, _L)]
        cs = [lax.shift_right_logical(v[j], 7) for j in range(_L)]
        lanes = [lax.bitwise_and(v[j], 127) for j in range(_L)]
        ip = jnp.maximum(i - _L, 0)
        vp = idx_v[pl.ds(ip, _L)]
        csp = [lax.shift_right_logical(vp[j], 7) for j in range(_L)]
        lanesp = [lax.bitwise_and(vp[j], 127) for j in range(_L)]

        for j in range(_L):
            m = j - _DEPTH
            if m >= 0:
                _finish(cs[m], lanes[m], i + m, m % _DEPTH)
            else:
                jj = j + _L - _DEPTH

                @pl.when(i > 0)
                def _():
                    _finish(csp[jj], lanesp[jj], ip + jj, jj % _DEPTH)

            _start(cs[j], j % _DEPTH)

    iL = _CHUNK - _L
    vl = idx_v[pl.ds(iL, _L)]
    for jj in range(_L - _DEPTH, _L):
        c = lax.shift_right_logical(vl[jj], 7)
        lane = lax.bitwise_and(vl[jj], 127)
        _finish(c, lane, iL + jj, jj % _DEPTH)

    @pl.loop(0, _DIM)
    def _(d):
        pltpu.sync_copy(
            out_v.at[pl.ds(d * _CHUNK, _CHUNK)],
            out_hbm.at[d].at[pl.ds(base, _CHUNK)],
        )


def kernel(membank, n_index):
    mesh = plsc.VectorSubcoreMesh(core_axis_name="c", subcore_axis_name="s")
    gathered = pl.kernel(
        _body,
        out_type=jax.ShapeDtypeStruct((_DIM, _K), jnp.float32),
        mesh=mesh,
        compiler_params=pltpu.CompilerParams(needs_layout_passes=False),
        scratch_types=(
            [pltpu.VMEM((_CHUNK,), jnp.int32)]
            + [pltpu.VMEM((_DIM, 128), jnp.float32)] * _DEPTH
            + [pltpu.VMEM((_DIM * _CHUNK,), jnp.float32)]
            + [pltpu.SemaphoreType.DMA] * _DEPTH
        ),
    )
    return gathered(membank, n_index)

# --- scband reference (transcript-rebuilt; emitter-appended) ---
"""Pipeline reference for scband-memorybank-90847148245502 (READ-ONLY COPY).

The authoritative reference and input builder live on the scoring server;
editing this copy changes nothing except your own understanding.
"""

import jax, jax.numpy as jnp
import numpy as np

N = 1000000
DIM = 64
K = 16384


def setup_inputs(seed: int = 0) -> dict:
    key = jax.random.key(seed)
    k1, k2 = jax.random.split(key)
    membank = jax.random.normal(k1, (DIM, N), dtype=jnp.float32)
    # nn.functional.normalize(membank, dim=0): L2-normalize each column
    norm = jnp.linalg.norm(membank, axis=0, keepdims=True)
    membank = membank / jnp.maximum(norm, 1e-12)
    n_index = jax.random.randint(k2, (K,), 0, N, dtype=jnp.int32)
    return {"membank": membank, "n_index": n_index}


def reference(membank, n_index):
    # torch.index_select(self.membank, 1, n_index) -> gather columns, shape [DIM, K]
    return jnp.take(membank, n_index, axis=1)

if __name__ == "__main__":
    import jax
    _d = setup_inputs()
    print(jax.jit(kernel)(*tuple(_d.values())))

</pallas_src>

<mosaic_0001>
#map = affine_map<(d0, d1) -> (0, 0)>
#map1 = affine_map<(d0, d1) -> (0)>
module attributes {stable_mosaic.version = 14 : i64} {
  func.func @_body(%arg0: i32, %arg1: i32, %arg2: memref<64x1000000xf32, #tpu.memory_space<hbm>>, %arg3: memref<16384xi32, #tpu.memory_space<hbm>>, %arg4: memref<64x16384xf32, #tpu.memory_space<hbm>>, %arg5: memref<512xi32, #tpu.memory_space<vmem>>, %arg6: memref<64x128xf32, #tpu.memory_space<vmem>>, %arg7: memref<64x128xf32, #tpu.memory_space<vmem>>, %arg8: memref<64x128xf32, #tpu.memory_space<vmem>>, %arg9: memref<64x128xf32, #tpu.memory_space<vmem>>, %arg10: memref<64x128xf32, #tpu.memory_space<vmem>>, %arg11: memref<64x128xf32, #tpu.memory_space<vmem>>, %arg12: memref<64x128xf32, #tpu.memory_space<vmem>>, %arg13: memref<64x128xf32, #tpu.memory_space<vmem>>, %arg14: memref<32768xf32, #tpu.memory_space<vmem>>, %arg15: memref<!tpu.dma_semaphore, #tpu.memory_space<semaphore_mem>>, %arg16: memref<!tpu.dma_semaphore, #tpu.memory_space<semaphore_mem>>, %arg17: memref<!tpu.dma_semaphore, #tpu.memory_space<semaphore_mem>>, %arg18: memref<!tpu.dma_semaphore, #tpu.memory_space<semaphore_mem>>, %arg19: memref<!tpu.dma_semaphore, #tpu.memory_space<semaphore_mem>>, %arg20: memref<!tpu.dma_semaphore, #tpu.memory_space<semaphore_mem>>, %arg21: memref<!tpu.dma_semaphore, #tpu.memory_space<semaphore_mem>>, %arg22: memref<!tpu.dma_semaphore, #tpu.memory_space<semaphore_mem>>) attributes {dimension_semantics = [#tpu.dimension_semantics<core_parallel>, #tpu.dimension_semantics<subcore_parallel>], iteration_bounds = array<i64: 2, 16>, scalar_prefetch = 0 : i64, scratch_operands = 18 : i64, tpu.core_type = #tpu.core_type<sc_vector_subcore>, window_params = [{transform_indices = #map}, {transform_indices = #map1}, {transform_indices = #map}]} {
    %mul3A = arith.constant 2 : i32
    %mul3A_0 = arith.muli %arg1, %mul3A : i32
    %add3A = arith.addi %mul3A_0, %arg0 : i32
    %mul3A_1 = arith.constant 512 : i32
    %mul3A_2 = arith.muli %add3A, %mul3A_1 : i32
    "tpu.region"() ({
      %run_scoped3A = tpu.sem_alloc : memref<!tpu.dma_semaphore, #tpu.memory_space<semaphore_mem>>
      %dma_start3A = tpu.memref_slice %arg3[%mul3A_2] : memref<16384xi32, #tpu.memory_space<hbm>> -> memref<512xi32, #tpu.memory_space<hbm>>
      %dma_start3A_446 = tpu.memref_slice %arg3[%mul3A_2] : memref<16384xi32, #tpu.memory_space<hbm>> -> memref<512xi32, #tpu.memory_space<hbm>>
      tpu.enqueue_dma source(%dma_start3A_446 : memref<512xi32, #tpu.memory_space<hbm>>) target(%arg5 : memref<512xi32, #tpu.memory_space<vmem>>) target_semaphore(%run_scoped3A : memref<!tpu.dma_semaphore, #tpu.memory_space<semaphore_mem>>)
      %dma_wait3A_447 = tpu.memref_slice %arg3[%mul3A_2] : memref<16384xi32, #tpu.memory_space<hbm>> -> memref<512xi32, #tpu.memory_space<hbm>>
      %dma_wait3A_448 = tpu.memref_slice %arg3[%mul3A_2] : memref<16384xi32, #tpu.memory_space<hbm>> -> memref<512xi32, #tpu.memory_space<hbm>>
      tpu.wait_dma2 semaphore(%run_scoped3A : memref<!tpu.dma_semaphore, #tpu.memory_space<semaphore_mem>>) src(%dma_wait3A_448 : memref<512xi32, #tpu.memory_space<hbm>>) dst(%arg5 : memref<512xi32, #tpu.memory_space<vmem>>)
      tpu.yield
    }) : () -> ()
    %iota3A = tpu.iota {dimensions = array<i32: 0>} : vector<16xi32>
    %scan3A = arith.constant 0 : i32
    %scan3A_3 = arith.constant 32 : i32
    %scan3A_4 = arith.addi %scan3A, %scan3A_3 : i32
    %scan3A_5 = arith.constant 1 : i32
    scf.for %scan3A_446 = %scan3A to %scan3A_4 step %scan3A_5  : i32 {
      %mul3A_447 = arith.constant 16 : i32
      %mul3A_448 = arith.muli %scan3A_446, %mul3A_447 : i32
      %add3A_449 = arith.constant 0 : i32
      %add3A_450 = arith.addi %add3A_449, %mul3A_448 : i32
      %get3A_451 = arith.index_cast %add3A_450 : i32 to index
      %get3A_452 = tpu.vector_load %arg5[%get3A_451] {strides = array<i32>} : memref<512xi32, #tpu.memory_space<vmem>>, vector<16xi32>,
      %slice3A_453 = vector.extract_strided_slice %get3A_452 {offsets = [0], sizes = [1], strides = [1]} : vector<16xi32> to vector<1xi32>
      %squeeze3A_454 = vector.extract %slice3A_453[0] : i32 from vector<1xi32>
      %shift_right_logical3A_455 = arith.constant 7 : i32
      %shift_right_logical3A_456 = arith.shrui %squeeze3A_454, %shift_right_logical3A_455 : i32
      %slice3A_457 = vector.extract_strided_slice %get3A_452 {offsets = [1], sizes = [1], strides = [1]} : vector<16xi32> to vector<1xi32>
      %squeeze3A_458 = vector.extract %slice3A_457[0] : i32 from vector<1xi32>
      %shift_right_logical3A_459 = arith.constant 7 : i32
      %shift_right_logical3A_460 = arith.shrui %squeeze3A_458, %shift_right_logical3A_459 : i32
      %slice3A_461 = vector.extract_strided_slice %get3A_452 {offsets = [2], sizes = [1], strides = [1]} : vector<16xi32> to vector<1xi32>
      %squeeze3A_462 = vector.extract %slice3A_461[0] : i32 from vector<1xi32>
      %shift_right_logical3A_463 = arith.constant 7 : i32
      %shift_right_logical3A_464 = arith.shrui %squeeze3A_462, %shift_right_logical3A_463 : i32
      %slice3A_465 = vector.extract_strided_slice %get3A_452 {offsets = [3], sizes = [1], strides = [1]} : vector<16xi32> to vector<1xi32>
      %squeeze3A_466 = vector.extract %slice3A_465[0] : i32 from vector<1xi32>
      %shift_right_logical3A_467 = arith.constant 7 : i32
      %shift_right_logical3A_468 = arith.shrui %squeeze3A_466, %shift_right_logical3A_467 : i32
      %slice3A_469 = vector.extract_strided_slice %get3A_452 {offsets = [4], sizes = [1], strides = [1]} : vector<16xi32> to vector<1xi32>
      %squeeze3A_470 = vector.extract %slice3A_469[0] : i32 from vector<1xi32>
      %shift_right_logical3A_471 = arith.constant 7 : i32
      %shift_right_logical3A_472 = arith.shrui %squeeze3A_470, %shift_right_logical3A_471 : i32
      %slice3A_473 = vector.extract_strided_slice %get3A_452 {offsets = [5], sizes = [1], strides = [1]} : vector<16xi32> to vector<1xi32>
      %squeeze3A_474 = vector.extract %slice3A_473[0] : i32 from vector<1xi32>
      %shift_right_logical3A_475 = arith.constant 7 : i32
      %shift_right_logical3A_476 = arith.shrui %squeeze3A_474, %shift_right_logical3A_475 : i32
      %slice3A_477 = vector.extract_strided_slice %get3A_452 {offsets = [6], sizes = [1], strides = [1]} : vector<16xi32> to vector<1xi32>
      %squeeze3A_478 = vector.extract %slice3A_477[0] : i32 from vector<1xi32>
      %shift_right_logical3A_479 = arith.constant 7 : i32
      %shift_right_logical3A_480 = arith.shrui %squeeze3A_478, %shift_right_logical3A_479 : i32
      %slice3A_481 = vector.extract_strided_slice %get3A_452 {offsets = [7], sizes = [1], strides = [1]} : vector<16xi32> to vector<1xi32>
      %squeeze3A_482 = vector.extract %slice3A_481[0] : i32 from vector<1xi32>
      %shift_right_logical3A_483 = arith.constant 7 : i32
      %shift_right_logical3A_484 = arith.shrui %squeeze3A_482, %shift_right_logical3A_483 : i32
      %slice3A_485 = vector.extract_strided_slice %get3A_452 {offsets = [8], sizes = [1], strides = [1]} : vector<16xi32> to vector<1xi32>
      %squeeze3A_486 = vector.extract %slice3A_485[0] : i32 from vector<1xi32>
      %shift_right_logical3A_487 = arith.constant 7 : i32
      %shift_right_logical3A_488 = arith.shrui %squeeze3A_486, %shift_right_logical3A_487 : i32
      %slice3A_489 = vector.extract_strided_slice %get3A_452 {offsets = [9], sizes = [1], strides = [1]} : vector<16xi32> to vector<1xi32>
      %squeeze3A_490 = vector.extract %slice3A_489[0] : i32 from vector<1xi32>
      %shift_right_logical3A_491 = arith.constant 7 : i32
      %shift_right_logical3A_492 = arith.shrui %squeeze3A_490, %shift_right_logical3A_491 : i32
      %slice3A_493 = vector.extract_strided_slice %get3A_452 {offsets = [10], sizes = [1], strides = [1]} : vector<16xi32> to vector<1xi32>
      %squeeze3A_494 = vector.extract %slice3A_493[0] : i32 from vector<1xi32>
      %shift_right_logical3A_495 = arith.constant 7 : i32
      %shift_right_logical3A_496 = arith.shrui %squeeze3A_494, %shift_right_logical3A_495 : i32
      %slice3A_497 = vector.extract_strided_slice %get3A_452 {offsets = [11], sizes = [1], strides = [1]} : vector<16xi32> to vector<1xi32>
      %squeeze3A_498 = vector.extract %slice3A_497[0] : i32 from vector<1xi32>
      %shift_right_logical3A_499 = arith.constant 7 : i32
      %shift_right_logical3A_500 = arith.shrui %squeeze3A_498, %shift_right_logical3A_499 : i32
      %slice3A_501 = vector.extract_strided_slice %get3A_452 {offsets = [12], sizes = [1], strides = [1]} : vector<16xi32> to vector<1xi32>
      %squeeze3A_502 = vector.extract %slice3A_501[0] : i32 from vector<1xi32>
      %shift_right_logical3A_503 = arith.constant 7 : i32
      %shift_right_logical3A_504 = arith.shrui %squeeze3A_502, %shift_right_logical3A_503 : i32
      %slice3A_505 = vector.extract_strided_slice %get3A_452 {offsets = [13], sizes = [1], strides = [1]} : vector<16xi32> to vector<1xi32>
      %squeeze3A_506 = vector.extract %slice3A_505[0] : i32 from vector<1xi32>
      %shift_right_logical3A_507 = arith.constant 7 : i32
      %shift_right_logical3A_508 = arith.shrui %squeeze3A_506, %shift_right_logical3A_507 : i32
      %slice3A_509 = vector.extract_strided_slice %get3A_452 {offsets = [14], sizes = [1], strides = [1]} : vector<16xi32> to vector<1xi32>
      %squeeze3A_510 = vector.extract %slice3A_509[0] : i32 from vector<1xi32>
      %shift_right_logical3A_511 = arith.constant 7 : i32
      %shift_right_logical3A_512 = arith.shrui %squeeze3A_510, %shift_right_logical3A_511 : i32
      %slice3A_513 = vector.extract_strided_slice %get3A_452 {offsets = [15], sizes = [1], strides = [1]} : vector<16xi32> to vector<1xi32>
      %squeeze3A_514 = vector.extract %slice3A_513[0] : i32 from vector<1xi32>
      %shift_right_logical3A_515 = arith.constant 7 : i32
      %shift_right_logical3A_516 = arith.shrui %squeeze3A_514, %shift_right_logical3A_515 : i32
      %slice3A_517 = vector.extract_strided_slice %get3A_452 {offsets = [0], sizes = [1], strides = [1]} : vector<16xi32> to vector<1xi32>
      %squeeze3A_518 = vector.extract %slice3A_517[0] : i32 from vector<1xi32>
      %and3A_519 = arith.constant 127 : i32
      %and3A_520 = arith.andi %squeeze3A_518, %and3A_519 : i32
      %slice3A_521 = vector.extract_strided_slice %get3A_452 {offsets = [1], sizes = [1], strides = [1]} : vector<16xi32> to vector<1xi32>
      %squeeze3A_522 = vector.extract %slice3A_521[0] : i32 from vector<1xi32>
      %and3A_523 = arith.constant 127 : i32
      %and3A_524 = arith.andi %squeeze3A_522, %and3A_523 : i32
      %slice3A_525 = vector.extract_strided_slice %get3A_452 {offsets = [2], sizes = [1], strides = [1]} : vector<16xi32> to vector<1xi32>
      %squeeze3A_526 = vector.extract %slice3A_525[0] : i32 from vector<1xi32>
      %and3A_527 = arith.constant 127 : i32
      %and3A_528 = arith.andi %squeeze3A_526, %and3A_527 : i32
      %slice3A_529 = vector.extract_strided_slice %get3A_452 {offsets = [3], sizes = [1], strides = [1]} : vector<16xi32> to vector<1xi32>
      %squeeze3A_530 = vector.extract %slice3A_529[0] : i32 from vector<1xi32>
      %and3A_531 = arith.constant 127 : i32
      %and3A_532 = arith.andi %squeeze3A_530, %and3A_531 : i32
      %slice3A_533 = vector.extract_strided_slice %get3A_452 {offsets = [4], sizes = [1], strides = [1]} : vector<16xi32> to vector<1xi32>
      %squeeze3A_534 = vector.extract %slice3A_533[0] : i32 from vector<1xi32>
      %and3A_535 = arith.constant 127 : i32
      %and3A_536 = arith.andi %squeeze3A_534, %and3A_535 : i32
      %slice3A_537 = vector.extract_strided_slice %get3A_452 {offsets = [5], sizes = [1], strides = [1]} : vector<16xi32> to vector<1xi32>
      %squeeze3A_538 = vector.extract %slice3A_537[0] : i32 from vector<1xi32>
      %and3A_539 = arith.constant 127 : i32
      %and3A_540 = arith.andi %squeeze3A_538, %and3A_539 : i32
      %slice3A_541 = vector.extract_strided_slice %get3A_452 {offsets = [6], sizes = [1], strides = [1]} : vector<16xi32> to vector<1xi32>
      %squeeze3A_542 = vector.extract %slice3A_541[0] : i32 from vector<1xi32>
      %and3A_543 = arith.constant 127 : i32
      %and3A_544 = arith.andi %squeeze3A_542, %and3A_543 : i32
      %slice3A_545 = vector.extract_strided_slice %get3A_452 {offsets = [7], sizes = [1], strides = [1]} : vector<16xi32> to vector<1xi32>
      %squeeze3A_546 = vector.extract %slice3A_545[0] : i32 from vector<1xi32>
      %and3A_547 = arith.constant 127 : i32
      %and3A_548 = arith.andi %squeeze3A_546, %and3A_547 : i32
      %slice3A_549 = vector.extract_strided_slice %get3A_452 {offsets = [8], sizes = [1], strides = [1]} : vector<16xi32> to vector<1xi32>
      %squeeze3A_550 = vector.extract %slice3A_549[0] : i32 from vector<1xi32>
      %and3A_551 = arith.constant 127 : i32
      %and3A_552 = arith.andi %squeeze3A_550, %and3A_551 : i32
      %slice3A_553 = vector.extract_strided_slice %get3A_452 {offsets = [9], sizes = [1], strides = [1]} : vector<16xi32> to vector<1xi32>
      %squeeze3A_554 = vector.extract %slice3A_553[0] : i32 from vector<1xi32>
      %and3A_555 = arith.constant 127 : i32
      %and3A_556 = arith.andi %squeeze3A_554, %and3A_555 : i32
      %slice3A_557 = vector.extract_strided_slice %get3A_452 {offsets = [10], sizes = [1], strides = [1]} : vector<16xi32> to vector<1xi32>
      %squeeze3A_558 = vector.extract %slice3A_557[0] : i32 from vector<1xi32>
      %and3A_559 = arith.constant 127 : i32
      %and3A_560 = arith.andi %squeeze3A_558, %and3A_559 : i32
      %slice3A_561 = vector.extract_strided_slice %get3A_452 {offsets = [11], sizes = [1], strides = [1]} : vector<16xi32> to vector<1xi32>
      %squeeze3A_562 = vector.extract %slice3A_561[0] : i32 from vector<1xi32>
      %and3A_563 = arith.constant 127 : i32
      %and3A_564 = arith.andi %squeeze3A_562, %and3A_563 : i32
      %slice3A_565 = vector.extract_strided_slice %get3A_452 {offsets = [12], sizes = [1], strides = [1]} : vector<16xi32> to vector<1xi32>
      %squeeze3A_566 = vector.extract %slice3A_565[0] : i32 from vector<1xi32>
      %and3A_567 = arith.constant 127 : i32
      %and3A_568 = arith.andi %squeeze3A_566, %and3A_567 : i32
      %slice3A_569 = vector.extract_strided_slice %get3A_452 {offsets = [13], sizes = [1], strides = [1]} : vector<16xi32> to vector<1xi32>
      %squeeze3A_570 = vector.extract %slice3A_569[0] : i32 from vector<1xi32>
      %and3A_571 = arith.constant 127 : i32
      %and3A_572 = arith.andi %squeeze3A_570, %and3A_571 : i32
      %slice3A_573 = vector.extract_strided_slice %get3A_452 {offsets = [14], sizes = [1], strides = [1]} : vector<16xi32> to vector<1xi32>
      %squeeze3A_574 = vector.extract %slice3A_573[0] : i32 from vector<1xi32>
      %and3A_575 = arith.constant 127 : i32
      %and3A_576 = arith.andi %squeeze3A_574, %and3A_575 : i32
      %slice3A_577 = vector.extract_strided_slice %get3A_452 {offsets = [15], sizes = [1], strides = [1]} : vector<16xi32> to vector<1xi32>
      %squeeze3A_578 = vector.extract %slice3A_577[0] : i32 from vector<1xi32>
      %and3A_579 = arith.constant 127 : i32
      %and3A_580 = arith.andi %squeeze3A_578, %and3A_579 : i32
      %sub3A = arith.constant 16 : i32
      %sub3A_581 = arith.subi %add3A_450, %sub3A : i32
      %max3A = arith.constant 0 : i32
      %max3A_582 = arith.maxsi %sub3A_581, %max3A : i32
      %get3A_583 = arith.index_cast %max3A_582 : i32 to index
      %get3A_584 = tpu.vector_load %arg5[%get3A_583] {strides = array<i32>} : memref<512xi32, #tpu.memory_space<vmem>>, vector<16xi32>,
      %slice3A_585 = vector.extract_strided_slice %get3A_584 {offsets = [0], sizes = [1], strides = [1]} : vector<16xi32> to vector<1xi32>
      %squeeze3A_586 = vector.extract %slice3A_585[0] : i32 from vector<1xi32>
      %shift_right_logical3A_587 = arith.constant 7 : i32
      %shift_right_logical3A_588 = arith.shrui %squeeze3A_586, %shift_right_logical3A_587 : i32
      %slice3A_589 = vector.extract_strided_slice %get3A_584 {offsets = [1], sizes = [1], strides = [1]} : vector<16xi32> to vector<1xi32>
      %squeeze3A_590 = vector.extract %slice3A_589[0] : i32 from vector<1xi32>
      %shift_right_logical3A_591 = arith.constant 7 : i32
      %shift_right_logical3A_592 = arith.shrui %squeeze3A_590, %shift_right_logical3A_591 : i32
      %slice3A_593 = vector.extract_strided_slice %get3A_584 {offsets = [2], sizes = [1], strides = [1]} : vector<16xi32> to vector<1xi32>
      %squeeze3A_594 = vector.extract %slice3A_593[0] : i32 from vector<1xi32>
      %shift_right_logical3A_595 = arith.constant 7 : i32
      %shift_right_logical3A_596 = arith.shrui %squeeze3A_594, %shift_right_logical3A_595 : i32
      %slice3A_597 = vector.extract_strided_slice %get3A_584 {offsets = [3], sizes = [1], strides = [1]} : vector<16xi32> to vector<1xi32>
      %squeeze3A_598 = vector.extract %slice3A_597[0] : i32 from vector<1xi32>
      %shift_right_logical3A_599 = arith.constant 7 : i32
      %shift_right_logical3A_600 = arith.shrui %squeeze3A_598, %shift_right_logical3A_599 : i32
      %slice3A_601 = vector.extract_strided_slice %get3A_584 {offsets = [4], sizes = [1], strides = [1]} : vector<16xi32> to vector<1xi32>
      %squeeze3A_602 = vector.extract %slice3A_601[0] : i32 from vector<1xi32>
      %shift_right_logical3A_603 = arith.constant 7 : i32
      %shift_right_logical3A_604 = arith.shrui %squeeze3A_602, %shift_right_logical3A_603 : i32
      %slice3A_605 = vector.extract_strided_slice %get3A_584 {offsets = [5], sizes = [1], strides = [1]} : vector<16xi32> to vector<1xi32>
      %squeeze3A_606 = vector.extract %slice3A_605[0] : i32 from vector<1xi32>
      %shift_right_logical3A_607 = arith.constant 7 : i32
      %shift_right_logical3A_608 = arith.shrui %squeeze3A_606, %shift_right_logical3A_607 : i32
      %slice3A_609 = vector.extract_strided_slice %get3A_584 {offsets = [6], sizes = [1], strides = [1]} : vector<16xi32> to vector<1xi32>
      %squeeze3A_610 = vector.extract %slice3A_609[0] : i32 from vector<1xi32>
      %shift_right_logical3A_611 = arith.constant 7 : i32
      %shift_right_logical3A_612 = arith.shrui %squeeze3A_610, %shift_right_logical3A_611 : i32
      %slice3A_613 = vector.extract_strided_slice %get3A_584 {offsets = [7], sizes = [1], strides = [1]} : vector<16xi32> to vector<1xi32>
      %squeeze3A_614 = vector.extract %slice3A_613[0] : i32 from vector<1xi32>
      %shift_right_logical3A_615 = arith.constant 7 : i32
      %shift_right_logical3A_616 = arith.shrui %squeeze3A_614, %shift_right_logical3A_615 : i32
      %slice3A_617 = vector.extract_strided_slice %get3A_584 {offsets = [8], sizes = [1], strides = [1]} : vector<16xi32> to vector<1xi32>
      %squeeze3A_618 = vector.extract %slice3A_617[0] : i32 from vector<1xi32>
      %shift_right_logical3A_619 = arith.constant 7 : i32
      %shift_right_logical3A_620 = arith.shrui %squeeze3A_618, %shift_right_logical3A_619 : i32
      %slice3A_621 = vector.extract_strided_slice %get3A_584 {offsets = [9], sizes = [1], strides = [1]} : vector<16xi32> to vector<1xi32>
      %squeeze3A_622 = vector.extract %slice3A_621[0] : i32 from vector<1xi32>
      %shift_right_logical3A_623 = arith.constant 7 : i32
      %shift_right_logical3A_624 = arith.shrui %squeeze3A_622, %shift_right_logical3A_623 : i32
      %slice3A_625 = vector.extract_strided_slice %get3A_584 {offsets = [10], sizes = [1], strides = [1]} : vector<16xi32> to vector<1xi32>
      %squeeze3A_626 = vector.extract %slice3A_625[0] : i32 from vector<1xi32>
      %shift_right_logical3A_627 = arith.constant 7 : i32
      %shift_right_logical3A_628 = arith.shrui %squeeze3A_626, %shift_right_logical3A_627 : i32
      %slice3A_629 = vector.extract_strided_slice %get3A_584 {offsets = [11], sizes = [1], strides = [1]} : vector<16xi32> to vector<1xi32>
      %squeeze3A_630 = vector.extract %slice3A_629[0] : i32 from vector<1xi32>
      %shift_right_logical3A_631 = arith.constant 7 : i32
      %shift_right_logical3A_632 = arith.shrui %squeeze3A_630, %shift_right_logical3A_631 : i32
      %slice3A_633 = vector.extract_strided_slice %get3A_584 {offsets = [12], sizes = [1], strides = [1]} : vector<16xi32> to vector<1xi32>
      %squeeze3A_634 = vector.extract %slice3A_633[0] : i32 from vector<1xi32>
      %shift_right_logical3A_635 = arith.constant 7 : i32
      %shift_right_logical3A_636 = arith.shrui %squeeze3A_634, %shift_right_logical3A_635 : i32
      %slice3A_637 = vector.extract_strided_slice %get3A_584 {offsets = [13], sizes = [1], strides = [1]} : vector<16xi32> to vector<1xi32>
      %squeeze3A_638 = vector.extract %slice3A_637[0] : i32 from vector<1xi32>
      %shift_right_logical3A_639 = arith.constant 7 : i32
      %shift_right_logical3A_640 = arith.shrui %squeeze3A_638, %shift_right_logical3A_639 : i32
      %slice3A_641 = vector.extract_strided_slice %get3A_584 {offsets = [14], sizes = [1], strides = [1]} : vector<16xi32> to vector<1xi32>
      %squeeze3A_642 = vector.extract %slice3A_641[0] : i32 from vector<1xi32>
      %shift_right_logical3A_643 = arith.constant 7 : i32
      %shift_right_logical3A_644 = arith.shrui %squeeze3A_642, %shift_right_logical3A_643 : i32
      %slice3A_645 = vector.extract_strided_slice %get3A_584 {offsets = [15], sizes = [1], strides = [1]} : vector<16xi32> to vector<1xi32>
      %squeeze3A_646 = vector.extract %slice3A_645[0] : i32 from vector<1xi32>
      %shift_right_logical3A_647 = arith.constant 7 : i32
      %shift_right_logical3A_648 = arith.shrui %squeeze3A_646, %shift_right_logical3A_647 : i32
      %slice3A_649 = vector.extract_strided_slice %get3A_584 {offsets = [0], sizes = [1], strides = [1]} : vector<16xi32> to vector<1xi32>
      %squeeze3A_650 = vector.extract %slice3A_649[0] : i32 from vector<1xi32>
      %and3A_651 = arith.constant 127 : i32
      %and3A_652 = arith.andi %squeeze3A_650, %and3A_651 : i32
      %slice3A_653 = vector.extract_strided_slice %get3A_584 {offsets = [1], sizes = [1], strides = [1]} : vector<16xi32> to vector<1xi32>
      %squeeze3A_654 = vector.extract %slice3A_653[0] : i32 from vector<1xi32>
      %and3A_655 = arith.constant 127 : i32
      %and3A_656 = arith.andi %squeeze3A_654, %and3A_655 : i32
      %slice3A_657 = vector.extract_strided_slice %get3A_584 {offsets = [2], sizes = [1], strides = [1]} : vector<16xi32> to vector<1xi32>
      %squeeze3A_658 = vector.extract %slice3A_657[0] : i32 from vector<1xi32>
      %and3A_659 = arith.constant 127 : i32
      %and3A_660 = arith.andi %squeeze3A_658, %and3A_659 : i32
      %slice3A_661 = vector.extract_strided_slice %get3A_584 {offsets = [3], sizes = [1], strides = [1]} : vector<16xi32> to vector<1xi32>
      %squeeze3A_662 = vector.extract %slice3A_661[0] : i32 from vector<1xi32>
      %and3A_663 = arith.constant 127 : i32
      %and3A_664 = arith.andi %squeeze3A_662, %and3A_663 : i32
      %slice3A_665 = vector.extract_strided_slice %get3A_584 {offsets = [4], sizes = [1], strides = [1]} : vector<16xi32> to vector<1xi32>
      %squeeze3A_666 = vector.extract %slice3A_665[0] : i32 from vector<1xi32>
      %and3A_667 = arith.constant 127 : i32
      %and3A_668 = arith.andi %squeeze3A_666, %and3A_667 : i32
      %slice3A_669 = vector.extract_strided_slice %get3A_584 {offsets = [5], sizes = [1], strides = [1]} : vector<16xi32> to vector<1xi32>
      %squeeze3A_670 = vector.extract %slice3A_669[0] : i32 from vector<1xi32>
      %and3A_671 = arith.constant 127 : i32
      %and3A_672 = arith.andi %squeeze3A_670, %and3A_671 : i32
      %slice3A_673 = vector.extract_strided_slice %get3A_584 {offsets = [6], sizes = [1], strides = [1]} : vector<16xi32> to vector<1xi32>
      %squeeze3A_674 = vector.extract %slice3A_673[0] : i32 from vector<1xi32>
      %and3A_675 = arith.constant 127 : i32
      %and3A_676 = arith.andi %squeeze3A_674, %and3A_675 : i32
      %slice3A_677 = vector.extract_strided_slice %get3A_584 {offsets = [7], sizes = [1], strides = [1]} : vector<16xi32> to vector<1xi32>
      %squeeze3A_678 = vector.extract %slice3A_677[0] : i32 from vector<1xi32>
      %and3A_679 = arith.constant 127 : i32
      %and3A_680 = arith.andi %squeeze3A_678, %and3A_679 : i32
      %slice3A_681 = vector.extract_strided_slice %get3A_584 {offsets = [8], sizes = [1], strides = [1]} : vector<16xi32> to vector<1xi32>
      %squeeze3A_682 = vector.extract %slice3A_681[0] : i32 from vector<1xi32>
      %and3A_683 = arith.constant 127 : i32
      %and3A_684 = arith.andi %squeeze3A_682, %and3A_683 : i32
      %slice3A_685 = vector.extract_strided_slice %get3A_584 {offsets = [9], sizes = [1], strides = [1]} : vector<16xi32> to vector<1xi32>
      %squeeze3A_686 = vector.extract %slice3A_685[0] : i32 from vector<1xi32>
      %and3A_687 = arith.constant 127 : i32
      %and3A_688 = arith.andi %squeeze3A_686, %and3A_687 : i32
      %slice3A_689 = vector.extract_strided_slice %get3A_584 {offsets = [10], sizes = [1], strides = [1]} : vector<16xi32> to vector<1xi32>
      %squeeze3A_690 = vector.extract %slice3A_689[0] : i32 from vector<1xi32>
      %and3A_691 = arith.constant 127 : i32
      %and3A_692 = arith.andi %squeeze3A_690, %and3A_691 : i32
      %slice3A_693 = vector.extract_strided_slice %get3A_584 {offsets = [11], sizes = [1], strides = [1]} : vector<16xi32> to vector<1xi32>
      %squeeze3A_694 = vector.extract %slice3A_693[0] : i32 from vector<1xi32>
      %and3A_695 = arith.constant 127 : i32
      %and3A_696 = arith.andi %squeeze3A_694, %and3A_695 : i32
      %slice3A_697 = vector.extract_strided_slice %get3A_584 {offsets = [12], sizes = [1], strides = [1]} : vector<16xi32> to vector<1xi32>
      %squeeze3A_698 = vector.extract %slice3A_697[0] : i32 from vector<1xi32>
      %and3A_699 = arith.constant 127 : i32
      %and3A_700 = arith.andi %squeeze3A_698, %and3A_699 : i32
      %slice3A_701 = vector.extract_strided_slice %get3A_584 {offsets = [13], sizes = [1], strides = [1]} : vector<16xi32> to vector<1xi32>
      %squeeze3A_702 = vector.extract %slice3A_701[0] : i32 from vector<1xi32>
      %and3A_703 = arith.constant 127 : i32
      %and3A_704 = arith.andi %squeeze3A_702, %and3A_703 : i32
      %slice3A_705 = vector.extract_strided_slice %get3A_584 {offsets = [14], sizes = [1], strides = [1]} : vector<16xi32> to vector<1xi32>
      %squeeze3A_706 = vector.extract %slice3A_705[0] : i32 from vector<1xi32>
      %and3A_707 = arith.constant 127 : i32
      %and3A_708 = arith.andi %squeeze3A_706, %and3A_707 : i32
      %slice3A_709 = vector.extract_strided_slice %get3A_584 {offsets = [15], sizes = [1], strides = [1]} : vector<16xi32> to vector<1xi32>
      %squeeze3A_710 = vector.extract %slice3A_709[0] : i32 from vector<1xi32>
      %and3A_711 = arith.constant 127 : i32
      %and3A_712 = arith.andi %squeeze3A_710, %and3A_711 : i32
      %gt3A = arith.constant 0 : i32
      %gt3A_713 = arith.cmpi sgt, %add3A_450, %gt3A : i32
      %convert_element_type3A = arith.extui %gt3A_713 : i1 to i32
      %cond3A = arith.constant 0 : i32
      %cond3A_714 = arith.cmpi ne, %convert_element_type3A, %cond3A : i32
      scf.if %cond3A_714 {
        %add3A_1205 = arith.constant 8 : i32
        %add3A_1206 = arith.addi %max3A_582, %add3A_1205 : i32
        %mul3A_1207 = arith.constant 128 : i32
        %mul3A_1208 = arith.muli %shift_right_logical3A_620, %mul3A_1207 : i32
        %dma_wait3A_1209 = arith.constant 0 : i32
        %dma_wait3A_1210 = tpu.memref_slice %arg2[%dma_wait3A_1209, %mul3A_1208] : memref<64x1000000xf32, #tpu.memory_space<hbm>> -> memref<64x128xf32, #tpu.memory_space<hbm>>
        %dma_wait3A_1211 = arith.constant 0 : i32
        %dma_wait3A_1212 = tpu.memref_slice %arg2[%dma_wait3A_1211, %mul3A_1208] : memref<64x1000000xf32, #tpu.memory_space<hbm>> -> memref<64x128xf32, #tpu.memory_space<hbm>>
        tpu.wait_dma2 semaphore(%arg15 : memref<!tpu.dma_semaphore, #tpu.memory_space<semaphore_mem>>) src(%dma_wait3A_1212 : memref<64x128xf32, #tpu.memory_space<hbm>>) dst(%arg6 : memref<64x128xf32, #tpu.memory_space<vmem>>)
        %broadcast_in_dim3A_1213 = vector.broadcast %and3A_684 : i32 to vector<16xi32>
        %add3A_1214 = arith.constant 0 : i32
        %add3A_1215 = vector.broadcast %add3A_1214 : i32 to vector<16xi32>
        %add3A_1216 = arith.addi %iota3A, %add3A_1215 : vector<16xi32>
        %gather3A_1217 = tpu.vector_load_idx %arg6[%add3A_1216, %broadcast_in_dim3A_1213] : memref<64x128xf32, #tpu.memory_space<vmem>>[vector<16xi32>, vector<16xi32>], vector<16xf32>,
        %mul3A_1218 = arith.constant 512 : i32
        %mul3A_1219 = vector.broadcast %mul3A_1218 : i32 to vector<16xi32>
        %mul3A_1220 = arith.muli %add3A_1216, %mul3A_1219 : vector<16xi32>
        %add3A_1221 = vector.broadcast %add3A_1206 : i32 to vector<16xi32>
        %add3A_1222 = arith.addi %mul3A_1220, %add3A_1221 : vector<16xi32>
        tpu.vector_store_idx %arg14[%add3A_1222], %gather3A_1217 : memref<32768xf32, #tpu.memory_space<vmem>>[vector<16xi32>], vector<16xf32>,
        %add3A_1223 = arith.constant 16 : i32
        %add3A_1224 = vector.broadcast %add3A_1223 : i32 to vector<16xi32>
        %add3A_1225 = arith.addi %iota3A, %add3A_1224 : vector<16xi32>
        %gather3A_1226 = tpu.vector_load_idx %arg6[%add3A_1225, %broadcast_in_dim3A_1213] : memref<64x128xf32, #tpu.memory_space<vmem>>[vector<16xi32>, vector<16xi32>], vector<16xf32>,
        %mul3A_1227 = arith.constant 512 : i32
        %mul3A_1228 = vector.broadcast %mul3A_1227 : i32 to vector<16xi32>
        %mul3A_1229 = arith.muli %add3A_1225, %mul3A_1228 : vector<16xi32>
        %add3A_1230 = vector.broadcast %add3A_1206 : i32 to vector<16xi32>
        %add3A_1231 = arith.addi %mul3A_1229, %add3A_1230 : vector<16xi32>
        tpu.vector_store_idx %arg14[%add3A_1231], %gather3A_1226 : memref<32768xf32, #tpu.memory_space<vmem>>[vector<16xi32>], vector<16xf32>,
        %add3A_1232 = arith.constant 32 : i32
        %add3A_1233 = vector.broadcast %add3A_1232 : i32 to vector<16xi32>
        %add3A_1234 = arith.addi %iota3A, %add3A_1233 : vector<16xi32>
        %gather3A_1235 = tpu.vector_load_idx %arg6[%add3A_1234, %broadcast_in_dim3A_1213] : memref<64x128xf32, #tpu.memory_space<vmem>>[vector<16xi32>, vector<16xi32>], vector<16xf32>,
        %mul3A_1236 = arith.constant 512 : i32
        %mul3A_1237 = vector.broadcast %mul3A_1236 : i32 to vector<16xi32>
        %mul3A_1238 = arith.muli %add3A_1234, %mul3A_1237 : vector<16xi32>
        %add3A_1239 = vector.broadcast %add3A_1206 : i32 to vector<16xi32>
        %add3A_1240 = arith.addi %mul3A_1238, %add3A_1239 : vector<16xi32>
        tpu.vector_store_idx %arg14[%add3A_1240], %gather3A_1235 : memref<32768xf32, #tpu.memory_space<vmem>>[vector<16xi32>], vector<16xf32>,
        %add3A_1241 = arith.constant 48 : i32
        %add3A_1242 = vector.broadcast %add3A_1241 : i32 to vector<16xi32>
        %add3A_1243 = arith.addi %iota3A, %add3A_1242 : vector<16xi32>
        %gather3A_1244 = tpu.vector_load_idx %arg6[%add3A_1243, %broadcast_in_dim3A_1213] : memref<64x128xf32, #tpu.memory_space<vmem>>[vector<16xi32>, vector<16xi32>], vector<16xf32>,
        %mul3A_1245 = arith.constant 512 : i32
        %mul3A_1246 = vector.broadcast %mul3A_1245 : i32 to vector<16xi32>
        %mul3A_1247 = arith.muli %add3A_1243, %mul3A_1246 : vector<16xi32>
        %add3A_1248 = vector.broadcast %add3A_1206 : i32 to vector<16xi32>
        %add3A_1249 = arith.addi %mul3A_1247, %add3A_1248 : vector<16xi32>
        tpu.vector_store_idx %arg14[%add3A_1249], %gather3A_1244 : memref<32768xf32, #tpu.memory_space<vmem>>[vector<16xi32>], vector<16xf32>,
      } else {
      }
      %mul3A_715 = arith.constant 128 : i32
      %mul3A_716 = arith.muli %shift_right_logical3A_456, %mul3A_715 : i32
      %dma_start3A = arith.constant 0 : i32
      %dma_start3A_717 = tpu.memref_slice %arg2[%dma_start3A, %mul3A_716] : memref<64x1000000xf32, #tpu.memory_space<hbm>> -> memref<64x128xf32, #tpu.memory_space<hbm>>
      %dma_start3A_718 = arith.constant 0 : i32
      %dma_start3A_719 = tpu.memref_slice %arg2[%dma_start3A_718, %mul3A_716] : memref<64x1000000xf32, #tpu.memory_space<hbm>> -> memref<64x128xf32, #tpu.memory_space<hbm>>
      tpu.enqueue_dma source(%dma_start3A_719 : memref<64x128xf32, #tpu.memory_space<hbm>>) target(%arg6 : memref<64x128xf32, #tpu.memory_space<vmem>>) target_semaphore(%arg15 : memref<!tpu.dma_semaphore, #tpu.memory_space<semaphore_mem>>)
      %gt3A_720 = arith.constant 0 : i32
      %gt3A_721 = arith.cmpi sgt, %add3A_450, %gt3A_720 : i32
      %convert_element_type3A_722 = arith.extui %gt3A_721 : i1 to i32
      %cond3A_723 = arith.constant 0 : i32
      %cond3A_724 = arith.cmpi ne, %convert_element_type3A_722, %cond3A_723 : i32
      scf.if %cond3A_724 {
        %add3A_1205 = arith.constant 9 : i32
        %add3A_1206 = arith.addi %max3A_582, %add3A_1205 : i32
        %mul3A_1207 = arith.constant 128 : i32
        %mul3A_1208 = arith.muli %shift_right_logical3A_624, %mul3A_1207 : i32
        %dma_wait3A_1209 = arith.constant 0 : i32
        %dma_wait3A_1210 = tpu.memref_slice %arg2[%dma_wait3A_1209, %mul3A_1208] : memref<64x1000000xf32, #tpu.memory_space<hbm>> -> memref<64x128xf32, #tpu.memory_space<hbm>>
        %dma_wait3A_1211 = arith.constant 0 : i32
        %dma_wait3A_1212 = tpu.memref_slice %arg2[%dma_wait3A_1211, %mul3A_1208] : memref<64x1000000xf32, #tpu.memory_space<hbm>> -> memref<64x128xf32, #tpu.memory_space<hbm>>
        tpu.wait_dma2 semaphore(%arg16 : memref<!tpu.dma_semaphore, #tpu.memory_space<semaphore_mem>>) src(%dma_wait3A_1212 : memref<64x128xf32, #tpu.memory_space<hbm>>) dst(%arg7 : memref<64x128xf32, #tpu.memory_space<vmem>>)
        %broadcast_in_dim3A_1213 = vector.broadcast %and3A_688 : i32 to vector<16xi32>
        %add3A_1214 = arith.constant 0 : i32
        %add3A_1215 = vector.broadcast %add3A_1214 : i32 to vector<16xi32>
        %add3A_1216 = arith.addi %iota3A, %add3A_1215 : vector<16xi32>
        %gather3A_1217 = tpu.vector_load_idx %arg7[%add3A_1216, %broadcast_in_dim3A_1213] : memref<64x128xf32, #tpu.memory_space<vmem>>[vector<16xi32>, vector<16xi32>], vector<16xf32>,
        %mul3A_1218 = arith.constant 512 : i32
        %mul3A_1219 = vector.broadcast %mul3A_1218 : i32 to vector<16xi32>
        %mul3A_1220 = arith.muli %add3A_1216, %mul3A_1219 : vector<16xi32>
        %add3A_1221 = vector.broadcast %add3A_1206 : i32 to vector<16xi32>
        %add3A_1222 = arith.addi %mul3A_1220, %add3A_1221 : vector<16xi32>
        tpu.vector_store_idx %arg14[%add3A_1222], %gather3A_1217 : memref<32768xf32, #tpu.memory_space<vmem>>[vector<16xi32>], vector<16xf32>,
        %add3A_1223 = arith.constant 16 : i32
        %add3A_1224 = vector.broadcast %add3A_1223 : i32 to vector<16xi32>
        %add3A_1225 = arith.addi %iota3A, %add3A_1224 : vector<16xi32>
        %gather3A_1226 = tpu.vector_load_idx %arg7[%add3A_1225, %broadcast_in_dim3A_1213] : memref<64x128xf32, #tpu.memory_space<vmem>>[vector<16xi32>, vector<16xi32>], vector<16xf32>,
        %mul3A_1227 = arith.constant 512 : i32
        %mul3A_1228 = vector.broadcast %mul3A_1227 : i32 to vector<16xi32>
        %mul3A_1229 = arith.muli %add3A_1225, %mul3A_1228 : vector<16xi32>
        %add3A_1230 = vector.broadcast %add3A_1206 : i32 to vector<16xi32>
        %add3A_1231 = arith.addi %mul3A_1229, %add3A_1230 : vector<16xi32>
        tpu.vector_store_idx %arg14[%add3A_1231], %gather3A_1226 : memref<32768xf32, #tpu.memory_space<vmem>>[vector<16xi32>], vector<16xf32>,
        %add3A_1232 = arith.constant 32 : i32
        %add3A_1233 = vector.broadcast %add3A_1232 : i32 to vector<16xi32>
        %add3A_1234 = arith.addi %iota3A, %add3A_1233 : vector<16xi32>
        %gather3A_1235 = tpu.vector_load_idx %arg7[%add3A_1234, %broadcast_in_dim3A_1213] : memref<64x128xf32, #tpu.memory_space<vmem>>[vector<16xi32>, vector<16xi32>], vector<16xf32>,
        %mul3A_1236 = arith.constant 512 : i32
        %mul3A_1237 = vector.broadcast %mul3A_1236 : i32 to vector<16xi32>
        %mul3A_1238 = arith.muli %add3A_1234, %mul3A_1237 : vector<16xi32>
        %add3A_1239 = vector.broadcast %add3A_1206 : i32 to vector<16xi32>
        %add3A_1240 = arith.addi %mul3A_1238, %add3A_1239 : vector<16xi32>
        tpu.vector_store_idx %arg14[%add3A_1240], %gather3A_1235 : memref<32768xf32, #tpu.memory_space<vmem>>[vector<16xi32>], vector<16xf32>,
        %add3A_1241 = arith.constant 48 : i32
        %add3A_1242 = vector.broadcast %add3A_1241 : i32 to vector<16xi32>
        %add3A_1243 = arith.addi %iota3A, %add3A_1242 : vector<16xi32>
        %gather3A_1244 = tpu.vector_load_idx %arg7[%add3A_1243, %broadcast_in_dim3A_1213] : memref<64x128xf32, #tpu.memory_space<vmem>>[vector<16xi32>, vector<16xi32>], vector<16xf32>,
        %mul3A_1245 = arith.constant 512 : i32
        %mul3A_1246 = vector.broadcast %mul3A_1245 : i32 to vector<16xi32>
        %mul3A_1247 = arith.muli %add3A_1243, %mul3A_1246 : vector<16xi32>
        %add3A_1248 = vector.broadcast %add3A_1206 : i32 to vector<16xi32>
        %add3A_1249 = arith.addi %mul3A_1247, %add3A_1248 : vector<16xi32>
        tpu.vector_store_idx %arg14[%add3A_1249], %gather3A_1244 : memref<32768xf32, #tpu.memory_space<vmem>>[vector<16xi32>], vector<16xf32>,
      } else {
      }
      %mul3A_725 = arith.constant 128 : i32
      %mul3A_726 = arith.muli %shift_right_logical3A_460, %mul3A_725 : i32
      %dma_start3A_727 = arith.constant 0 : i32
      %dma_start3A_728 = tpu.memref_slice %arg2[%dma_start3A_727, %mul3A_726] : memref<64x1000000xf32, #tpu.memory_space<hbm>> -> memref<64x128xf32, #tpu.memory_space<hbm>>
      %dma_start3A_729 = arith.constant 0 : i32
      %dma_start3A_730 = tpu.memref_slice %arg2[%dma_start3A_729, %mul3A_726] : memref<64x1000000xf32, #tpu.memory_space<hbm>> -> memref<64x128xf32, #tpu.memory_space<hbm>>
      tpu.enqueue_dma source(%dma_start3A_730 : memref<64x128xf32, #tpu.memory_space<hbm>>) target(%arg7 : memref<64x128xf32, #tpu.memory_space<vmem>>) target_semaphore(%arg16 : memref<!tpu.dma_semaphore, #tpu.memory_space<semaphore_mem>>)
      %gt3A_731 = arith.constant 0 : i32
      %gt3A_732 = arith.cmpi sgt, %add3A_450, %gt3A_731 : i32
      %convert_element_type3A_733 = arith.extui %gt3A_732 : i1 to i32
      %cond3A_734 = arith.constant 0 : i32
      %cond3A_735 = arith.cmpi ne, %convert_element_type3A_733, %cond3A_734 : i32
      scf.if %cond3A_735 {
        %add3A_1205 = arith.constant 10 : i32
        %add3A_1206 = arith.addi %max3A_582, %add3A_1205 : i32
        %mul3A_1207 = arith.constant 128 : i32
        %mul3A_1208 = arith.muli %shift_right_logical3A_628, %mul3A_1207 : i32
        %dma_wait3A_1209 = arith.constant 0 : i32
        %dma_wait3A_1210 = tpu.memref_slice %arg2[%dma_wait3A_1209, %mul3A_1208] : memref<64x1000000xf32, #tpu.memory_space<hbm>> -> memref<64x128xf32, #tpu.memory_space<hbm>>
        %dma_wait3A_1211 = arith.constant 0 : i32
        %dma_wait3A_1212 = tpu.memref_slice %arg2[%dma_wait3A_1211, %mul3A_1208] : memref<64x1000000xf32, #tpu.memory_space<hbm>> -> memref<64x128xf32, #tpu.memory_space<hbm>>
        tpu.wait_dma2 semaphore(%arg17 : memref<!tpu.dma_semaphore, #tpu.memory_space<semaphore_mem>>) src(%dma_wait3A_1212 : memref<64x128xf32, #tpu.memory_space<hbm>>) dst(%arg8 : memref<64x128xf32, #tpu.memory_space<vmem>>)
        %broadcast_in_dim3A_1213 = vector.broadcast %and3A_692 : i32 to vector<16xi32>
        %add3A_1214 = arith.constant 0 : i32
        %add3A_1215 = vector.broadcast %add3A_1214 : i32 to vector<16xi32>
        %add3A_1216 = arith.addi %iota3A, %add3A_1215 : vector<16xi32>
        %gather3A_1217 = tpu.vector_load_idx %arg8[%add3A_1216, %broadcast_in_dim3A_1213] : memref<64x128xf32, #tpu.memory_space<vmem>>[vector<16xi32>, vector<16xi32>], vector<16xf32>,
        %mul3A_1218 = arith.constant 512 : i32
        %mul3A_1219 = vector.broadcast %mul3A_1218 : i32 to vector<16xi32>
        %mul3A_1220 = arith.muli %add3A_1216, %mul3A_1219 : vector<16xi32>
        %add3A_1221 = vector.broadcast %add3A_1206 : i32 to vector<16xi32>
        %add3A_1222 = arith.addi %mul3A_1220, %add3A_1221 : vector<16xi32>
        tpu.vector_store_idx %arg14[%add3A_1222], %gather3A_1217 : memref<32768xf32, #tpu.memory_space<vmem>>[vector<16xi32>], vector<16xf32>,
        %add3A_1223 = arith.constant 16 : i32
        %add3A_1224 = vector.broadcast %add3A_1223 : i32 to vector<16xi32>
        %add3A_1225 = arith.addi %iota3A, %add3A_1224 : vector<16xi32>
        %gather3A_1226 = tpu.vector_load_idx %arg8[%add3A_1225, %broadcast_in_dim3A_1213] : memref<64x128xf32, #tpu.memory_space<vmem>>[vector<16xi32>, vector<16xi32>], vector<16xf32>,
        %mul3A_1227 = arith.constant 512 : i32
        %mul3A_1228 = vector.broadcast %mul3A_1227 : i32 to vector<16xi32>
        %mul3A_1229 = arith.muli %add3A_1225, %mul3A_1228 : vector<16xi32>
        %add3A_1230 = vector.broadcast %add3A_1206 : i32 to vector<16xi32>
        %add3A_1231 = arith.addi %mul3A_1229, %add3A_1230 : vector<16xi32>
        tpu.vector_store_idx %arg14[%add3A_1231], %gather3A_1226 : memref<32768xf32, #tpu.memory_space<vmem>>[vector<16xi32>], vector<16xf32>,
        %add3A_1232 = arith.constant 32 : i32
        %add3A_1233 = vector.broadcast %add3A_1232 : i32 to vector<16xi32>
        %add3A_1234 = arith.addi %iota3A, %add3A_1233 : vector<16xi32>
        %gather3A_1235 = tpu.vector_load_idx %arg8[%add3A_1234, %broadcast_in_dim3A_1213] : memref<64x128xf32, #tpu.memory_space<vmem>>[vector<16xi32>, vector<16xi32>], vector<16xf32>,
        %mul3A_1236 = arith.constant 512 : i32
        %mul3A_1237 = vector.broadcast %mul3A_1236 : i32 to vector<16xi32>
        %mul3A_1238 = arith.muli %add3A_1234, %mul3A_1237 : vector<16xi32>
        %add3A_1239 = vector.broadcast %add3A_1206 : i32 to vector<16xi32>
        %add3A_1240 = arith.addi %mul3A_1238, %add3A_1239 : vector<16xi32>
        tpu.vector_store_idx %arg14[%add3A_1240], %gather3A_1235 : memref<32768xf32, #tpu.memory_space<vmem>>[vector<16xi32>], vector<16xf32>,
        %add3A_1241 = arith.constant 48 : i32
        %add3A_1242 = vector.broadcast %add3A_1241 : i32 to vector<16xi32>
        %add3A_1243 = arith.addi %iota3A, %add3A_1242 : vector<16xi32>
        %gather3A_1244 = tpu.vector_load_idx %arg8[%add3A_1243, %broadcast_in_dim3A_1213] : memref<64x128xf32, #tpu.memory_space<vmem>>[vector<16xi32>, vector<16xi32>], vector<16xf32>,
        %mul3A_1245 = arith.constant 512 : i32
        %mul3A_1246 = vector.broadcast %mul3A_1245 : i32 to vector<16xi32>
        %mul3A_1247 = arith.muli %add3A_1243, %mul3A_1246 : vector<16xi32>
        %add3A_1248 = vector.broadcast %add3A_1206 : i32 to vector<16xi32>
        %add3A_1249 = arith.addi %mul3A_1247, %add3A_1248 : vector<16xi32>
        tpu.vector_store_idx %arg14[%add3A_1249], %gather3A_1244 : memref<32768xf32, #tpu.memory_space<vmem>>[vector<16xi32>], vector<16xf32>,
      } else {
      }
      %mul3A_736 = arith.constant 128 : i32
      %mul3A_737 = arith.muli %shift_right_logical3A_464, %mul3A_736 : i32
      %dma_start3A_738 = arith.constant 0 : i32
      %dma_start3A_739 = tpu.memref_slice %arg2[%dma_start3A_738, %mul3A_737] : memref<64x1000000xf32, #tpu.memory_space<hbm>> -> memref<64x128xf32, #tpu.memory_space<hbm>>
      %dma_start3A_740 = arith.constant 0 : i32
      %dma_start3A_741 = tpu.memref_slice %arg2[%dma_start3A_740, %mul3A_737] : memref<64x1000000xf32, #tpu.memory_space<hbm>> -> memref<64x128xf32, #tpu.memory_space<hbm>>
      tpu.enqueue_dma source(%dma_start3A_741 : memref<64x128xf32, #tpu.memory_space<hbm>>) target(%arg8 : memref<64x128xf32, #tpu.memory_space<vmem>>) target_semaphore(%arg17 : memref<!tpu.dma_semaphore, #tpu.memory_space<semaphore_mem>>)
      %gt3A_742 = arith.constant 0 : i32
      %gt3A_743 = arith.cmpi sgt, %add3A_450, %gt3A_742 : i32
      %convert_element_type3A_744 = arith.extui %gt3A_743 : i1 to i32
      %cond3A_745 = arith.constant 0 : i32
      %cond3A_746 = arith.cmpi ne, %convert_element_type3A_744, %cond3A_745 : i32
      scf.if %cond3A_746 {
        %add3A_1205 = arith.constant 11 : i32
        %add3A_1206 = arith.addi %max3A_582, %add3A_1205 : i32
        %mul3A_1207 = arith.constant 128 : i32
        %mul3A_1208 = arith.muli %shift_right_logical3A_632, %mul3A_1207 : i32
        %dma_wait3A_1209 = arith.constant 0 : i32
        %dma_wait3A_1210 = tpu.memref_slice %arg2[%dma_wait3A_1209, %mul3A_1208] : memref<64x1000000xf32, #tpu.memory_space<hbm>> -> memref<64x128xf32, #tpu.memory_space<hbm>>
        %dma_wait3A_1211 = arith.constant 0 : i32
        %dma_wait3A_1212 = tpu.memref_slice %arg2[%dma_wait3A_1211, %mul3A_1208] : memref<64x1000000xf32, #tpu.memory_space<hbm>> -> memref<64x128xf32, #tpu.memory_space<hbm>>
        tpu.wait_dma2 semaphore(%arg18 : memref<!tpu.dma_semaphore, #tpu.memory_space<semaphore_mem>>) src(%dma_wait3A_1212 : memref<64x128xf32, #tpu.memory_space<hbm>>) dst(%arg9 : memref<64x128xf32, #tpu.memory_space<vmem>>)
        %broadcast_in_dim3A_1213 = vector.broadcast %and3A_696 : i32 to vector<16xi32>
        %add3A_1214 = arith.constant 0 : i32
        %add3A_1215 = vector.broadcast %add3A_1214 : i32 to vector<16xi32>
        %add3A_1216 = arith.addi %iota3A, %add3A_1215 : vector<16xi32>
        %gather3A_1217 = tpu.vector_load_idx %arg9[%add3A_1216, %broadcast_in_dim3A_1213] : memref<64x128xf32, #tpu.memory_space<vmem>>[vector<16xi32>, vector<16xi32>], vector<16xf32>,
        %mul3A_1218 = arith.constant 512 : i32
        %mul3A_1219 = vector.broadcast %mul3A_1218 : i32 to vector<16xi32>
        %mul3A_1220 = arith.muli %add3A_1216, %mul3A_1219 : vector<16xi32>
        %add3A_1221 = vector.broadcast %add3A_1206 : i32 to vector<16xi32>
        %add3A_1222 = arith.addi %mul3A_1220, %add3A_1221 : vector<16xi32>
        tpu.vector_store_idx %arg14[%add3A_1222], %gather3A_1217 : memref<32768xf32, #tpu.memory_space<vmem>>[vector<16xi32>], vector<16xf32>,
        %add3A_1223 = arith.constant 16 : i32
        %add3A_1224 = vector.broadcast %add3A_1223 : i32 to vector<16xi32>
        %add3A_1225 = arith.addi %iota3A, %add3A_1224 : vector<16xi32>
        %gather3A_1226 = tpu.vector_load_idx %arg9[%add3A_1225, %broadcast_in_dim3A_1213] : memref<64x128xf32, #tpu.memory_space<vmem>>[vector<16xi32>, vector<16xi32>], vector<16xf32>,
        %mul3A_1227 = arith.constant 512 : i32
        %mul3A_1228 = vector.broadcast %mul3A_1227 : i32 to vector<16xi32>
        %mul3A_1229 = arith.muli %add3A_1225, %mul3A_1228 : vector<16xi32>
        %add3A_1230 = vector.broadcast %add3A_1206 : i32 to vector<16xi32>
        %add3A_1231 = arith.addi %mul3A_1229, %add3A_1230 : vector<16xi32>
        tpu.vector_store_idx %arg14[%add3A_1231], %gather3A_1226 : memref<32768xf32, #tpu.memory_space<vmem>>[vector<16xi32>], vector<16xf32>,
        %add3A_1232 = arith.constant 32 : i32
        %add3A_1233 = vector.broadcast %add3A_1232 : i32 to vector<16xi32>
        %add3A_1234 = arith.addi %iota3A, %add3A_1233 : vector<16xi32>
        %gather3A_1235 = tpu.vector_load_idx %arg9[%add3A_1234, %broadcast_in_dim3A_1213] : memref<64x128xf32, #tpu.memory_space<vmem>>[vector<16xi32>, vector<16xi32>], vector<16xf32>,
        %mul3A_1236 = arith.constant 512 : i32
        %mul3A_1237 = vector.broadcast %mul3A_1236 : i32 to vector<16xi32>
        %mul3A_1238 = arith.muli %add3A_1234, %mul3A_1237 : vector<16xi32>
        %add3A_1239 = vector.broadcast %add3A_1206 : i32 to vector<16xi32>
        %add3A_1240 = arith.addi %mul3A_1238, %add3A_1239 : vector<16xi32>
        tpu.vector_store_idx %arg14[%add3A_1240], %gather3A_1235 : memref<32768xf32, #tpu.memory_space<vmem>>[vector<16xi32>], vector<16xf32>,
        %add3A_1241 = arith.constant 48 : i32
        %add3A_1242 = vector.broadcast %add3A_1241 : i32 to vector<16xi32>
        %add3A_1243 = arith.addi %iota3A, %add3A_1242 : vector<16xi32>
        %gather3A_1244 = tpu.vector_load_idx %arg9[%add3A_1243, %broadcast_in_dim3A_1213] : memref<64x128xf32, #tpu.memory_space<vmem>>[vector<16xi32>, vector<16xi32>], vector<16xf32>,
        %mul3A_1245 = arith.constant 512 : i32
        %mul3A_1246 = vector.broadcast %mul3A_1245 : i32 to vector<16xi32>
        %mul3A_1247 = arith.muli %add3A_1243, %mul3A_1246 : vector<16xi32>
        %add3A_1248 = vector.broadcast %add3A_1206 : i32 to vector<16xi32>
        %add3A_1249 = arith.addi %mul3A_1247, %add3A_1248 : vector<16xi32>
        tpu.vector_store_idx %arg14[%add3A_1249], %gather3A_1244 : memref<32768xf32, #tpu.memory_space<vmem>>[vector<16xi32>], vector<16xf32>,
      } else {
      }
      %mul3A_747 = arith.constant 128 : i32
      %mul3A_748 = arith.muli %shift_right_logical3A_468, %mul3A_747 : i32
      %dma_start3A_749 = arith.constant 0 : i32
      %dma_start3A_750 = tpu.memref_slice %arg2[%dma_start3A_749, %mul3A_748] : memref<64x1000000xf32, #tpu.memory_space<hbm>> -> memref<64x128xf32, #tpu.memory_space<hbm>>
      %dma_start3A_751 = arith.constant 0 : i32
      %dma_start3A_752 = tpu.memref_slice %arg2[%dma_start3A_751, %mul3A_748] : memref<64x1000000xf32, #tpu.memory_space<hbm>> -> memref<64x128xf32, #tpu.memory_space<hbm>>
      tpu.enqueue_dma source(%dma_start3A_752 : memref<64x128xf32, #tpu.memory_space<hbm>>) target(%arg9 : memref<64x128xf32, #tpu.memory_space<vmem>>) target_semaphore(%arg18 : memref<!tpu.dma_semaphore, #tpu.memory_space<semaphore_mem>>)
      %gt3A_753 = arith.constant 0 : i32
      %gt3A_754 = arith.cmpi sgt, %add3A_450, %gt3A_753 : i32
      %convert_element_type3A_755 = arith.extui %gt3A_754 : i1 to i32
      %cond3A_756 = arith.constant 0 : i32
      %cond3A_757 = arith.cmpi ne, %convert_element_type3A_755, %cond3A_756 : i32
      scf.if %cond3A_757 {
        %add3A_1205 = arith.constant 12 : i32
        %add3A_1206 = arith.addi %max3A_582, %add3A_1205 : i32
        %mul3A_1207 = arith.constant 128 : i32
        %mul3A_1208 = arith.muli %shift_right_logical3A_636, %mul3A_1207 : i32
        %dma_wait3A_1209 = arith.constant 0 : i32
        %dma_wait3A_1210 = tpu.memref_slice %arg2[%dma_wait3A_1209, %mul3A_1208] : memref<64x1000000xf32, #tpu.memory_space<hbm>> -> memref<64x128xf32, #tpu.memory_space<hbm>>
        %dma_wait3A_1211 = arith.constant 0 : i32
        %dma_wait3A_1212 = tpu.memref_slice %arg2[%dma_wait3A_1211, %mul3A_1208] : memref<64x1000000xf32, #tpu.memory_space<hbm>> -> memref<64x128xf32, #tpu.memory_space<hbm>>
        tpu.wait_dma2 semaphore(%arg19 : memref<!tpu.dma_semaphore, #tpu.memory_space<semaphore_mem>>) src(%dma_wait3A_1212 : memref<64x128xf32, #tpu.memory_space<hbm>>) dst(%arg10 : memref<64x128xf32, #tpu.memory_space<vmem>>)
        %broadcast_in_dim3A_1213 = vector.broadcast %and3A_700 : i32 to vector<16xi32>
        %add3A_1214 = arith.constant 0 : i32
        %add3A_1215 = vector.broadcast %add3A_1214 : i32 to vector<16xi32>
        %add3A_1216 = arith.addi %iota3A, %add3A_1215 : vector<16xi32>
        %gather3A_1217 = tpu.vector_load_idx %arg10[%add3A_1216, %broadcast_in_dim3A_1213] : memref<64x128xf32, #tpu.memory_space<vmem>>[vector<16xi32>, vector<16xi32>], vector<16xf32>,
        %mul3A_1218 = arith.constant 512 : i32
        %mul3A_1219 = vector.broadcast %mul3A_1218 : i32 to vector<16xi32>
        %mul3A_1220 = arith.muli %add3A_1216, %mul3A_1219 : vector<16xi32>
        %add3A_1221 = vector.broadcast %add3A_1206 : i32 to vector<16xi32>
        %add3A_1222 = arith.addi %mul3A_1220, %add3A_1221 : vector<16xi32>
        tpu.vector_store_idx %arg14[%add3A_1222], %gather3A_1217 : memref<32768xf32, #tpu.memory_space<vmem>>[vector<16xi32>], vector<16xf32>,
        %add3A_1223 = arith.constant 16 : i32
        %add3A_1224 = vector.broadcast %add3A_1223 : i32 to vector<16xi32>
        %add3A_1225 = arith.addi %iota3A, %add3A_1224 : vector<16xi32>
        %gather3A_1226 = tpu.vector_load_idx %arg10[%add3A_1225, %broadcast_in_dim3A_1213] : memref<64x128xf32, #tpu.memory_space<vmem>>[vector<16xi32>, vector<16xi32>], vector<16xf32>,
        %mul3A_1227 = arith.constant 512 : i32
        %mul3A_1228 = vector.broadcast %mul3A_1227 : i32 to vector<16xi32>
        %mul3A_1229 = arith.muli %add3A_1225, %mul3A_1228 : vector<16xi32>
        %add3A_1230 = vector.broadcast %add3A_1206 : i32 to vector<16xi32>
        %add3A_1231 = arith.addi %mul3A_1229, %add3A_1230 : vector<16xi32>
        tpu.vector_store_idx %arg14[%add3A_1231], %gather3A_1226 : memref<32768xf32, #tpu.memory_space<vmem>>[vector<16xi32>], vector<16xf32>,
        %add3A_1232 = arith.constant 32 : i32
        %add3A_1233 = vector.broadcast %add3A_1232 : i32 to vector<16xi32>
        %add3A_1234 = arith.addi %iota3A, %add3A_1233 : vector<16xi32>
        %gather3A_1235 = tpu.vector_load_idx %arg10[%add3A_1234, %broadcast_in_dim3A_1213] : memref<64x128xf32, #tpu.memory_space<vmem>>[vector<16xi32>, vector<16xi32>], vector<16xf32>,
        %mul3A_1236 = arith.constant 512 : i32
        %mul3A_1237 = vector.broadcast %mul3A_1236 : i32 to vector<16xi32>
        %mul3A_1238 = arith.muli %add3A_1234, %mul3A_1237 : vector<16xi32>
        %add3A_1239 = vector.broadcast %add3A_1206 : i32 to vector<16xi32>
        %add3A_1240 = arith.addi %mul3A_1238, %add3A_1239 : vector<16xi32>
        tpu.vector_store_idx %arg14[%add3A_1240], %gather3A_1235 : memref<32768xf32, #tpu.memory_space<vmem>>[vector<16xi32>], vector<16xf32>,
        %add3A_1241 = arith.constant 48 : i32
        %add3A_1242 = vector.broadcast %add3A_1241 : i32 to vector<16xi32>
        %add3A_1243 = arith.addi %iota3A, %add3A_1242 : vector<16xi32>
        %gather3A_1244 = tpu.vector_load_idx %arg10[%add3A_1243, %broadcast_in_dim3A_1213] : memref<64x128xf32, #tpu.memory_space<vmem>>[vector<16xi32>, vector<16xi32>], vector<16xf32>,
        %mul3A_1245 = arith.constant 512 : i32
        %mul3A_1246 = vector.broadcast %mul3A_1245 : i32 to vector<16xi32>
        %mul3A_1247 = arith.muli %add3A_1243, %mul3A_1246 : vector<16xi32>
        %add3A_1248 = vector.broadcast %add3A_1206 : i32 to vector<16xi32>
        %add3A_1249 = arith.addi %mul3A_1247, %add3A_1248 : vector<16xi32>
        tpu.vector_store_idx %arg14[%add3A_1249], %gather3A_1244 : memref<32768xf32, #tpu.memory_space<vmem>>[vector<16xi32>], vector<16xf32>,
      } else {
      }
      %mul3A_758 = arith.constant 128 : i32
      %mul3A_759 = arith.muli %shift_right_logical3A_472, %mul3A_758 : i32
      %dma_start3A_760 = arith.constant 0 : i32
      %dma_start3A_761 = tpu.memref_slice %arg2[%dma_start3A_760, %mul3A_759] : memref<64x1000000xf32, #tpu.memory_space<hbm>> -> memref<64x128xf32, #tpu.memory_space<hbm>>
      %dma_start3A_762 = arith.constant 0 : i32
      %dma_start3A_763 = tpu.memref_slice %arg2[%dma_start3A_762, %mul3A_759] : memref<64x1000000xf32, #tpu.memory_space<hbm>> -> memref<64x128xf32, #tpu.memory_space<hbm>>
      tpu.enqueue_dma source(%dma_start3A_763 : memref<64x128xf32, #tpu.memory_space<hbm>>) target(%arg10 : memref<64x128xf32, #tpu.memory_space<vmem>>) target_semaphore(%arg19 : memref<!tpu.dma_semaphore, #tpu.memory_space<semaphore_mem>>)
      %gt3A_764 = arith.constant 0 : i32
      %gt3A_765 = arith.cmpi sgt, %add3A_450, %gt3A_764 : i32
      %convert_element_type3A_766 = arith.extui %gt3A_765 : i1 to i32
      %cond3A_767 = arith.constant 0 : i32
      %cond3A_768 = arith.cmpi ne, %convert_element_type3A_766, %cond3A_767 : i32
      scf.if %cond3A_768 {
        %add3A_1205 = arith.constant 13 : i32
        %add3A_1206 = arith.addi %max3A_582, %add3A_1205 : i32
        %mul3A_1207 = arith.constant 128 : i32
        %mul3A_1208 = arith.muli %shift_right_logical3A_640, %mul3A_1207 : i32
        %dma_wait3A_1209 = arith.constant 0 : i32
        %dma_wait3A_1210 = tpu.memref_slice %arg2[%dma_wait3A_1209, %mul3A_1208] : memref<64x1000000xf32, #tpu.memory_space<hbm>> -> memref<64x128xf32, #tpu.memory_space<hbm>>
        %dma_wait3A_1211 = arith.constant 0 : i32
        %dma_wait3A_1212 = tpu.memref_slice %arg2[%dma_wait3A_1211, %mul3A_1208] : memref<64x1000000xf32, #tpu.memory_space<hbm>> -> memref<64x128xf32, #tpu.memory_space<hbm>>
        tpu.wait_dma2 semaphore(%arg20 : memref<!tpu.dma_semaphore, #tpu.memory_space<semaphore_mem>>) src(%dma_wait3A_1212 : memref<64x128xf32, #tpu.memory_space<hbm>>) dst(%arg11 : memref<64x128xf32, #tpu.memory_space<vmem>>)
        %broadcast_in_dim3A_1213 = vector.broadcast %and3A_704 : i32 to vector<16xi32>
        %add3A_1214 = arith.constant 0 : i32
        %add3A_1215 = vector.broadcast %add3A_1214 : i32 to vector<16xi32>
        %add3A_1216 = arith.addi %iota3A, %add3A_1215 : vector<16xi32>
        %gather3A_1217 = tpu.vector_load_idx %arg11[%add3A_1216, %broadcast_in_dim3A_1213] : memref<64x128xf32, #tpu.memory_space<vmem>>[vector<16xi32>, vector<16xi32>], vector<16xf32>,
        %mul3A_1218 = arith.constant 512 : i32
        %mul3A_1219 = vector.broadcast %mul3A_1218 : i32 to vector<16xi32>
        %mul3A_1220 = arith.muli %add3A_1216, %mul3A_1219 : vector<16xi32>
        %add3A_1221 = vector.broadcast %add3A_1206 : i32 to vector<16xi32>
        %add3A_1222 = arith.addi %mul3A_1220, %add3A_1221 : vector<16xi32>
        tpu.vector_store_idx %arg14[%add3A_1222], %gather3A_1217 : memref<32768xf32, #tpu.memory_space<vmem>>[vector<16xi32>], vector<16xf32>,
        %add3A_1223 = arith.constant 16 : i32
        %add3A_1224 = vector.broadcast %add3A_1223 : i32 to vector<16xi32>
        %add3A_1225 = arith.addi %iota3A, %add3A_1224 : vector<16xi32>
        %gather3A_1226 = tpu.vector_load_idx %arg11[%add3A_1225, %broadcast_in_dim3A_1213] : memref<64x128xf32, #tpu.memory_space<vmem>>[vector<16xi32>, vector<16xi32>], vector<16xf32>,
        %mul3A_1227 = arith.constant 512 : i32
        %mul3A_1228 = vector.broadcast %mul3A_1227 : i32 to vector<16xi32>
        %mul3A_1229 = arith.muli %add3A_1225, %mul3A_1228 : vector<16xi32>
        %add3A_1230 = vector.broadcast %add3A_1206 : i32 to vector<16xi32>
        %add3A_1231 = arith.addi %mul3A_1229, %add3A_1230 : vector<16xi32>
        tpu.vector_store_idx %arg14[%add3A_1231], %gather3A_1226 : memref<32768xf32, #tpu.memory_space<vmem>>[vector<16xi32>], vector<16xf32>,
        %add3A_1232 = arith.constant 32 : i32
        %add3A_1233 = vector.broadcast %add3A_1232 : i32 to vector<16xi32>
        %add3A_1234 = arith.addi %iota3A, %add3A_1233 : vector<16xi32>
        %gather3A_1235 = tpu.vector_load_idx %arg11[%add3A_1234, %broadcast_in_dim3A_1213] : memref<64x128xf32, #tpu.memory_space<vmem>>[vector<16xi32>, vector<16xi32>], vector<16xf32>,
        %mul3A_1236 = arith.constant 512 : i32
        %mul3A_1237 = vector.broadcast %mul3A_1236 : i32 to vector<16xi32>
        %mul3A_1238 = arith.muli %add3A_1234, %mul3A_1237 : vector<16xi32>
        %add3A_1239 = vector.broadcast %add3A_1206 : i32 to vector<16xi32>
        %add3A_1240 = arith.addi %mul3A_1238, %add3A_1239 : vector<16xi32>
        tpu.vector_store_idx %arg14[%add3A_1240], %gather3A_1235 : memref<32768xf32, #tpu.memory_space<vmem>>[vector<16xi32>], vector<16xf32>,
        %add3A_1241 = arith.constant 48 : i32
        %add3A_1242 = vector.broadcast %add3A_1241 : i32 to vector<16xi32>
        %add3A_1243 = arith.addi %iota3A, %add3A_1242 : vector<16xi32>
        %gather3A_1244 = tpu.vector_load_idx %arg11[%add3A_1243, %broadcast_in_dim3A_1213] : memref<64x128xf32, #tpu.memory_space<vmem>>[vector<16xi32>, vector<16xi32>], vector<16xf32>,
        %mul3A_1245 = arith.constant 512 : i32
        %mul3A_1246 = vector.broadcast %mul3A_1245 : i32 to vector<16xi32>
        %mul3A_1247 = arith.muli %add3A_1243, %mul3A_1246 : vector<16xi32>
        %add3A_1248 = vector.broadcast %add3A_1206 : i32 to vector<16xi32>
        %add3A_1249 = arith.addi %mul3A_1247, %add3A_1248 : vector<16xi32>
        tpu.vector_store_idx %arg14[%add3A_1249], %gather3A_1244 : memref<32768xf32, #tpu.memory_space<vmem>>[vector<16xi32>], vector<16xf32>,
      } else {
      }
      %mul3A_769 = arith.constant 128 : i32
      %mul3A_770 = arith.muli %shift_right_logical3A_476, %mul3A_769 : i32
      %dma_start3A_771 = arith.constant 0 : i32
      %dma_start3A_772 = tpu.memref_slice %arg2[%dma_start3A_771, %mul3A_770] : memref<64x1000000xf32, #tpu.memory_space<hbm>> -> memref<64x128xf32, #tpu.memory_space<hbm>>
      %dma_start3A_773 = arith.constant 0 : i32
      %dma_start3A_774 = tpu.memref_slice %arg2[%dma_start3A_773, %mul3A_770] : memref<64x1000000xf32, #tpu.memory_space<hbm>> -> memref<64x128xf32, #tpu.memory_space<hbm>>
      tpu.enqueue_dma source(%dma_start3A_774 : memref<64x128xf32, #tpu.memory_space<hbm>>) target(%arg11 : memref<64x128xf32, #tpu.memory_space<vmem>>) target_semaphore(%arg20 : memref<!tpu.dma_semaphore, #tpu.memory_space<semaphore_mem>>)
      %gt3A_775 = arith.constant 0 : i32
      %gt3A_776 = arith.cmpi sgt, %add3A_450, %gt3A_775 : i32
      %convert_element_type3A_777 = arith.extui %gt3A_776 : i1 to i32
      %cond3A_778 = arith.constant 0 : i32
      %cond3A_779 = arith.cmpi ne, %convert_element_type3A_777, %cond3A_778 : i32
      scf.if %cond3A_779 {
        %add3A_1205 = arith.constant 14 : i32
        %add3A_1206 = arith.addi %max3A_582, %add3A_1205 : i32
        %mul3A_1207 = arith.constant 128 : i32
        %mul3A_1208 = arith.muli %shift_right_logical3A_644, %mul3A_1207 : i32
        %dma_wait3A_1209 = arith.constant 0 : i32
        %dma_wait3A_1210 = tpu.memref_slice %arg2[%dma_wait3A_1209, %mul3A_1208] : memref<64x1000000xf32, #tpu.memory_space<hbm>> -> memref<64x128xf32, #tpu.memory_space<hbm>>
        %dma_wait3A_1211 = arith.constant 0 : i32
        %dma_wait3A_1212 = tpu.memref_slice %arg2[%dma_wait3A_1211, %mul3A_1208] : memref<64x1000000xf32, #tpu.memory_space<hbm>> -> memref<64x128xf32, #tpu.memory_space<hbm>>
        tpu.wait_dma2 semaphore(%arg21 : memref<!tpu.dma_semaphore, #tpu.memory_space<semaphore_mem>>) src(%dma_wait3A_1212 : memref<64x128xf32, #tpu.memory_space<hbm>>) dst(%arg12 : memref<64x128xf32, #tpu.memory_space<vmem>>)
        %broadcast_in_dim3A_1213 = vector.broadcast %and3A_708 : i32 to vector<16xi32>
        %add3A_1214 = arith.constant 0 : i32
        %add3A_1215 = vector.broadcast %add3A_1214 : i32 to vector<16xi32>
        %add3A_1216 = arith.addi %iota3A, %add3A_1215 : vector<16xi32>
        %gather3A_1217 = tpu.vector_load_idx %arg12[%add3A_1216, %broadcast_in_dim3A_1213] : memref<64x128xf32, #tpu.memory_space<vmem>>[vector<16xi32>, vector<16xi32>], vector<16xf32>,
        %mul3A_1218 = arith.constant 512 : i32
        %mul3A_1219 = vector.broadcast %mul3A_1218 : i32 to vector<16xi32>
        %mul3A_1220 = arith.muli %add3A_1216, %mul3A_1219 : vector<16xi32>
        %add3A_1221 = vector.broadcast %add3A_1206 : i32 to vector<16xi32>
        %add3A_1222 = arith.addi %mul3A_1220, %add3A_1221 : vector<16xi32>
        tpu.vector_store_idx %arg14[%add3A_1222], %gather3A_1217 : memref<32768xf32, #tpu.memory_space<vmem>>[vector<16xi32>], vector<16xf32>,
        %add3A_1223 = arith.constant 16 : i32
        %add3A_1224 = vector.broadcast %add3A_1223 : i32 to vector<16xi32>
        %add3A_1225 = arith.addi %iota3A, %add3A_1224 : vector<16xi32>
        %gather3A_1226 = tpu.vector_load_idx %arg12[%add3A_1225, %broadcast_in_dim3A_1213] : memref<64x128xf32, #tpu.memory_space<vmem>>[vector<16xi32>, vector<16xi32>], vector<16xf32>,
        %mul3A_1227 = arith.constant 512 : i32
        %mul3A_1228 = vector.broadcast %mul3A_1227 : i32 to vector<16xi32>
        %mul3A_1229 = arith.muli %add3A_1225, %mul3A_1228 : vector<16xi32>
        %add3A_1230 = vector.broadcast %add3A_1206 : i32 to vector<16xi32>
        %add3A_1231 = arith.addi %mul3A_1229, %add3A_1230 : vector<16xi32>
        tpu.vector_store_idx %arg14[%add3A_1231], %gather3A_1226 : memref<32768xf32, #tpu.memory_space<vmem>>[vector<16xi32>], vector<16xf32>,
        %add3A_1232 = arith.constant 32 : i32
        %add3A_1233 = vector.broadcast %add3A_1232 : i32 to vector<16xi32>
        %add3A_1234 = arith.addi %iota3A, %add3A_1233 : vector<16xi32>
        %gather3A_1235 = tpu.vector_load_idx %arg12[%add3A_1234, %broadcast_in_dim3A_1213] : memref<64x128xf32, #tpu.memory_space<vmem>>[vector<16xi32>, vector<16xi32>], vector<16xf32>,
        %mul3A_1236 = arith.constant 512 : i32
        %mul3A_1237 = vector.broadcast %mul3A_1236 : i32 to vector<16xi32>
        %mul3A_1238 = arith.muli %add3A_1234, %mul3A_1237 : vector<16xi32>
        %add3A_1239 = vector.broadcast %add3A_1206 : i32 to vector<16xi32>
        %add3A_1240 = arith.addi %mul3A_1238, %add3A_1239 : vector<16xi32>
        tpu.vector_store_idx %arg14[%add3A_1240], %gather3A_1235 : memref<32768xf32, #tpu.memory_space<vmem>>[vector<16xi32>], vector<16xf32>,
        %add3A_1241 = arith.constant 48 : i32
        %add3A_1242 = vector.broadcast %add3A_1241 : i32 to vector<16xi32>
        %add3A_1243 = arith.addi %iota3A, %add3A_1242 : vector<16xi32>
        %gather3A_1244 = tpu.vector_load_idx %arg12[%add3A_1243, %broadcast_in_dim3A_1213] : memref<64x128xf32, #tpu.memory_space<vmem>>[vector<16xi32>, vector<16xi32>], vector<16xf32>,
        %mul3A_1245 = arith.constant 512 : i32
        %mul3A_1246 = vector.broadcast %mul3A_1245 : i32 to vector<16xi32>
        %mul3A_1247 = arith.muli %add3A_1243, %mul3A_1246 : vector<16xi32>
        %add3A_1248 = vector.broadcast %add3A_1206 : i32 to vector<16xi32>
        %add3A_1249 = arith.addi %mul3A_1247, %add3A_1248 : vector<16xi32>
        tpu.vector_store_idx %arg14[%add3A_1249], %gather3A_1244 : memref<32768xf32, #tpu.memory_space<vmem>>[vector<16xi32>], vector<16xf32>,
      } else {
      }
      %mul3A_780 = arith.constant 128 : i32
      %mul3A_781 = arith.muli %shift_right_logical3A_480, %mul3A_780 : i32
      %dma_start3A_782 = arith.constant 0 : i32
      %dma_start3A_783 = tpu.memref_slice %arg2[%dma_start3A_782, %mul3A_781] : memref<64x1000000xf32, #tpu.memory_space<hbm>> -> memref<64x128xf32, #tpu.memory_space<hbm>>
      %dma_start3A_784 = arith.constant 0 : i32
      %dma_start3A_785 = tpu.memref_slice %arg2[%dma_start3A_784, %mul3A_781] : memref<64x1000000xf32, #tpu.memory_space<hbm>> -> memref<64x128xf32, #tpu.memory_space<hbm>>
      tpu.enqueue_dma source(%dma_start3A_785 : memref<64x128xf32, #tpu.memory_space<hbm>>) target(%arg12 : memref<64x128xf32, #tpu.memory_space<vmem>>) target_semaphore(%arg21 : memref<!tpu.dma_semaphore, #tpu.memory_space<semaphore_mem>>)
      %gt3A_786 = arith.constant 0 : i32
      %gt3A_787 = arith.cmpi sgt, %add3A_450, %gt3A_786 : i32
      %convert_element_type3A_788 = arith.extui %gt3A_787 : i1 to i32
      %cond3A_789 = arith.constant 0 : i32
      %cond3A_790 = arith.cmpi ne, %convert_element_type3A_788, %cond3A_789 : i32
      scf.if %cond3A_790 {
        %add3A_1205 = arith.constant 15 : i32
        %add3A_1206 = arith.addi %max3A_582, %add3A_1205 : i32
        %mul3A_1207 = arith.constant 128 : i32
        %mul3A_1208 = arith.muli %shift_right_logical3A_648, %mul3A_1207 : i32
        %dma_wait3A_1209 = arith.constant 0 : i32
        %dma_wait3A_1210 = tpu.memref_slice %arg2[%dma_wait3A_1209, %mul3A_1208] : memref<64x1000000xf32, #tpu.memory_space<hbm>> -> memref<64x128xf32, #tpu.memory_space<hbm>>
        %dma_wait3A_1211 = arith.constant 0 : i32
        %dma_wait3A_1212 = tpu.memref_slice %arg2[%dma_wait3A_1211, %mul3A_1208] : memref<64x1000000xf32, #tpu.memory_space<hbm>> -> memref<64x128xf32, #tpu.memory_space<hbm>>
        tpu.wait_dma2 semaphore(%arg22 : memref<!tpu.dma_semaphore, #tpu.memory_space<semaphore_mem>>) src(%dma_wait3A_1212 : memref<64x128xf32, #tpu.memory_space<hbm>>) dst(%arg13 : memref<64x128xf32, #tpu.memory_space<vmem>>)
        %broadcast_in_dim3A_1213 = vector.broadcast %and3A_712 : i32 to vector<16xi32>
        %add3A_1214 = arith.constant 0 : i32
        %add3A_1215 = vector.broadcast %add3A_1214 : i32 to vector<16xi32>
        %add3A_1216 = arith.addi %iota3A, %add3A_1215 : vector<16xi32>
        %gather3A_1217 = tpu.vector_load_idx %arg13[%add3A_1216, %broadcast_in_dim3A_1213] : memref<64x128xf32, #tpu.memory_space<vmem>>[vector<16xi32>, vector<16xi32>], vector<16xf32>,
        %mul3A_1218 = arith.constant 512 : i32
        %mul3A_1219 = vector.broadcast %mul3A_1218 : i32 to vector<16xi32>
        %mul3A_1220 = arith.muli %add3A_1216, %mul3A_1219 : vector<16xi32>
        %add3A_1221 = vector.broadcast %add3A_1206 : i32 to vector<16xi32>
        %add3A_1222 = arith.addi %mul3A_1220, %add3A_1221 : vector<16xi32>
        tpu.vector_store_idx %arg14[%add3A_1222], %gather3A_1217 : memref<32768xf32, #tpu.memory_space<vmem>>[vector<16xi32>], vector<16xf32>,
        %add3A_1223 = arith.constant 16 : i32
        %add3A_1224 = vector.broadcast %add3A_1223 : i32 to vector<16xi32>
        %add3A_1225 = arith.addi %iota3A, %add3A_1224 : vector<16xi32>
        %gather3A_1226 = tpu.vector_load_idx %arg13[%add3A_1225, %broadcast_in_dim3A_1213] : memref<64x128xf32, #tpu.memory_space<vmem>>[vector<16xi32>, vector<16xi32>], vector<16xf32>,
        %mul3A_1227 = arith.constant 512 : i32
        %mul3A_1228 = vector.broadcast %mul3A_1227 : i32 to vector<16xi32>
        %mul3A_1229 = arith.muli %add3A_1225, %mul3A_1228 : vector<16xi32>
        %add3A_1230 = vector.broadcast %add3A_1206 : i32 to vector<16xi32>
        %add3A_1231 = arith.addi %mul3A_1229, %add3A_1230 : vector<16xi32>
        tpu.vector_store_idx %arg14[%add3A_1231], %gather3A_1226 : memref<32768xf32, #tpu.memory_space<vmem>>[vector<16xi32>], vector<16xf32>,
        %add3A_1232 = arith.constant 32 : i32
        %add3A_1233 = vector.broadcast %add3A_1232 : i32 to vector<16xi32>
        %add3A_1234 = arith.addi %iota3A, %add3A_1233 : vector<16xi32>
        %gather3A_1235 = tpu.vector_load_idx %arg13[%add3A_1234, %broadcast_in_dim3A_1213] : memref<64x128xf32, #tpu.memory_space<vmem>>[vector<16xi32>, vector<16xi32>], vector<16xf32>,
        %mul3A_1236 = arith.constant 512 : i32
        %mul3A_1237 = vector.broadcast %mul3A_1236 : i32 to vector<16xi32>
        %mul3A_1238 = arith.muli %add3A_1234, %mul3A_1237 : vector<16xi32>
        %add3A_1239 = vector.broadcast %add3A_1206 : i32 to vector<16xi32>
        %add3A_1240 = arith.addi %mul3A_1238, %add3A_1239 : vector<16xi32>
        tpu.vector_store_idx %arg14[%add3A_1240], %gather3A_1235 : memref<32768xf32, #tpu.memory_space<vmem>>[vector<16xi32>], vector<16xf32>,
        %add3A_1241 = arith.constant 48 : i32
        %add3A_1242 = vector.broadcast %add3A_1241 : i32 to vector<16xi32>
        %add3A_1243 = arith.addi %iota3A, %add3A_1242 : vector<16xi32>
        %gather3A_1244 = tpu.vector_load_idx %arg13[%add3A_1243, %broadcast_in_dim3A_1213] : memref<64x128xf32, #tpu.memory_space<vmem>>[vector<16xi32>, vector<16xi32>], vector<16xf32>,
        %mul3A_1245 = arith.constant 512 : i32
        %mul3A_1246 = vector.broadcast %mul3A_1245 : i32 to vector<16xi32>
        %mul3A_1247 = arith.muli %add3A_1243, %mul3A_1246 : vector<16xi32>
        %add3A_1248 = vector.broadcast %add3A_1206 : i32 to vector<16xi32>
        %add3A_1249 = arith.addi %mul3A_1247, %add3A_1248 : vector<16xi32>
        tpu.vector_store_idx %arg14[%add3A_1249], %gather3A_1244 : memref<32768xf32, #tpu.memory_space<vmem>>[vector<16xi32>], vector<16xf32>,
      } else {
      }
      %mul3A_791 = arith.constant 128 : i32
      %mul3A_792 = arith.muli %shift_right_logical3A_484, %mul3A_791 : i32
      %dma_start3A_793 = arith.constant 0 : i32
      %dma_start3A_794 = tpu.memref_slice %arg2[%dma_start3A_793, %mul3A_792] : memref<64x1000000xf32, #tpu.memory_space<hbm>> -> memref<64x128xf32, #tpu.memory_space<hbm>>
      %dma_start3A_795 = arith.constant 0 : i32
      %dma_start3A_796 = tpu.memref_slice %arg2[%dma_start3A_795, %mul3A_792] : memref<64x1000000xf32, #tpu.memory_space<hbm>> -> memref<64x128xf32, #tpu.memory_space<hbm>>
      tpu.enqueue_dma source(%dma_start3A_796 : memref<64x128xf32, #tpu.memory_space<hbm>>) target(%arg13 : memref<64x128xf32, #tpu.memory_space<vmem>>) target_semaphore(%arg22 : memref<!tpu.dma_semaphore, #tpu.memory_space<semaphore_mem>>)
      %add3A_797 = arith.constant 0 : i32
      %add3A_798 = arith.addi %add3A_450, %add3A_797 : i32
      %mul3A_799 = arith.constant 128 : i32
      %mul3A_800 = arith.muli %shift_right_logical3A_456, %mul3A_799 : i32
      %dma_wait3A_801 = arith.constant 0 : i32
      %dma_wait3A_802 = tpu.memref_slice %arg2[%dma_wait3A_801, %mul3A_800] : memref<64x1000000xf32, #tpu.memory_space<hbm>> -> memref<64x128xf32, #tpu.memory_space<hbm>>
      %dma_wait3A_803 = arith.constant 0 : i32
      %dma_wait3A_804 = tpu.memref_slice %arg2[%dma_wait3A_803, %mul3A_800] : memref<64x1000000xf32, #tpu.memory_space<hbm>> -> memref<64x128xf32, #tpu.memory_space<hbm>>
      tpu.wait_dma2 semaphore(%arg15 : memref<!tpu.dma_semaphore, #tpu.memory_space<semaphore_mem>>) src(%dma_wait3A_804 : memref<64x128xf32, #tpu.memory_space<hbm>>) dst(%arg6 : memref<64x128xf32, #tpu.memory_space<vmem>>)
      %broadcast_in_dim3A_805 = vector.broadcast %and3A_520 : i32 to vector<16xi32>
      %add3A_806 = arith.constant 0 : i32
      %add3A_807 = vector.broadcast %add3A_806 : i32 to vector<16xi32>
      %add3A_808 = arith.addi %iota3A, %add3A_807 : vector<16xi32>
      %gather3A_809 = tpu.vector_load_idx %arg6[%add3A_808, %broadcast_in_dim3A_805] : memref<64x128xf32, #tpu.memory_space<vmem>>[vector<16xi32>, vector<16xi32>], vector<16xf32>,
      %mul3A_810 = arith.constant 512 : i32
      %mul3A_811 = vector.broadcast %mul3A_810 : i32 to vector<16xi32>
      %mul3A_812 = arith.muli %add3A_808, %mul3A_811 : vector<16xi32>
      %add3A_813 = vector.broadcast %add3A_798 : i32 to vector<16xi32>
      %add3A_814 = arith.addi %mul3A_812, %add3A_813 : vector<16xi32>
      tpu.vector_store_idx %arg14[%add3A_814], %gather3A_809 : memref<32768xf32, #tpu.memory_space<vmem>>[vector<16xi32>], vector<16xf32>,
      %add3A_815 = arith.constant 16 : i32
      %add3A_816 = vector.broadcast %add3A_815 : i32 to vector<16xi32>
      %add3A_817 = arith.addi %iota3A, %add3A_816 : vector<16xi32>
      %gather3A_818 = tpu.vector_load_idx %arg6[%add3A_817, %broadcast_in_dim3A_805] : memref<64x128xf32, #tpu.memory_space<vmem>>[vector<16xi32>, vector<16xi32>], vector<16xf32>,
      %mul3A_819 = arith.constant 512 : i32
      %mul3A_820 = vector.broadcast %mul3A_819 : i32 to vector<16xi32>
      %mul3A_821 = arith.muli %add3A_817, %mul3A_820 : vector<16xi32>
      %add3A_822 = vector.broadcast %add3A_798 : i32 to vector<16xi32>
      %add3A_823 = arith.addi %mul3A_821, %add3A_822 : vector<16xi32>
      tpu.vector_store_idx %arg14[%add3A_823], %gather3A_818 : memref<32768xf32, #tpu.memory_space<vmem>>[vector<16xi32>], vector<16xf32>,
      %add3A_824 = arith.constant 32 : i32
      %add3A_825 = vector.broadcast %add3A_824 : i32 to vector<16xi32>
      %add3A_826 = arith.addi %iota3A, %add3A_825 : vector<16xi32>
      %gather3A_827 = tpu.vector_load_idx %arg6[%add3A_826, %broadcast_in_dim3A_805] : memref<64x128xf32, #tpu.memory_space<vmem>>[vector<16xi32>, vector<16xi32>], vector<16xf32>,
      %mul3A_828 = arith.constant 512 : i32
      %mul3A_829 = vector.broadcast %mul3A_828 : i32 to vector<16xi32>
      %mul3A_830 = arith.muli %add3A_826, %mul3A_829 : vector<16xi32>
      %add3A_831 = vector.broadcast %add3A_798 : i32 to vector<16xi32>
      %add3A_832 = arith.addi %mul3A_830, %add3A_831 : vector<16xi32>
      tpu.vector_store_idx %arg14[%add3A_832], %gather3A_827 : memref<32768xf32, #tpu.memory_space<vmem>>[vector<16xi32>], vector<16xf32>,
      %add3A_833 = arith.constant 48 : i32
      %add3A_834 = vector.broadcast %add3A_833 : i32 to vector<16xi32>
      %add3A_835 = arith.addi %iota3A, %add3A_834 : vector<16xi32>
      %gather3A_836 = tpu.vector_load_idx %arg6[%add3A_835, %broadcast_in_dim3A_805] : memref<64x128xf32, #tpu.memory_space<vmem>>[vector<16xi32>, vector<16xi32>], vector<16xf32>,
      %mul3A_837 = arith.constant 512 : i32
      %mul3A_838 = vector.broadcast %mul3A_837 : i32 to vector<16xi32>
      %mul3A_839 = arith.muli %add3A_835, %mul3A_838 : vector<16xi32>
      %add3A_840 = vector.broadcast %add3A_798 : i32 to vector<16xi32>
      %add3A_841 = arith.addi %mul3A_839, %add3A_840 : vector<16xi32>
      tpu.vector_store_idx %arg14[%add3A_841], %gather3A_836 : memref<32768xf32, #tpu.memory_space<vmem>>[vector<16xi32>], vector<16xf32>,
      %mul3A_842 = arith.constant 128 : i32
      %mul3A_843 = arith.muli %shift_right_logical3A_488, %mul3A_842 : i32
      %dma_start3A_844 = arith.constant 0 : i32
      %dma_start3A_845 = tpu.memref_slice %arg2[%dma_start3A_844, %mul3A_843] : memref<64x1000000xf32, #tpu.memory_space<hbm>> -> memref<64x128xf32, #tpu.memory_space<hbm>>
      %dma_start3A_846 = arith.constant 0 : i32
      %dma_start3A_847 = tpu.memref_slice %arg2[%dma_start3A_846, %mul3A_843] : memref<64x1000000xf32, #tpu.memory_space<hbm>> -> memref<64x128xf32, #tpu.memory_space<hbm>>
      tpu.enqueue_dma source(%dma_start3A_847 : memref<64x128xf32, #tpu.memory_space<hbm>>) target(%arg6 : memref<64x128xf32, #tpu.memory_space<vmem>>) target_semaphore(%arg15 : memref<!tpu.dma_semaphore, #tpu.memory_space<semaphore_mem>>)
      %add3A_848 = arith.constant 1 : i32
      %add3A_849 = arith.addi %add3A_450, %add3A_848 : i32
      %mul3A_850 = arith.constant 128 : i32
      %mul3A_851 = arith.muli %shift_right_logical3A_460, %mul3A_850 : i32
      %dma_wait3A_852 = arith.constant 0 : i32
      %dma_wait3A_853 = tpu.memref_slice %arg2[%dma_wait3A_852, %mul3A_851] : memref<64x1000000xf32, #tpu.memory_space<hbm>> -> memref<64x128xf32, #tpu.memory_space<hbm>>
      %dma_wait3A_854 = arith.constant 0 : i32
      %dma_wait3A_855 = tpu.memref_slice %arg2[%dma_wait3A_854, %mul3A_851] : memref<64x1000000xf32, #tpu.memory_space<hbm>> -> memref<64x128xf32, #tpu.memory_space<hbm>>
      tpu.wait_dma2 semaphore(%arg16 : memref<!tpu.dma_semaphore, #tpu.memory_space<semaphore_mem>>) src(%dma_wait3A_855 : memref<64x128xf32, #tpu.memory_space<hbm>>) dst(%arg7 : memref<64x128xf32, #tpu.memory_space<vmem>>)
      %broadcast_in_dim3A_856 = vector.broadcast %and3A_524 : i32 to vector<16xi32>
      %add3A_857 = arith.constant 0 : i32
      %add3A_858 = vector.broadcast %add3A_857 : i32 to vector<16xi32>
      %add3A_859 = arith.addi %iota3A, %add3A_858 : vector<16xi32>
      %gather3A_860 = tpu.vector_load_idx %arg7[%add3A_859, %broadcast_in_dim3A_856] : memref<64x128xf32, #tpu.memory_space<vmem>>[vector<16xi32>, vector<16xi32>], vector<16xf32>,
      %mul3A_861 = arith.constant 512 : i32
      %mul3A_862 = vector.broadcast %mul3A_861 : i32 to vector<16xi32>
      %mul3A_863 = arith.muli %add3A_859, %mul3A_862 : vector<16xi32>
      %add3A_864 = vector.broadcast %add3A_849 : i32 to vector<16xi32>
      %add3A_865 = arith.addi %mul3A_863, %add3A_864 : vector<16xi32>
      tpu.vector_store_idx %arg14[%add3A_865], %gather3A_860 : memref<32768xf32, #tpu.memory_space<vmem>>[vector<16xi32>], vector<16xf32>,
      %add3A_866 = arith.constant 16 : i32
      %add3A_867 = vector.broadcast %add3A_866 : i32 to vector<16xi32>
      %add3A_868 = arith.addi %iota3A, %add3A_867 : vector<16xi32>
      %gather3A_869 = tpu.vector_load_idx %arg7[%add3A_868, %broadcast_in_dim3A_856] : memref<64x128xf32, #tpu.memory_space<vmem>>[vector<16xi32>, vector<16xi32>], vector<16xf32>,
      %mul3A_870 = arith.constant 512 : i32
      %mul3A_871 = vector.broadcast %mul3A_870 : i32 to vector<16xi32>
      %mul3A_872 = arith.muli %add3A_868, %mul3A_871 : vector<16xi32>
      %add3A_873 = vector.broadcast %add3A_849 : i32 to vector<16xi32>
      %add3A_874 = arith.addi %mul3A_872, %add3A_873 : vector<16xi32>
      tpu.vector_store_idx %arg14[%add3A_874], %gather3A_869 : memref<32768xf32, #tpu.memory_space<vmem>>[vector<16xi32>], vector<16xf32>,
      %add3A_875 = arith.constant 32 : i32
      %add3A_876 = vector.broadcast %add3A_875 : i32 to vector<16xi32>
      %add3A_877 = arith.addi %iota3A, %add3A_876 : vector<16xi32>
      %gather3A_878 = tpu.vector_load_idx %arg7[%add3A_877, %broadcast_in_dim3A_856] : memref<64x128xf32, #tpu.memory_space<vmem>>[vector<16xi32>, vector<16xi32>], vector<16xf32>,
      %mul3A_879 = arith.constant 512 : i32
      %mul3A_880 = vector.broadcast %mul3A_879 : i32 to vector<16xi32>
      %mul3A_881 = arith.muli %add3A_877, %mul3A_880 : vector<16xi32>
      %add3A_882 = vector.broadcast %add3A_849 : i32 to vector<16xi32>
      %add3A_883 = arith.addi %mul3A_881, %add3A_882 : vector<16xi32>
      tpu.vector_store_idx %arg14[%add3A_883], %gather3A_878 : memref<32768xf32, #tpu.memory_space<vmem>>[vector<16xi32>], vector<16xf32>,
      %add3A_884 = arith.constant 48 : i32
      %add3A_885 = vector.broadcast %add3A_884 : i32 to vector<16xi32>
      %add3A_886 = arith.addi %iota3A, %add3A_885 : vector<16xi32>
      %gather3A_887 = tpu.vector_load_idx %arg7[%add3A_886, %broadcast_in_dim3A_856] : memref<64x128xf32, #tpu.memory_space<vmem>>[vector<16xi32>, vector<16xi32>], vector<16xf32>,
      %mul3A_888 = arith.constant 512 : i32
      %mul3A_889 = vector.broadcast %mul3A_888 : i32 to vector<16xi32>
      %mul3A_890 = arith.muli %add3A_886, %mul3A_889 : vector<16xi32>
      %add3A_891 = vector.broadcast %add3A_849 : i32 to vector<16xi32>
      %add3A_892 = arith.addi %mul3A_890, %add3A_891 : vector<16xi32>
      tpu.vector_store_idx %arg14[%add3A_892], %gather3A_887 : memref<32768xf32, #tpu.memory_space<vmem>>[vector<16xi32>], vector<16xf32>,
      %mul3A_893 = arith.constant 128 : i32
      %mul3A_894 = arith.muli %shift_right_logical3A_492, %mul3A_893 : i32
      %dma_start3A_895 = arith.constant 0 : i32
      %dma_start3A_896 = tpu.memref_slice %arg2[%dma_start3A_895, %mul3A_894] : memref<64x1000000xf32, #tpu.memory_space<hbm>> -> memref<64x128xf32, #tpu.memory_space<hbm>>
      %dma_start3A_897 = arith.constant 0 : i32
      %dma_start3A_898 = tpu.memref_slice %arg2[%dma_start3A_897, %mul3A_894] : memref<64x1000000xf32, #tpu.memory_space<hbm>> -> memref<64x128xf32, #tpu.memory_space<hbm>>
      tpu.enqueue_dma source(%dma_start3A_898 : memref<64x128xf32, #tpu.memory_space<hbm>>) target(%arg7 : memref<64x128xf32, #tpu.memory_space<vmem>>) target_semaphore(%arg16 : memref<!tpu.dma_semaphore, #tpu.memory_space<semaphore_mem>>)
      %add3A_899 = arith.constant 2 : i32
      %add3A_900 = arith.addi %add3A_450, %add3A_899 : i32
      %mul3A_901 = arith.constant 128 : i32
      %mul3A_902 = arith.muli %shift_right_logical3A_464, %mul3A_901 : i32
      %dma_wait3A_903 = arith.constant 0 : i32
      %dma_wait3A_904 = tpu.memref_slice %arg2[%dma_wait3A_903, %mul3A_902] : memref<64x1000000xf32, #tpu.memory_space<hbm>> -> memref<64x128xf32, #tpu.memory_space<hbm>>
      %dma_wait3A_905 = arith.constant 0 : i32
      %dma_wait3A_906 = tpu.memref_slice %arg2[%dma_wait3A_905, %mul3A_902] : memref<64x1000000xf32, #tpu.memory_space<hbm>> -> memref<64x128xf32, #tpu.memory_space<hbm>>
      tpu.wait_dma2 semaphore(%arg17 : memref<!tpu.dma_semaphore, #tpu.memory_space<semaphore_mem>>) src(%dma_wait3A_906 : memref<64x128xf32, #tpu.memory_space<hbm>>) dst(%arg8 : memref<64x128xf32, #tpu.memory_space<vmem>>)
      %broadcast_in_dim3A_907 = vector.broadcast %and3A_528 : i32 to vector<16xi32>
      %add3A_908 = arith.constant 0 : i32
      %add3A_909 = vector.broadcast %add3A_908 : i32 to vector<16xi32>
      %add3A_910 = arith.addi %iota3A, %add3A_909 : vector<16xi32>
      %gather3A_911 = tpu.vector_load_idx %arg8[%add3A_910, %broadcast_in_dim3A_907] : memref<64x128xf32, #tpu.memory_space<vmem>>[vector<16xi32>, vector<16xi32>], vector<16xf32>,
      %mul3A_912 = arith.constant 512 : i32
      %mul3A_913 = vector.broadcast %mul3A_912 : i32 to vector<16xi32>
      %mul3A_914 = arith.muli %add3A_910, %mul3A_913 : vector<16xi32>
      %add3A_915 = vector.broadcast %add3A_900 : i32 to vector<16xi32>
      %add3A_916 = arith.addi %mul3A_914, %add3A_915 : vector<16xi32>
      tpu.vector_store_idx %arg14[%add3A_916], %gather3A_911 : memref<32768xf32, #tpu.memory_space<vmem>>[vector<16xi32>], vector<16xf32>,
      %add3A_917 = arith.constant 16 : i32
      %add3A_918 = vector.broadcast %add3A_917 : i32 to vector<16xi32>
      %add3A_919 = arith.addi %iota3A, %add3A_918 : vector<16xi32>
      %gather3A_920 = tpu.vector_load_idx %arg8[%add3A_919, %broadcast_in_dim3A_907] : memref<64x128xf32, #tpu.memory_space<vmem>>[vector<16xi32>, vector<16xi32>], vector<16xf32>,
      %mul3A_921 = arith.constant 512 : i32
      %mul3A_922 = vector.broadcast %mul3A_921 : i32 to vector<16xi32>
      %mul3A_923 = arith.muli %add3A_919, %mul3A_922 : vector<16xi32>
      %add3A_924 = vector.broadcast %add3A_900 : i32 to vector<16xi32>
      %add3A_925 = arith.addi %mul3A_923, %add3A_924 : vector<16xi32>
      tpu.vector_store_idx %arg14[%add3A_925], %gather3A_920 : memref<32768xf32, #tpu.memory_space<vmem>>[vector<16xi32>], vector<16xf32>,
      %add3A_926 = arith.constant 32 : i32
      %add3A_927 = vector.broadcast %add3A_926 : i32 to vector<16xi32>
      %add3A_928 = arith.addi %iota3A, %add3A_927 : vector<16xi32>
      %gather3A_929 = tpu.vector_load_idx %arg8[%add3A_928, %broadcast_in_dim3A_907] : memref<64x128xf32, #tpu.memory_space<vmem>>[vector<16xi32>, vector<16xi32>], vector<16xf32>,
      %mul3A_930 = arith.constant 512 : i32
      %mul3A_931 = vector.broadcast %mul3A_930 : i32 to vector<16xi32>
      %mul3A_932 = arith.muli %add3A_928, %mul3A_931 : vector<16xi32>
      %add3A_933 = vector.broadcast %add3A_900 : i32 to vector<16xi32>
      %add3A_934 = arith.addi %mul3A_932, %add3A_933 : vector<16xi32>
      tpu.vector_store_idx %arg14[%add3A_934], %gather3A_929 : memref<32768xf32, #tpu.memory_space<vmem>>[vector<16xi32>], vector<16xf32>,
      %add3A_935 = arith.constant 48 : i32
      %add3A_936 = vector.broadcast %add3A_935 : i32 to vector<16xi32>
      %add3A_937 = arith.addi %iota3A, %add3A_936 : vector<16xi32>
      %gather3A_938 = tpu.vector_load_idx %arg8[%add3A_937, %broadcast_in_dim3A_907] : memref<64x128xf32, #tpu.memory_space<vmem>>[vector<16xi32>, vector<16xi32>], vector<16xf32>,
      %mul3A_939 = arith.constant 512 : i32
      %mul3A_940 = vector.broadcast %mul3A_939 : i32 to vector<16xi32>
      %mul3A_941 = arith.muli %add3A_937, %mul3A_940 : vector<16xi32>
      %add3A_942 = vector.broadcast %add3A_900 : i32 to vector<16xi32>
      %add3A_943 = arith.addi %mul3A_941, %add3A_942 : vector<16xi32>
      tpu.vector_store_idx %arg14[%add3A_943], %gather3A_938 : memref<32768xf32, #tpu.memory_space<vmem>>[vector<16xi32>], vector<16xf32>,
      %mul3A_944 = arith.constant 128 : i32
      %mul3A_945 = arith.muli %shift_right_logical3A_496, %mul3A_944 : i32
      %dma_start3A_946 = arith.constant 0 : i32
      %dma_start3A_947 = tpu.memref_slice %arg2[%dma_start3A_946, %mul3A_945] : memref<64x1000000xf32, #tpu.memory_space<hbm>> -> memref<64x128xf32, #tpu.memory_space<hbm>>
      %dma_start3A_948 = arith.constant 0 : i32
      %dma_start3A_949 = tpu.memref_slice %arg2[%dma_start3A_948, %mul3A_945] : memref<64x1000000xf32, #tpu.memory_space<hbm>> -> memref<64x128xf32, #tpu.memory_space<hbm>>
      tpu.enqueue_dma source(%dma_start3A_949 : memref<64x128xf32, #tpu.memory_space<hbm>>) target(%arg8 : memref<64x128xf32, #tpu.memory_space<vmem>>) target_semaphore(%arg17 : memref<!tpu.dma_semaphore, #tpu.memory_space<semaphore_mem>>)
      %add3A_950 = arith.constant 3 : i32
      %add3A_951 = arith.addi %add3A_450, %add3A_950 : i32
      %mul3A_952 = arith.constant 128 : i32
      %mul3A_953 = arith.muli %shift_right_logical3A_468, %mul3A_952 : i32
      %dma_wait3A_954 = arith.constant 0 : i32
      %dma_wait3A_955 = tpu.memref_slice %arg2[%dma_wait3A_954, %mul3A_953] : memref<64x1000000xf32, #tpu.memory_space<hbm>> -> memref<64x128xf32, #tpu.memory_space<hbm>>
      %dma_wait3A_956 = arith.constant 0 : i32
      %dma_wait3A_957 = tpu.memref_slice %arg2[%dma_wait3A_956, %mul3A_953] : memref<64x1000000xf32, #tpu.memory_space<hbm>> -> memref<64x128xf32, #tpu.memory_space<hbm>>
      tpu.wait_dma2 semaphore(%arg18 : memref<!tpu.dma_semaphore, #tpu.memory_space<semaphore_mem>>) src(%dma_wait3A_957 : memref<64x128xf32, #tpu.memory_space<hbm>>) dst(%arg9 : memref<64x128xf32, #tpu.memory_space<vmem>>)
      %broadcast_in_dim3A_958 = vector.broadcast %and3A_532 : i32 to vector<16xi32>
      %add3A_959 = arith.constant 0 : i32
      %add3A_960 = vector.broadcast %add3A_959 : i32 to vector<16xi32>
      %add3A_961 = arith.addi %iota3A, %add3A_960 : vector<16xi32>
      %gather3A_962 = tpu.vector_load_idx %arg9[%add3A_961, %broadcast_in_dim3A_958] : memref<64x128xf32, #tpu.memory_space<vmem>>[vector<16xi32>, vector<16xi32>], vector<16xf32>,
      %mul3A_963 = arith.constant 512 : i32
      %mul3A_964 = vector.broadcast %mul3A_963 : i32 to vector<16xi32>
      %mul3A_965 = arith.muli %add3A_961, %mul3A_964 : vector<16xi32>
      %add3A_966 = vector.broadcast %add3A_951 : i32 to vector<16xi32>
      %add3A_967 = arith.addi %mul3A_965, %add3A_966 : vector<16xi32>
      tpu.vector_store_idx %arg14[%add3A_967], %gather3A_962 : memref<32768xf32, #tpu.memory_space<vmem>>[vector<16xi32>], vector<16xf32>,
      %add3A_968 = arith.constant 16 : i32
      %add3A_969 = vector.broadcast %add3A_968 : i32 to vector<16xi32>
      %add3A_970 = arith.addi %iota3A, %add3A_969 : vector<16xi32>
      %gather3A_971 = tpu.vector_load_idx %arg9[%add3A_970, %broadcast_in_dim3A_958] : memref<64x128xf32, #tpu.memory_space<vmem>>[vector<16xi32>, vector<16xi32>], vector<16xf32>,
      %mul3A_972 = arith.constant 512 : i32
      %mul3A_973 = vector.broadcast %mul3A_972 : i32 to vector<16xi32>
      %mul3A_974 = arith.muli %add3A_970, %mul3A_973 : vector<16xi32>
      %add3A_975 = vector.broadcast %add3A_951 : i32 to vector<16xi32>
      %add3A_976 = arith.addi %mul3A_974, %add3A_975 : vector<16xi32>
      tpu.vector_store_idx %arg14[%add3A_976], %gather3A_971 : memref<32768xf32, #tpu.memory_space<vmem>>[vector<16xi32>], vector<16xf32>,
      %add3A_977 = arith.constant 32 : i32
      %add3A_978 = vector.broadcast %add3A_977 : i32 to vector<16xi32>
      %add3A_979 = arith.addi %iota3A, %add3A_978 : vector<16xi32>
      %gather3A_980 = tpu.vector_load_idx %arg9[%add3A_979, %broadcast_in_dim3A_958] : memref<64x128xf32, #tpu.memory_space<vmem>>[vector<16xi32>, vector<16xi32>], vector<16xf32>,
      %mul3A_981 = arith.constant 512 : i32
      %mul3A_982 = vector.broadcast %mul3A_981 : i32 to vector<16xi32>
      %mul3A_983 = arith.muli %add3A_979, %mul3A_982 : vector<16xi32>
      %add3A_984 = vector.broadcast %add3A_951 : i32 to vector<16xi32>
      %add3A_985 = arith.addi %mul3A_983, %add3A_984 : vector<16xi32>
      tpu.vector_store_idx %arg14[%add3A_985], %gather3A_980 : memref<32768xf32, #tpu.memory_space<vmem>>[vector<16xi32>], vector<16xf32>,
      %add3A_986 = arith.constant 48 : i32
      %add3A_987 = vector.broadcast %add3A_986 : i32 to vector<16xi32>
      %add3A_988 = arith.addi %iota3A, %add3A_987 : vector<16xi32>
      %gather3A_989 = tpu.vector_load_idx %arg9[%add3A_988, %broadcast_in_dim3A_958] : memref<64x128xf32, #tpu.memory_space<vmem>>[vector<16xi32>, vector<16xi32>], vector<16xf32>,
      %mul3A_990 = arith.constant 512 : i32
      %mul3A_991 = vector.broadcast %mul3A_990 : i32 to vector<16xi32>
      %mul3A_992 = arith.muli %add3A_988, %mul3A_991 : vector<16xi32>
      %add3A_993 = vector.broadcast %add3A_951 : i32 to vector<16xi32>
      %add3A_994 = arith.addi %mul3A_992, %add3A_993 : vector<16xi32>
      tpu.vector_store_idx %arg14[%add3A_994], %gather3A_989 : memref<32768xf32, #tpu.memory_space<vmem>>[vector<16xi32>], vector<16xf32>,
      %mul3A_995 = arith.constant 128 : i32
      %mul3A_996 = arith.muli %shift_right_logical3A_500, %mul3A_995 : i32
      %dma_start3A_997 = arith.constant 0 : i32
      %dma_start3A_998 = tpu.memref_slice %arg2[%dma_start3A_997, %mul3A_996] : memref<64x1000000xf32, #tpu.memory_space<hbm>> -> memref<64x128xf32, #tpu.memory_space<hbm>>
      %dma_start3A_999 = arith.constant 0 : i32
      %dma_start3A_1000 = tpu.memref_slice %arg2[%dma_start3A_999, %mul3A_996] : memref<64x1000000xf32, #tpu.memory_space<hbm>> -> memref<64x128xf32, #tpu.memory_space<hbm>>
      tpu.enqueue_dma source(%dma_start3A_1000 : memref<64x128xf32, #tpu.memory_space<hbm>>) target(%arg9 : memref<64x128xf32, #tpu.memory_space<vmem>>) target_semaphore(%arg18 : memref<!tpu.dma_semaphore, #tpu.memory_space<semaphore_mem>>)
      %add3A_1001 = arith.constant 4 : i32
      %add3A_1002 = arith.addi %add3A_450, %add3A_1001 : i32
      %mul3A_1003 = arith.constant 128 : i32
      %mul3A_1004 = arith.muli %shift_right_logical3A_472, %mul3A_1003 : i32
      %dma_wait3A_1005 = arith.constant 0 : i32
      %dma_wait3A_1006 = tpu.memref_slice %arg2[%dma_wait3A_1005, %mul3A_1004] : memref<64x1000000xf32, #tpu.memory_space<hbm>> -> memref<64x128xf32, #tpu.memory_space<hbm>>
      %dma_wait3A_1007 = arith.constant 0 : i32
      %dma_wait3A_1008 = tpu.memref_slice %arg2[%dma_wait3A_1007, %mul3A_1004] : memref<64x1000000xf32, #tpu.memory_space<hbm>> -> memref<64x128xf32, #tpu.memory_space<hbm>>
      tpu.wait_dma2 semaphore(%arg19 : memref<!tpu.dma_semaphore, #tpu.memory_space<semaphore_mem>>) src(%dma_wait3A_1008 : memref<64x128xf32, #tpu.memory_space<hbm>>) dst(%arg10 : memref<64x128xf32, #tpu.memory_space<vmem>>)
      %broadcast_in_dim3A_1009 = vector.broadcast %and3A_536 : i32 to vector<16xi32>
      %add3A_1010 = arith.constant 0 : i32
      %add3A_1011 = vector.broadcast %add3A_1010 : i32 to vector<16xi32>
      %add3A_1012 = arith.addi %iota3A, %add3A_1011 : vector<16xi32>
      %gather3A_1013 = tpu.vector_load_idx %arg10[%add3A_1012, %broadcast_in_dim3A_1009] : memref<64x128xf32, #tpu.memory_space<vmem>>[vector<16xi32>, vector<16xi32>], vector<16xf32>,
      %mul3A_1014 = arith.constant 512 : i32
      %mul3A_1015 = vector.broadcast %mul3A_1014 : i32 to vector<16xi32>
      %mul3A_1016 = arith.muli %add3A_1012, %mul3A_1015 : vector<16xi32>
      %add3A_1017 = vector.broadcast %add3A_1002 : i32 to vector<16xi32>
      %add3A_1018 = arith.addi %mul3A_1016, %add3A_1017 : vector<16xi32>
      tpu.vector_store_idx %arg14[%add3A_1018], %gather3A_1013 : memref<32768xf32, #tpu.memory_space<vmem>>[vector<16xi32>], vector<16xf32>,
      %add3A_1019 = arith.constant 16 : i32
      %add3A_1020 = vector.broadcast %add3A_1019 : i32 to vector<16xi32>
      %add3A_1021 = arith.addi %iota3A, %add3A_1020 : vector<16xi32>
      %gather3A_1022 = tpu.vector_load_idx %arg10[%add3A_1021, %broadcast_in_dim3A_1009] : memref<64x128xf32, #tpu.memory_space<vmem>>[vector<16xi32>, vector<16xi32>], vector<16xf32>,
      %mul3A_1023 = arith.constant 512 : i32
      %mul3A_1024 = vector.broadcast %mul3A_1023 : i32 to vector<16xi32>
      %mul3A_1025 = arith.muli %add3A_1021, %mul3A_1024 : vector<16xi32>
      %add3A_1026 = vector.broadcast %add3A_1002 : i32 to vector<16xi32>
      %add3A_1027 = arith.addi %mul3A_1025, %add3A_1026 : vector<16xi32>
      tpu.vector_store_idx %arg14[%add3A_1027], %gather3A_1022 : memref<32768xf32, #tpu.memory_space<vmem>>[vector<16xi32>], vector<16xf32>,
      %add3A_1028 = arith.constant 32 : i32
      %add3A_1029 = vector.broadcast %add3A_1028 : i32 to vector<16xi32>
      %add3A_1030 = arith.addi %iota3A, %add3A_1029 : vector<16xi32>
      %gather3A_1031 = tpu.vector_load_idx %arg10[%add3A_1030, %broadcast_in_dim3A_1009] : memref<64x128xf32, #tpu.memory_space<vmem>>[vector<16xi32>, vector<16xi32>], vector<16xf32>,
      %mul3A_1032 = arith.constant 512 : i32
      %mul3A_1033 = vector.broadcast %mul3A_1032 : i32 to vector<16xi32>
      %mul3A_1034 = arith.muli %add3A_1030, %mul3A_1033 : vector<16xi32>
      %add3A_1035 = vector.broadcast %add3A_1002 : i32 to vector<16xi32>
      %add3A_1036 = arith.addi %mul3A_1034, %add3A_1035 : vector<16xi32>
      tpu.vector_store_idx %arg14[%add3A_1036], %gather3A_1031 : memref<32768xf32, #tpu.memory_space<vmem>>[vector<16xi32>], vector<16xf32>,
      %add3A_1037 = arith.constant 48 : i32
      %add3A_1038 = vector.broadcast %add3A_1037 : i32 to vector<16xi32>
      %add3A_1039 = arith.addi %iota3A, %add3A_1038 : vector<16xi32>
      %gather3A_1040 = tpu.vector_load_idx %arg10[%add3A_1039, %broadcast_in_dim3A_1009] : memref<64x128xf32, #tpu.memory_space<vmem>>[vector<16xi32>, vector<16xi32>], vector<16xf32>,
      %mul3A_1041 = arith.constant 512 : i32
      %mul3A_1042 = vector.broadcast %mul3A_1041 : i32 to vector<16xi32>
      %mul3A_1043 = arith.muli %add3A_1039, %mul3A_1042 : vector<16xi32>
      %add3A_1044 = vector.broadcast %add3A_1002 : i32 to vector<16xi32>
      %add3A_1045 = arith.addi %mul3A_1043, %add3A_1044 : vector<16xi32>
      tpu.vector_store_idx %arg14[%add3A_1045], %gather3A_1040 : memref<32768xf32, #tpu.memory_space<vmem>>[vector<16xi32>], vector<16xf32>,
      %mul3A_1046 = arith.constant 128 : i32
      %mul3A_1047 = arith.muli %shift_right_logical3A_504, %mul3A_1046 : i32
      %dma_start3A_1048 = arith.constant 0 : i32
      %dma_start3A_1049 = tpu.memref_slice %arg2[%dma_start3A_1048, %mul3A_1047] : memref<64x1000000xf32, #tpu.memory_space<hbm>> -> memref<64x128xf32, #tpu.memory_space<hbm>>
      %dma_start3A_1050 = arith.constant 0 : i32
      %dma_start3A_1051 = tpu.memref_slice %arg2[%dma_start3A_1050, %mul3A_1047] : memref<64x1000000xf32, #tpu.memory_space<hbm>> -> memref<64x128xf32, #tpu.memory_space<hbm>>
      tpu.enqueue_dma source(%dma_start3A_1051 : memref<64x128xf32, #tpu.memory_space<hbm>>) target(%arg10 : memref<64x128xf32, #tpu.memory_space<vmem>>) target_semaphore(%arg19 : memref<!tpu.dma_semaphore, #tpu.memory_space<semaphore_mem>>)
      %add3A_1052 = arith.constant 5 : i32
      %add3A_1053 = arith.addi %add3A_450, %add3A_1052 : i32
      %mul3A_1054 = arith.constant 128 : i32
      %mul3A_1055 = arith.muli %shift_right_logical3A_476, %mul3A_1054 : i32
      %dma_wait3A_1056 = arith.constant 0 : i32
      %dma_wait3A_1057 = tpu.memref_slice %arg2[%dma_wait3A_1056, %mul3A_1055] : memref<64x1000000xf32, #tpu.memory_space<hbm>> -> memref<64x128xf32, #tpu.memory_space<hbm>>
      %dma_wait3A_1058 = arith.constant 0 : i32
      %dma_wait3A_1059 = tpu.memref_slice %arg2[%dma_wait3A_1058, %mul3A_1055] : memref<64x1000000xf32, #tpu.memory_space<hbm>> -> memref<64x128xf32, #tpu.memory_space<hbm>>
      tpu.wait_dma2 semaphore(%arg20 : memref<!tpu.dma_semaphore, #tpu.memory_space<semaphore_mem>>) src(%dma_wait3A_1059 : memref<64x128xf32, #tpu.memory_space<hbm>>) dst(%arg11 : memref<64x128xf32, #tpu.memory_space<vmem>>)
      %broadcast_in_dim3A_1060 = vector.broadcast %and3A_540 : i32 to vector<16xi32>
      %add3A_1061 = arith.constant 0 : i32
      %add3A_1062 = vector.broadcast %add3A_1061 : i32 to vector<16xi32>
      %add3A_1063 = arith.addi %iota3A, %add3A_1062 : vector<16xi32>
      %gather3A_1064 = tpu.vector_load_idx %arg11[%add3A_1063, %broadcast_in_dim3A_1060] : memref<64x128xf32, #tpu.memory_space<vmem>>[vector<16xi32>, vector<16xi32>], vector<16xf32>,
      %mul3A_1065 = arith.constant 512 : i32
      %mul3A_1066 = vector.broadcast %mul3A_1065 : i32 to vector<16xi32>
      %mul3A_1067 = arith.muli %add3A_1063, %mul3A_1066 : vector<16xi32>
      %add3A_1068 = vector.broadcast %add3A_1053 : i32 to vector<16xi32>
      %add3A_1069 = arith.addi %mul3A_1067, %add3A_1068 : vector<16xi32>
      tpu.vector_store_idx %arg14[%add3A_1069], %gather3A_1064 : memref<32768xf32, #tpu.memory_space<vmem>>[vector<16xi32>], vector<16xf32>,
      %add3A_1070 = arith.constant 16 : i32
      %add3A_1071 = vector.broadcast %add3A_1070 : i32 to vector<16xi32>
      %add3A_1072 = arith.addi %iota3A, %add3A_1071 : vector<16xi32>
      %gather3A_1073 = tpu.vector_load_idx %arg11[%add3A_1072, %broadcast_in_dim3A_1060] : memref<64x128xf32, #tpu.memory_space<vmem>>[vector<16xi32>, vector<16xi32>], vector<16xf32>,
      %mul3A_1074 = arith.constant 512 : i32
      %mul3A_1075 = vector.broadcast %mul3A_1074 : i32 to vector<16xi32>
      %mul3A_1076 = arith.muli %add3A_1072, %mul3A_1075 : vector<16xi32>
      %add3A_1077 = vector.broadcast %add3A_1053 : i32 to vector<16xi32>
      %add3A_1078 = arith.addi %mul3A_1076, %add3A_1077 : vector<16xi32>
      tpu.vector_store_idx %arg14[%add3A_1078], %gather3A_1073 : memref<32768xf32, #tpu.memory_space<vmem>>[vector<16xi32>], vector<16xf32>,
      %add3A_1079 = arith.constant 32 : i32
      %add3A_1080 = vector.broadcast %add3A_1079 : i32 to vector<16xi32>
      %add3A_1081 = arith.addi %iota3A, %add3A_1080 : vector<16xi32>
      %gather3A_1082 = tpu.vector_load_idx %arg11[%add3A_1081, %broadcast_in_dim3A_1060] : memref<64x128xf32, #tpu.memory_space<vmem>>[vector<16xi32>, vector<16xi32>], vector<16xf32>,
      %mul3A_1083 = arith.constant 512 : i32
      %mul3A_1084 = vector.broadcast %mul3A_1083 : i32 to vector<16xi32>
      %mul3A_1085 = arith.muli %add3A_1081, %mul3A_1084 : vector<16xi32>
      %add3A_1086 = vector.broadcast %add3A_1053 : i32 to vector<16xi32>
      %add3A_1087 = arith.addi %mul3A_1085, %add3A_1086 : vector<16xi32>
      tpu.vector_store_idx %arg14[%add3A_1087], %gather3A_1082 : memref<32768xf32, #tpu.memory_space<vmem>>[vector<16xi32>], vector<16xf32>,
      %add3A_1088 = arith.constant 48 : i32
      %add3A_1089 = vector.broadcast %add3A_1088 : i32 to vector<16xi32>
      %add3A_1090 = arith.addi %iota3A, %add3A_1089 : vector<16xi32>
      %gather3A_1091 = tpu.vector_load_idx %arg11[%add3A_1090, %broadcast_in_dim3A_1060] : memref<64x128xf32, #tpu.memory_space<vmem>>[vector<16xi32>, vector<16xi32>], vector<16xf32>,
      %mul3A_1092 = arith.constant 512 : i32
      %mul3A_1093 = vector.broadcast %mul3A_1092 : i32 to vector<16xi32>
      %mul3A_1094 = arith.muli %add3A_1090, %mul3A_1093 : vector<16xi32>
      %add3A_1095 = vector.broadcast %add3A_1053 : i32 to vector<16xi32>
      %add3A_1096 = arith.addi %mul3A_1094, %add3A_1095 : vector<16xi32>
      tpu.vector_store_idx %arg14[%add3A_1096], %gather3A_1091 : memref<32768xf32, #tpu.memory_space<vmem>>[vector<16xi32>], vector<16xf32>,
      %mul3A_1097 = arith.constant 128 : i32
      %mul3A_1098 = arith.muli %shift_right_logical3A_508, %mul3A_1097 : i32
      %dma_start3A_1099 = arith.constant 0 : i32
      %dma_start3A_1100 = tpu.memref_slice %arg2[%dma_start3A_1099, %mul3A_1098] : memref<64x1000000xf32, #tpu.memory_space<hbm>> -> memref<64x128xf32, #tpu.memory_space<hbm>>
      %dma_start3A_1101 = arith.constant 0 : i32
      %dma_start3A_1102 = tpu.memref_slice %arg2[%dma_start3A_1101, %mul3A_1098] : memref<64x1000000xf32, #tpu.memory_space<hbm>> -> memref<64x128xf32, #tpu.memory_space<hbm>>
      tpu.enqueue_dma source(%dma_start3A_1102 : memref<64x128xf32, #tpu.memory_space<hbm>>) target(%arg11 : memref<64x128xf32, #tpu.memory_space<vmem>>) target_semaphore(%arg20 : memref<!tpu.dma_semaphore, #tpu.memory_space<semaphore_mem>>)
      %add3A_1103 = arith.constant 6 : i32
      %add3A_1104 = arith.addi %add3A_450, %add3A_1103 : i32
      %mul3A_1105 = arith.constant 128 : i32
      %mul3A_1106 = arith.muli %shift_right_logical3A_480, %mul3A_1105 : i32
      %dma_wait3A_1107 = arith.constant 0 : i32
      %dma_wait3A_1108 = tpu.memref_slice %arg2[%dma_wait3A_1107, %mul3A_1106] : memref<64x1000000xf32, #tpu.memory_space<hbm>> -> memref<64x128xf32, #tpu.memory_space<hbm>>
      %dma_wait3A_1109 = arith.constant 0 : i32
      %dma_wait3A_1110 = tpu.memref_slice %arg2[%dma_wait3A_1109, %mul3A_1106] : memref<64x1000000xf32, #tpu.memory_space<hbm>> -> memref<64x128xf32, #tpu.memory_space<hbm>>
      tpu.wait_dma2 semaphore(%arg21 : memref<!tpu.dma_semaphore, #tpu.memory_space<semaphore_mem>>) src(%dma_wait3A_1110 : memref<64x128xf32, #tpu.memory_space<hbm>>) dst(%arg12 : memref<64x128xf32, #tpu.memory_space<vmem>>)
      %broadcast_in_dim3A_1111 = vector.broadcast %and3A_544 : i32 to vector<16xi32>
      %add3A_1112 = arith.constant 0 : i32
      %add3A_1113 = vector.broadcast %add3A_1112 : i32 to vector<16xi32>
      %add3A_1114 = arith.addi %iota3A, %add3A_1113 : vector<16xi32>
      %gather3A_1115 = tpu.vector_load_idx %arg12[%add3A_1114, %broadcast_in_dim3A_1111] : memref<64x128xf32, #tpu.memory_space<vmem>>[vector<16xi32>, vector<16xi32>], vector<16xf32>,
      %mul3A_1116 = arith.constant 512 : i32
      %mul3A_1117 = vector.broadcast %mul3A_1116 : i32 to vector<16xi32>
      %mul3A_1118 = arith.muli %add3A_1114, %mul3A_1117 : vector<16xi32>
      %add3A_1119 = vector.broadcast %add3A_1104 : i32 to vector<16xi32>
      %add3A_1120 = arith.addi %mul3A_1118, %add3A_1119 : vector<16xi32>
      tpu.vector_store_idx %arg14[%add3A_1120], %gather3A_1115 : memref<32768xf32, #tpu.memory_space<vmem>>[vector<16xi32>], vector<16xf32>,
      %add3A_1121 = arith.constant 16 : i32
      %add3A_1122 = vector.broadcast %add3A_1121 : i32 to vector<16xi32>
      %add3A_1123 = arith.addi %iota3A, %add3A_1122 : vector<16xi32>
      %gather3A_1124 = tpu.vector_load_idx %arg12[%add3A_1123, %broadcast_in_dim3A_1111] : memref<64x128xf32, #tpu.memory_space<vmem>>[vector<16xi32>, vector<16xi32>], vector<16xf32>,
      %mul3A_1125 = arith.constant 512 : i32
      %mul3A_1126 = vector.broadcast %mul3A_1125 : i32 to vector<16xi32>
      %mul3A_1127 = arith.muli %add3A_1123, %mul3A_1126 : vector<16xi32>
      %add3A_1128 = vector.broadcast %add3A_1104 : i32 to vector<16xi32>
      %add3A_1129 = arith.addi %mul3A_1127, %add3A_1128 : vector<16xi32>
      tpu.vector_store_idx %arg14[%add3A_1129], %gather3A_1124 : memref<32768xf32, #tpu.memory_space<vmem>>[vector<16xi32>], vector<16xf32>,
      %add3A_1130 = arith.constant 32 : i32
      %add3A_1131 = vector.broadcast %add3A_1130 : i32 to vector<16xi32>
      %add3A_1132 = arith.addi %iota3A, %add3A_1131 : vector<16xi32>
      %gather3A_1133 = tpu.vector_load_idx %arg12[%add3A_1132, %broadcast_in_dim3A_1111] : memref<64x128xf32, #tpu.memory_space<vmem>>[vector<16xi32>, vector<16xi32>], vector<16xf32>,
      %mul3A_1134 = arith.constant 512 : i32
      %mul3A_1135 = vector.broadcast %mul3A_1134 : i32 to vector<16xi32>
      %mul3A_1136 = arith.muli %add3A_1132, %mul3A_1135 : vector<16xi32>
      %add3A_1137 = vector.broadcast %add3A_1104 : i32 to vector<16xi32>
      %add3A_1138 = arith.addi %mul3A_1136, %add3A_1137 : vector<16xi32>
      tpu.vector_store_idx %arg14[%add3A_1138], %gather3A_1133 : memref<32768xf32, #tpu.memory_space<vmem>>[vector<16xi32>], vector<16xf32>,
      %add3A_1139 = arith.constant 48 : i32
      %add3A_1140 = vector.broadcast %add3A_1139 : i32 to vector<16xi32>
      %add3A_1141 = arith.addi %iota3A, %add3A_1140 : vector<16xi32>
      %gather3A_1142 = tpu.vector_load_idx %arg12[%add3A_1141, %broadcast_in_dim3A_1111] : memref<64x128xf32, #tpu.memory_space<vmem>>[vector<16xi32>, vector<16xi32>], vector<16xf32>,
      %mul3A_1143 = arith.constant 512 : i32
      %mul3A_1144 = vector.broadcast %mul3A_1143 : i32 to vector<16xi32>
      %mul3A_1145 = arith.muli %add3A_1141, %mul3A_1144 : vector<16xi32>
      %add3A_1146 = vector.broadcast %add3A_1104 : i32 to vector<16xi32>
      %add3A_1147 = arith.addi %mul3A_1145, %add3A_1146 : vector<16xi32>
      tpu.vector_store_idx %arg14[%add3A_1147], %gather3A_1142 : memref<32768xf32, #tpu.memory_space<vmem>>[vector<16xi32>], vector<16xf32>,
      %mul3A_1148 = arith.constant 128 : i32
      %mul3A_1149 = arith.muli %shift_right_logical3A_512, %mul3A_1148 : i32
      %dma_start3A_1150 = arith.constant 0 : i32
      %dma_start3A_1151 = tpu.memref_slice %arg2[%dma_start3A_1150, %mul3A_1149] : memref<64x1000000xf32, #tpu.memory_space<hbm>> -> memref<64x128xf32, #tpu.memory_space<hbm>>
      %dma_start3A_1152 = arith.constant 0 : i32
      %dma_start3A_1153 = tpu.memref_slice %arg2[%dma_start3A_1152, %mul3A_1149] : memref<64x1000000xf32, #tpu.memory_space<hbm>> -> memref<64x128xf32, #tpu.memory_space<hbm>>
      tpu.enqueue_dma source(%dma_start3A_1153 : memref<64x128xf32, #tpu.memory_space<hbm>>) target(%arg12 : memref<64x128xf32, #tpu.memory_space<vmem>>) target_semaphore(%arg21 : memref<!tpu.dma_semaphore, #tpu.memory_space<semaphore_mem>>)
      %add3A_1154 = arith.constant 7 : i32
      %add3A_1155 = arith.addi %add3A_450, %add3A_1154 : i32
      %mul3A_1156 = arith.constant 128 : i32
      %mul3A_1157 = arith.muli %shift_right_logical3A_484, %mul3A_1156 : i32
      %dma_wait3A_1158 = arith.constant 0 : i32
      %dma_wait3A_1159 = tpu.memref_slice %arg2[%dma_wait3A_1158, %mul3A_1157] : memref<64x1000000xf32, #tpu.memory_space<hbm>> -> memref<64x128xf32, #tpu.memory_space<hbm>>
      %dma_wait3A_1160 = arith.constant 0 : i32
      %dma_wait3A_1161 = tpu.memref_slice %arg2[%dma_wait3A_1160, %mul3A_1157] : memref<64x1000000xf32, #tpu.memory_space<hbm>> -> memref<64x128xf32, #tpu.memory_space<hbm>>
      tpu.wait_dma2 semaphore(%arg22 : memref<!tpu.dma_semaphore, #tpu.memory_space<semaphore_mem>>) src(%dma_wait3A_1161 : memref<64x128xf32, #tpu.memory_space<hbm>>) dst(%arg13 : memref<64x128xf32, #tpu.memory_space<vmem>>)
      %broadcast_in_dim3A_1162 = vector.broadcast %and3A_548 : i32 to vector<16xi32>
      %add3A_1163 = arith.constant 0 : i32
      %add3A_1164 = vector.broadcast %add3A_1163 : i32 to vector<16xi32>
      %add3A_1165 = arith.addi %iota3A, %add3A_1164 : vector<16xi32>
      %gather3A_1166 = tpu.vector_load_idx %arg13[%add3A_1165, %broadcast_in_dim3A_1162] : memref<64x128xf32, #tpu.memory_space<vmem>>[vector<16xi32>, vector<16xi32>], vector<16xf32>,
      %mul3A_1167 = arith.constant 512 : i32
      %mul3A_1168 = vector.broadcast %mul3A_1167 : i32 to vector<16xi32>
      %mul3A_1169 = arith.muli %add3A_1165, %mul3A_1168 : vector<16xi32>
      %add3A_1170 = vector.broadcast %add3A_1155 : i32 to vector<16xi32>
      %add3A_1171 = arith.addi %mul3A_1169, %add3A_1170 : vector<16xi32>
      tpu.vector_store_idx %arg14[%add3A_1171], %gather3A_1166 : memref<32768xf32, #tpu.memory_space<vmem>>[vector<16xi32>], vector<16xf32>,
      %add3A_1172 = arith.constant 16 : i32
      %add3A_1173 = vector.broadcast %add3A_1172 : i32 to vector<16xi32>
      %add3A_1174 = arith.addi %iota3A, %add3A_1173 : vector<16xi32>
      %gather3A_1175 = tpu.vector_load_idx %arg13[%add3A_1174, %broadcast_in_dim3A_1162] : memref<64x128xf32, #tpu.memory_space<vmem>>[vector<16xi32>, vector<16xi32>], vector<16xf32>,
      %mul3A_1176 = arith.constant 512 : i32
      %mul3A_1177 = vector.broadcast %mul3A_1176 : i32 to vector<16xi32>
      %mul3A_1178 = arith.muli %add3A_1174, %mul3A_1177 : vector<16xi32>
      %add3A_1179 = vector.broadcast %add3A_1155 : i32 to vector<16xi32>
      %add3A_1180 = arith.addi %mul3A_1178, %add3A_1179 : vector<16xi32>
      tpu.vector_store_idx %arg14[%add3A_1180], %gather3A_1175 : memref<32768xf32, #tpu.memory_space<vmem>>[vector<16xi32>], vector<16xf32>,
      %add3A_1181 = arith.constant 32 : i32
      %add3A_1182 = vector.broadcast %add3A_1181 : i32 to vector<16xi32>
      %add3A_1183 = arith.addi %iota3A, %add3A_1182 : vector<16xi32>
      %gather3A_1184 = tpu.vector_load_idx %arg13[%add3A_1183, %broadcast_in_dim3A_1162] : memref<64x128xf32, #tpu.memory_space<vmem>>[vector<16xi32>, vector<16xi32>], vector<16xf32>,
      %mul3A_1185 = arith.constant 512 : i32
      %mul3A_1186 = vector.broadcast %mul3A_1185 : i32 to vector<16xi32>
      %mul3A_1187 = arith.muli %add3A_1183, %mul3A_1186 : vector<16xi32>
      %add3A_1188 = vector.broadcast %add3A_1155 : i32 to vector<16xi32>
      %add3A_1189 = arith.addi %mul3A_1187, %add3A_1188 : vector<16xi32>
      tpu.vector_store_idx %arg14[%add3A_1189], %gather3A_1184 : memref<32768xf32, #tpu.memory_space<vmem>>[vector<16xi32>], vector<16xf32>,
      %add3A_1190 = arith.constant 48 : i32
      %add3A_1191 = vector.broadcast %add3A_1190 : i32 to vector<16xi32>
      %add3A_1192 = arith.addi %iota3A, %add3A_1191 : vector<16xi32>
      %gather3A_1193 = tpu.vector_load_idx %arg13[%add3A_1192, %broadcast_in_dim3A_1162] : memref<64x128xf32, #tpu.memory_space<vmem>>[vector<16xi32>, vector<16xi32>], vector<16xf32>,
      %mul3A_1194 = arith.constant 512 : i32
      %mul3A_1195 = vector.broadcast %mul3A_1194 : i32 to vector<16xi32>
      %mul3A_1196 = arith.muli %add3A_1192, %mul3A_1195 : vector<16xi32>
      %add3A_1197 = vector.broadcast %add3A_1155 : i32 to vector<16xi32>
      %add3A_1198 = arith.addi %mul3A_1196, %add3A_1197 : vector<16xi32>
      tpu.vector_store_idx %arg14[%add3A_1198], %gather3A_1193 : memref<32768xf32, #tpu.memory_space<vmem>>[vector<16xi32>], vector<16xf32>,
      %mul3A_1199 = arith.constant 128 : i32
      %mul3A_1200 = arith.muli %shift_right_logical3A_516, %mul3A_1199 : i32
      %dma_start3A_1201 = arith.constant 0 : i32
      %dma_start3A_1202 = tpu.memref_slice %arg2[%dma_start3A_1201, %mul3A_1200] : memref<64x1000000xf32, #tpu.memory_space<hbm>> -> memref<64x128xf32, #tpu.memory_space<hbm>>
      %dma_start3A_1203 = arith.constant 0 : i32
      %dma_start3A_1204 = tpu.memref_slice %arg2[%dma_start3A_1203, %mul3A_1200] : memref<64x1000000xf32, #tpu.memory_space<hbm>> -> memref<64x128xf32, #tpu.memory_space<hbm>>
      tpu.enqueue_dma source(%dma_start3A_1204 : memref<64x128xf32, #tpu.memory_space<hbm>>) target(%arg13 : memref<64x128xf32, #tpu.memory_space<vmem>>) target_semaphore(%arg22 : memref<!tpu.dma_semaphore, #tpu.memory_space<semaphore_mem>>)
    }
    %scan3A_6 = arith.constant 32 : i32
    %get3A = arith.constant 496 : index
    %get3A_7 = tpu.vector_load %arg5[%get3A] {strides = array<i32>} : memref<512xi32, #tpu.memory_space<vmem>>, vector<16xi32>,
    %slice3A = vector.extract_strided_slice %get3A_7 {offsets = [8], sizes = [1], strides = [1]} : vector<16xi32> to vector<1xi32>
    %squeeze3A = vector.extract %slice3A[0] : i32 from vector<1xi32>
    %shift_right_logical3A = arith.constant 7 : i32
    %shift_right_logical3A_8 = arith.shrui %squeeze3A, %shift_right_logical3A : i32
    %slice3A_9 = vector.extract_strided_slice %get3A_7 {offsets = [8], sizes = [1], strides = [1]} : vector<16xi32> to vector<1xi32>
    %squeeze3A_10 = vector.extract %slice3A_9[0] : i32 from vector<1xi32>
    %and3A = arith.constant 127 : i32
    %and3A_11 = arith.andi %squeeze3A_10, %and3A : i32
    %mul3A_12 = arith.constant 128 : i32
    %mul3A_13 = arith.muli %shift_right_logical3A_8, %mul3A_12 : i32
    %dma_wait3A = arith.constant 0 : i32
    %dma_wait3A_14 = tpu.memref_slice %arg2[%dma_wait3A, %mul3A_13] : memref<64x1000000xf32, #tpu.memory_space<hbm>> -> memref<64x128xf32, #tpu.memory_space<hbm>>
    %dma_wait3A_15 = arith.constant 0 : i32
    %dma_wait3A_16 = tpu.memref_slice %arg2[%dma_wait3A_15, %mul3A_13] : memref<64x1000000xf32, #tpu.memory_space<hbm>> -> memref<64x128xf32, #tpu.memory_space<hbm>>
    tpu.wait_dma2 semaphore(%arg15 : memref<!tpu.dma_semaphore, #tpu.memory_space<semaphore_mem>>) src(%dma_wait3A_16 : memref<64x128xf32, #tpu.memory_space<hbm>>) dst(%arg6 : memref<64x128xf32, #tpu.memory_space<vmem>>)
    %broadcast_in_dim3A = vector.broadcast %and3A_11 : i32 to vector<16xi32>
    %add3A_17 = arith.constant 0 : i32
    %add3A_18 = vector.broadcast %add3A_17 : i32 to vector<16xi32>
    %add3A_19 = arith.addi %iota3A, %add3A_18 : vector<16xi32>
    %gather3A = tpu.vector_load_idx %arg6[%add3A_19, %broadcast_in_dim3A] : memref<64x128xf32, #tpu.memory_space<vmem>>[vector<16xi32>, vector<16xi32>], vector<16xf32>,
    %mul3A_20 = arith.constant 512 : i32
    %mul3A_21 = vector.broadcast %mul3A_20 : i32 to vector<16xi32>
    %mul3A_22 = arith.muli %add3A_19, %mul3A_21 : vector<16xi32>
    %add3A_23 = arith.constant 504 : i32
    %add3A_24 = vector.broadcast %add3A_23 : i32 to vector<16xi32>
    %add3A_25 = arith.addi %mul3A_22, %add3A_24 : vector<16xi32>
    tpu.vector_store_idx %arg14[%add3A_25], %gather3A : memref<32768xf32, #tpu.memory_space<vmem>>[vector<16xi32>], vector<16xf32>,
    %add3A_26 = arith.constant 16 : i32
    %add3A_27 = vector.broadcast %add3A_26 : i32 to vector<16xi32>
    %add3A_28 = arith.addi %iota3A, %add3A_27 : vector<16xi32>
    %gather3A_29 = tpu.vector_load_idx %arg6[%add3A_28, %broadcast_in_dim3A] : memref<64x128xf32, #tpu.memory_space<vmem>>[vector<16xi32>, vector<16xi32>], vector<16xf32>,
    %mul3A_30 = arith.constant 512 : i32
    %mul3A_31 = vector.broadcast %mul3A_30 : i32 to vector<16xi32>
    %mul3A_32 = arith.muli %add3A_28, %mul3A_31 : vector<16xi32>
    %add3A_33 = arith.constant 504 : i32
    %add3A_34 = vector.broadcast %add3A_33 : i32 to vector<16xi32>
    %add3A_35 = arith.addi %mul3A_32, %add3A_34 : vector<16xi32>
    tpu.vector_store_idx %arg14[%add3A_35], %gather3A_29 : memref<32768xf32, #tpu.memory_space<vmem>>[vector<16xi32>], vector<16xf32>,
    %add3A_36 = arith.constant 32 : i32
    %add3A_37 = vector.broadcast %add3A_36 : i32 to vector<16xi32>
    %add3A_38 = arith.addi %iota3A, %add3A_37 : vector<16xi32>
    %gather3A_39 = tpu.vector_load_idx %arg6[%add3A_38, %broadcast_in_dim3A] : memref<64x128xf32, #tpu.memory_space<vmem>>[vector<16xi32>, vector<16xi32>], vector<16xf32>,
    %mul3A_40 = arith.constant 512 : i32
    %mul3A_41 = vector.broadcast %mul3A_40 : i32 to vector<16xi32>
    %mul3A_42 = arith.muli %add3A_38, %mul3A_41 : vector<16xi32>
    %add3A_43 = arith.constant 504 : i32
    %add3A_44 = vector.broadcast %add3A_43 : i32 to vector<16xi32>
    %add3A_45 = arith.addi %mul3A_42, %add3A_44 : vector<16xi32>
    tpu.vector_store_idx %arg14[%add3A_45], %gather3A_39 : memref<32768xf32, #tpu.memory_space<vmem>>[vector<16xi32>], vector<16xf32>,
    %add3A_46 = arith.constant 48 : i32
    %add3A_47 = vector.broadcast %add3A_46 : i32 to vector<16xi32>
    %add3A_48 = arith.addi %iota3A, %add3A_47 : vector<16xi32>
    %gather3A_49 = tpu.vector_load_idx %arg6[%add3A_48, %broadcast_in_dim3A] : memref<64x128xf32, #tpu.memory_space<vmem>>[vector<16xi32>, vector<16xi32>], vector<16xf32>,
    %mul3A_50 = arith.constant 512 : i32
    %mul3A_51 = vector.broadcast %mul3A_50 : i32 to vector<16xi32>
    %mul3A_52 = arith.muli %add3A_48, %mul3A_51 : vector<16xi32>
    %add3A_53 = arith.constant 504 : i32
    %add3A_54 = vector.broadcast %add3A_53 : i32 to vector<16xi32>
    %add3A_55 = arith.addi %mul3A_52, %add3A_54 : vector<16xi32>
    tpu.vector_store_idx %arg14[%add3A_55], %gather3A_49 : memref<32768xf32, #tpu.memory_space<vmem>>[vector<16xi32>], vector<16xf32>,
    %slice3A_56 = vector.extract_strided_slice %get3A_7 {offsets = [9], sizes = [1], strides = [1]} : vector<16xi32> to vector<1xi32>
    %squeeze3A_57 = vector.extract %slice3A_56[0] : i32 from vector<1xi32>
    %shift_right_logical3A_58 = arith.constant 7 : i32
    %shift_right_logical3A_59 = arith.shrui %squeeze3A_57, %shift_right_logical3A_58 : i32
    %slice3A_60 = vector.extract_strided_slice %get3A_7 {offsets = [9], sizes = [1], strides = [1]} : vector<16xi32> to vector<1xi32>
    %squeeze3A_61 = vector.extract %slice3A_60[0] : i32 from vector<1xi32>
    %and3A_62 = arith.constant 127 : i32
    %and3A_63 = arith.andi %squeeze3A_61, %and3A_62 : i32
    %mul3A_64 = arith.constant 128 : i32
    %mul3A_65 = arith.muli %shift_right_logical3A_59, %mul3A_64 : i32
    %dma_wait3A_66 = arith.constant 0 : i32
    %dma_wait3A_67 = tpu.memref_slice %arg2[%dma_wait3A_66, %mul3A_65] : memref<64x1000000xf32, #tpu.memory_space<hbm>> -> memref<64x128xf32, #tpu.memory_space<hbm>>
    %dma_wait3A_68 = arith.constant 0 : i32
    %dma_wait3A_69 = tpu.memref_slice %arg2[%dma_wait3A_68, %mul3A_65] : memref<64x1000000xf32, #tpu.memory_space<hbm>> -> memref<64x128xf32, #tpu.memory_space<hbm>>
    tpu.wait_dma2 semaphore(%arg16 : memref<!tpu.dma_semaphore, #tpu.memory_space<semaphore_mem>>) src(%dma_wait3A_69 : memref<64x128xf32, #tpu.memory_space<hbm>>) dst(%arg7 : memref<64x128xf32, #tpu.memory_space<vmem>>)
    %broadcast_in_dim3A_70 = vector.broadcast %and3A_63 : i32 to vector<16xi32>
    %add3A_71 = arith.constant 0 : i32
    %add3A_72 = vector.broadcast %add3A_71 : i32 to vector<16xi32>
    %add3A_73 = arith.addi %iota3A, %add3A_72 : vector<16xi32>
    %gather3A_74 = tpu.vector_load_idx %arg7[%add3A_73, %broadcast_in_dim3A_70] : memref<64x128xf32, #tpu.memory_space<vmem>>[vector<16xi32>, vector<16xi32>], vector<16xf32>,
    %mul3A_75 = arith.constant 512 : i32
    %mul3A_76 = vector.broadcast %mul3A_75 : i32 to vector<16xi32>
    %mul3A_77 = arith.muli %add3A_73, %mul3A_76 : vector<16xi32>
    %add3A_78 = arith.constant 505 : i32
    %add3A_79 = vector.broadcast %add3A_78 : i32 to vector<16xi32>
    %add3A_80 = arith.addi %mul3A_77, %add3A_79 : vector<16xi32>
    tpu.vector_store_idx %arg14[%add3A_80], %gather3A_74 : memref<32768xf32, #tpu.memory_space<vmem>>[vector<16xi32>], vector<16xf32>,
    %add3A_81 = arith.constant 16 : i32
    %add3A_82 = vector.broadcast %add3A_81 : i32 to vector<16xi32>
    %add3A_83 = arith.addi %iota3A, %add3A_82 : vector<16xi32>
    %gather3A_84 = tpu.vector_load_idx %arg7[%add3A_83, %broadcast_in_dim3A_70] : memref<64x128xf32, #tpu.memory_space<vmem>>[vector<16xi32>, vector<16xi32>], vector<16xf32>,
    %mul3A_85 = arith.constant 512 : i32
    %mul3A_86 = vector.broadcast %mul3A_85 : i32 to vector<16xi32>
    %mul3A_87 = arith.muli %add3A_83, %mul3A_86 : vector<16xi32>
    %add3A_88 = arith.constant 505 : i32
    %add3A_89 = vector.broadcast %add3A_88 : i32 to vector<16xi32>
    %add3A_90 = arith.addi %mul3A_87, %add3A_89 : vector<16xi32>
    tpu.vector_store_idx %arg14[%add3A_90], %gather3A_84 : memref<32768xf32, #tpu.memory_space<vmem>>[vector<16xi32>], vector<16xf32>,
    %add3A_91 = arith.constant 32 : i32
    %add3A_92 = vector.broadcast %add3A_91 : i32 to vector<16xi32>
    %add3A_93 = arith.addi %iota3A, %add3A_92 : vector<16xi32>
    %gather3A_94 = tpu.vector_load_idx %arg7[%add3A_93, %broadcast_in_dim3A_70] : memref<64x128xf32, #tpu.memory_space<vmem>>[vector<16xi32>, vector<16xi32>], vector<16xf32>,
    %mul3A_95 = arith.constant 512 : i32
    %mul3A_96 = vector.broadcast %mul3A_95 : i32 to vector<16xi32>
    %mul3A_97 = arith.muli %add3A_93, %mul3A_96 : vector<16xi32>
    %add3A_98 = arith.constant 505 : i32
    %add3A_99 = vector.broadcast %add3A_98 : i32 to vector<16xi32>
    %add3A_100 = arith.addi %mul3A_97, %add3A_99 : vector<16xi32>
    tpu.vector_store_idx %arg14[%add3A_100], %gather3A_94 : memref<32768xf32, #tpu.memory_space<vmem>>[vector<16xi32>], vector<16xf32>,
    %add3A_101 = arith.constant 48 : i32
    %add3A_102 = vector.broadcast %add3A_101 : i32 to vector<16xi32>
    %add3A_103 = arith.addi %iota3A, %add3A_102 : vector<16xi32>
    %gather3A_104 = tpu.vector_load_idx %arg7[%add3A_103, %broadcast_in_dim3A_70] : memref<64x128xf32, #tpu.memory_space<vmem>>[vector<16xi32>, vector<16xi32>], vector<16xf32>,
    %mul3A_105 = arith.constant 512 : i32
    %mul3A_106 = vector.broadcast %mul3A_105 : i32 to vector<16xi32>
    %mul3A_107 = arith.muli %add3A_103, %mul3A_106 : vector<16xi32>
    %add3A_108 = arith.constant 505 : i32
    %add3A_109 = vector.broadcast %add3A_108 : i32 to vector<16xi32>
    %add3A_110 = arith.addi %mul3A_107, %add3A_109 : vector<16xi32>
    tpu.vector_store_idx %arg14[%add3A_110], %gather3A_104 : memref<32768xf32, #tpu.memory_space<vmem>>[vector<16xi32>], vector<16xf32>,
    %slice3A_111 = vector.extract_strided_slice %get3A_7 {offsets = [10], sizes = [1], strides = [1]} : vector<16xi32> to vector<1xi32>
    %squeeze3A_112 = vector.extract %slice3A_111[0] : i32 from vector<1xi32>
    %shift_right_logical3A_113 = arith.constant 7 : i32
    %shift_right_logical3A_114 = arith.shrui %squeeze3A_112, %shift_right_logical3A_113 : i32
    %slice3A_115 = vector.extract_strided_slice %get3A_7 {offsets = [10], sizes = [1], strides = [1]} : vector<16xi32> to vector<1xi32>
    %squeeze3A_116 = vector.extract %slice3A_115[0] : i32 from vector<1xi32>
    %and3A_117 = arith.constant 127 : i32
    %and3A_118 = arith.andi %squeeze3A_116, %and3A_117 : i32
    %mul3A_119 = arith.constant 128 : i32
    %mul3A_120 = arith.muli %shift_right_logical3A_114, %mul3A_119 : i32
    %dma_wait3A_121 = arith.constant 0 : i32
    %dma_wait3A_122 = tpu.memref_slice %arg2[%dma_wait3A_121, %mul3A_120] : memref<64x1000000xf32, #tpu.memory_space<hbm>> -> memref<64x128xf32, #tpu.memory_space<hbm>>
    %dma_wait3A_123 = arith.constant 0 : i32
    %dma_wait3A_124 = tpu.memref_slice %arg2[%dma_wait3A_123, %mul3A_120] : memref<64x1000000xf32, #tpu.memory_space<hbm>> -> memref<64x128xf32, #tpu.memory_space<hbm>>
    tpu.wait_dma2 semaphore(%arg17 : memref<!tpu.dma_semaphore, #tpu.memory_space<semaphore_mem>>) src(%dma_wait3A_124 : memref<64x128xf32, #tpu.memory_space<hbm>>) dst(%arg8 : memref<64x128xf32, #tpu.memory_space<vmem>>)
    %broadcast_in_dim3A_125 = vector.broadcast %and3A_118 : i32 to vector<16xi32>
    %add3A_126 = arith.constant 0 : i32
    %add3A_127 = vector.broadcast %add3A_126 : i32 to vector<16xi32>
    %add3A_128 = arith.addi %iota3A, %add3A_127 : vector<16xi32>
    %gather3A_129 = tpu.vector_load_idx %arg8[%add3A_128, %broadcast_in_dim3A_125] : memref<64x128xf32, #tpu.memory_space<vmem>>[vector<16xi32>, vector<16xi32>], vector<16xf32>,
    %mul3A_130 = arith.constant 512 : i32
    %mul3A_131 = vector.broadcast %mul3A_130 : i32 to vector<16xi32>
    %mul3A_132 = arith.muli %add3A_128, %mul3A_131 : vector<16xi32>
    %add3A_133 = arith.constant 506 : i32
    %add3A_134 = vector.broadcast %add3A_133 : i32 to vector<16xi32>
    %add3A_135 = arith.addi %mul3A_132, %add3A_134 : vector<16xi32>
    tpu.vector_store_idx %arg14[%add3A_135], %gather3A_129 : memref<32768xf32, #tpu.memory_space<vmem>>[vector<16xi32>], vector<16xf32>,
    %add3A_136 = arith.constant 16 : i32
    %add3A_137 = vector.broadcast %add3A_136 : i32 to vector<16xi32>
    %add3A_138 = arith.addi %iota3A, %add3A_137 : vector<16xi32>
    %gather3A_139 = tpu.vector_load_idx %arg8[%add3A_138, %broadcast_in_dim3A_125] : memref<64x128xf32, #tpu.memory_space<vmem>>[vector<16xi32>, vector<16xi32>], vector<16xf32>,
    %mul3A_140 = arith.constant 512 : i32
    %mul3A_141 = vector.broadcast %mul3A_140 : i32 to vector<16xi32>
    %mul3A_142 = arith.muli %add3A_138, %mul3A_141 : vector<16xi32>
    %add3A_143 = arith.constant 506 : i32
    %add3A_144 = vector.broadcast %add3A_143 : i32 to vector<16xi32>
    %add3A_145 = arith.addi %mul3A_142, %add3A_144 : vector<16xi32>
    tpu.vector_store_idx %arg14[%add3A_145], %gather3A_139 : memref<32768xf32, #tpu.memory_space<vmem>>[vector<16xi32>], vector<16xf32>,
    %add3A_146 = arith.constant 32 : i32
    %add3A_147 = vector.broadcast %add3A_146 : i32 to vector<16xi32>
    %add3A_148 = arith.addi %iota3A, %add3A_147 : vector<16xi32>
    %gather3A_149 = tpu.vector_load_idx %arg8[%add3A_148, %broadcast_in_dim3A_125] : memref<64x128xf32, #tpu.memory_space<vmem>>[vector<16xi32>, vector<16xi32>], vector<16xf32>,
    %mul3A_150 = arith.constant 512 : i32
    %mul3A_151 = vector.broadcast %mul3A_150 : i32 to vector<16xi32>
    %mul3A_152 = arith.muli %add3A_148, %mul3A_151 : vector<16xi32>
    %add3A_153 = arith.constant 506 : i32
    %add3A_154 = vector.broadcast %add3A_153 : i32 to vector<16xi32>
    %add3A_155 = arith.addi %mul3A_152, %add3A_154 : vector<16xi32>
    tpu.vector_store_idx %arg14[%add3A_155], %gather3A_149 : memref<32768xf32, #tpu.memory_space<vmem>>[vector<16xi32>], vector<16xf32>,
    %add3A_156 = arith.constant 48 : i32
    %add3A_157 = vector.broadcast %add3A_156 : i32 to vector<16xi32>
    %add3A_158 = arith.addi %iota3A, %add3A_157 : vector<16xi32>
    %gather3A_159 = tpu.vector_load_idx %arg8[%add3A_158, %broadcast_in_dim3A_125] : memref<64x128xf32, #tpu.memory_space<vmem>>[vector<16xi32>, vector<16xi32>], vector<16xf32>,
    %mul3A_160 = arith.constant 512 : i32
    %mul3A_161 = vector.broadcast %mul3A_160 : i32 to vector<16xi32>
    %mul3A_162 = arith.muli %add3A_158, %mul3A_161 : vector<16xi32>
    %add3A_163 = arith.constant 506 : i32
    %add3A_164 = vector.broadcast %add3A_163 : i32 to vector<16xi32>
    %add3A_165 = arith.addi %mul3A_162, %add3A_164 : vector<16xi32>
    tpu.vector_store_idx %arg14[%add3A_165], %gather3A_159 : memref<32768xf32, #tpu.memory_space<vmem>>[vector<16xi32>], vector<16xf32>,
    %slice3A_166 = vector.extract_strided_slice %get3A_7 {offsets = [11], sizes = [1], strides = [1]} : vector<16xi32> to vector<1xi32>
    %squeeze3A_167 = vector.extract %slice3A_166[0] : i32 from vector<1xi32>
    %shift_right_logical3A_168 = arith.constant 7 : i32
    %shift_right_logical3A_169 = arith.shrui %squeeze3A_167, %shift_right_logical3A_168 : i32
    %slice3A_170 = vector.extract_strided_slice %get3A_7 {offsets = [11], sizes = [1], strides = [1]} : vector<16xi32> to vector<1xi32>
    %squeeze3A_171 = vector.extract %slice3A_170[0] : i32 from vector<1xi32>
    %and3A_172 = arith.constant 127 : i32
    %and3A_173 = arith.andi %squeeze3A_171, %and3A_172 : i32
    %mul3A_174 = arith.constant 128 : i32
    %mul3A_175 = arith.muli %shift_right_logical3A_169, %mul3A_174 : i32
    %dma_wait3A_176 = arith.constant 0 : i32
    %dma_wait3A_177 = tpu.memref_slice %arg2[%dma_wait3A_176, %mul3A_175] : memref<64x1000000xf32, #tpu.memory_space<hbm>> -> memref<64x128xf32, #tpu.memory_space<hbm>>
    %dma_wait3A_178 = arith.constant 0 : i32
    %dma_wait3A_179 = tpu.memref_slice %arg2[%dma_wait3A_178, %mul3A_175] : memref<64x1000000xf32, #tpu.memory_space<hbm>> -> memref<64x128xf32, #tpu.memory_space<hbm>>
    tpu.wait_dma2 semaphore(%arg18 : memref<!tpu.dma_semaphore, #tpu.memory_space<semaphore_mem>>) src(%dma_wait3A_179 : memref<64x128xf32, #tpu.memory_space<hbm>>) dst(%arg9 : memref<64x128xf32, #tpu.memory_space<vmem>>)
    %broadcast_in_dim3A_180 = vector.broadcast %and3A_173 : i32 to vector<16xi32>
    %add3A_181 = arith.constant 0 : i32
    %add3A_182 = vector.broadcast %add3A_181 : i32 to vector<16xi32>
    %add3A_183 = arith.addi %iota3A, %add3A_182 : vector<16xi32>
    %gather3A_184 = tpu.vector_load_idx %arg9[%add3A_183, %broadcast_in_dim3A_180] : memref<64x128xf32, #tpu.memory_space<vmem>>[vector<16xi32>, vector<16xi32>], vector<16xf32>,
    %mul3A_185 = arith.constant 512 : i32
    %mul3A_186 = vector.broadcast %mul3A_185 : i32 to vector<16xi32>
    %mul3A_187 = arith.muli %add3A_183, %mul3A_186 : vector<16xi32>
    %add3A_188 = arith.constant 507 : i32
    %add3A_189 = vector.broadcast %add3A_188 : i32 to vector<16xi32>
    %add3A_190 = arith.addi %mul3A_187, %add3A_189 : vector<16xi32>
    tpu.vector_store_idx %arg14[%add3A_190], %gather3A_184 : memref<32768xf32, #tpu.memory_space<vmem>>[vector<16xi32>], vector<16xf32>,
    %add3A_191 = arith.constant 16 : i32
    %add3A_192 = vector.broadcast %add3A_191 : i32 to vector<16xi32>
    %add3A_193 = arith.addi %iota3A, %add3A_192 : vector<16xi32>
    %gather3A_194 = tpu.vector_load_idx %arg9[%add3A_193, %broadcast_in_dim3A_180] : memref<64x128xf32, #tpu.memory_space<vmem>>[vector<16xi32>, vector<16xi32>], vector<16xf32>,
    %mul3A_195 = arith.constant 512 : i32
    %mul3A_196 = vector.broadcast %mul3A_195 : i32 to vector<16xi32>
    %mul3A_197 = arith.muli %add3A_193, %mul3A_196 : vector<16xi32>
    %add3A_198 = arith.constant 507 : i32
    %add3A_199 = vector.broadcast %add3A_198 : i32 to vector<16xi32>
    %add3A_200 = arith.addi %mul3A_197, %add3A_199 : vector<16xi32>
    tpu.vector_store_idx %arg14[%add3A_200], %gather3A_194 : memref<32768xf32, #tpu.memory_space<vmem>>[vector<16xi32>], vector<16xf32>,
    %add3A_201 = arith.constant 32 : i32
    %add3A_202 = vector.broadcast %add3A_201 : i32 to vector<16xi32>
    %add3A_203 = arith.addi %iota3A, %add3A_202 : vector<16xi32>
    %gather3A_204 = tpu.vector_load_idx %arg9[%add3A_203, %broadcast_in_dim3A_180] : memref<64x128xf32, #tpu.memory_space<vmem>>[vector<16xi32>, vector<16xi32>], vector<16xf32>,
    %mul3A_205 = arith.constant 512 : i32
    %mul3A_206 = vector.broadcast %mul3A_205 : i32 to vector<16xi32>
    %mul3A_207 = arith.muli %add3A_203, %mul3A_206 : vector<16xi32>
    %add3A_208 = arith.constant 507 : i32
    %add3A_209 = vector.broadcast %add3A_208 : i32 to vector<16xi32>
    %add3A_210 = arith.addi %mul3A_207, %add3A_209 : vector<16xi32>
    tpu.vector_store_idx %arg14[%add3A_210], %gather3A_204 : memref<32768xf32, #tpu.memory_space<vmem>>[vector<16xi32>], vector<16xf32>,
    %add3A_211 = arith.constant 48 : i32
    %add3A_212 = vector.broadcast %add3A_211 : i32 to vector<16xi32>
    %add3A_213 = arith.addi %iota3A, %add3A_212 : vector<16xi32>
    %gather3A_214 = tpu.vector_load_idx %arg9[%add3A_213, %broadcast_in_dim3A_180] : memref<64x128xf32, #tpu.memory_space<vmem>>[vector<16xi32>, vector<16xi32>], vector<16xf32>,
    %mul3A_215 = arith.constant 512 : i32
    %mul3A_216 = vector.broadcast %mul3A_215 : i32 to vector<16xi32>
    %mul3A_217 = arith.muli %add3A_213, %mul3A_216 : vector<16xi32>
    %add3A_218 = arith.constant 507 : i32
    %add3A_219 = vector.broadcast %add3A_218 : i32 to vector<16xi32>
    %add3A_220 = arith.addi %mul3A_217, %add3A_219 : vector<16xi32>
    tpu.vector_store_idx %arg14[%add3A_220], %gather3A_214 : memref<32768xf32, #tpu.memory_space<vmem>>[vector<16xi32>], vector<16xf32>,
    %slice3A_221 = vector.extract_strided_slice %get3A_7 {offsets = [12], sizes = [1], strides = [1]} : vector<16xi32> to vector<1xi32>
    %squeeze3A_222 = vector.extract %slice3A_221[0] : i32 from vector<1xi32>
    %shift_right_logical3A_223 = arith.constant 7 : i32
    %shift_right_logical3A_224 = arith.shrui %squeeze3A_222, %shift_right_logical3A_223 : i32
    %slice3A_225 = vector.extract_strided_slice %get3A_7 {offsets = [12], sizes = [1], strides = [1]} : vector<16xi32> to vector<1xi32>
    %squeeze3A_226 = vector.extract %slice3A_225[0] : i32 from vector<1xi32>
    %and3A_227 = arith.constant 127 : i32
    %and3A_228 = arith.andi %squeeze3A_226, %and3A_227 : i32
    %mul3A_229 = arith.constant 128 : i32
    %mul3A_230 = arith.muli %shift_right_logical3A_224, %mul3A_229 : i32
    %dma_wait3A_231 = arith.constant 0 : i32
    %dma_wait3A_232 = tpu.memref_slice %arg2[%dma_wait3A_231, %mul3A_230] : memref<64x1000000xf32, #tpu.memory_space<hbm>> -> memref<64x128xf32, #tpu.memory_space<hbm>>
    %dma_wait3A_233 = arith.constant 0 : i32
    %dma_wait3A_234 = tpu.memref_slice %arg2[%dma_wait3A_233, %mul3A_230] : memref<64x1000000xf32, #tpu.memory_space<hbm>> -> memref<64x128xf32, #tpu.memory_space<hbm>>
    tpu.wait_dma2 semaphore(%arg19 : memref<!tpu.dma_semaphore, #tpu.memory_space<semaphore_mem>>) src(%dma_wait3A_234 : memref<64x128xf32, #tpu.memory_space<hbm>>) dst(%arg10 : memref<64x128xf32, #tpu.memory_space<vmem>>)
    %broadcast_in_dim3A_235 = vector.broadcast %and3A_228 : i32 to vector<16xi32>
    %add3A_236 = arith.constant 0 : i32
    %add3A_237 = vector.broadcast %add3A_236 : i32 to vector<16xi32>
    %add3A_238 = arith.addi %iota3A, %add3A_237 : vector<16xi32>
    %gather3A_239 = tpu.vector_load_idx %arg10[%add3A_238, %broadcast_in_dim3A_235] : memref<64x128xf32, #tpu.memory_space<vmem>>[vector<16xi32>, vector<16xi32>], vector<16xf32>,
    %mul3A_240 = arith.constant 512 : i32
    %mul3A_241 = vector.broadcast %mul3A_240 : i32 to vector<16xi32>
    %mul3A_242 = arith.muli %add3A_238, %mul3A_241 : vector<16xi32>
    %add3A_243 = arith.constant 508 : i32
    %add3A_244 = vector.broadcast %add3A_243 : i32 to vector<16xi32>
    %add3A_245 = arith.addi %mul3A_242, %add3A_244 : vector<16xi32>
    tpu.vector_store_idx %arg14[%add3A_245], %gather3A_239 : memref<32768xf32, #tpu.memory_space<vmem>>[vector<16xi32>], vector<16xf32>,
    %add3A_246 = arith.constant 16 : i32
    %add3A_247 = vector.broadcast %add3A_246 : i32 to vector<16xi32>
    %add3A_248 = arith.addi %iota3A, %add3A_247 : vector<16xi32>
    %gather3A_249 = tpu.vector_load_idx %arg10[%add3A_248, %broadcast_in_dim3A_235] : memref<64x128xf32, #tpu.memory_space<vmem>>[vector<16xi32>, vector<16xi32>], vector<16xf32>,
    %mul3A_250 = arith.constant 512 : i32
    %mul3A_251 = vector.broadcast %mul3A_250 : i32 to vector<16xi32>
    %mul3A_252 = arith.muli %add3A_248, %mul3A_251 : vector<16xi32>
    %add3A_253 = arith.constant 508 : i32
    %add3A_254 = vector.broadcast %add3A_253 : i32 to vector<16xi32>
    %add3A_255 = arith.addi %mul3A_252, %add3A_254 : vector<16xi32>
    tpu.vector_store_idx %arg14[%add3A_255], %gather3A_249 : memref<32768xf32, #tpu.memory_space<vmem>>[vector<16xi32>], vector<16xf32>,
    %add3A_256 = arith.constant 32 : i32
    %add3A_257 = vector.broadcast %add3A_256 : i32 to vector<16xi32>
    %add3A_258 = arith.addi %iota3A, %add3A_257 : vector<16xi32>
    %gather3A_259 = tpu.vector_load_idx %arg10[%add3A_258, %broadcast_in_dim3A_235] : memref<64x128xf32, #tpu.memory_space<vmem>>[vector<16xi32>, vector<16xi32>], vector<16xf32>,
    %mul3A_260 = arith.constant 512 : i32
    %mul3A_261 = vector.broadcast %mul3A_260 : i32 to vector<16xi32>
    %mul3A_262 = arith.muli %add3A_258, %mul3A_261 : vector<16xi32>
    %add3A_263 = arith.constant 508 : i32
    %add3A_264 = vector.broadcast %add3A_263 : i32 to vector<16xi32>
    %add3A_265 = arith.addi %mul3A_262, %add3A_264 : vector<16xi32>
    tpu.vector_store_idx %arg14[%add3A_265], %gather3A_259 : memref<32768xf32, #tpu.memory_space<vmem>>[vector<16xi32>], vector<16xf32>,
    %add3A_266 = arith.constant 48 : i32
    %add3A_267 = vector.broadcast %add3A_266 : i32 to vector<16xi32>
    %add3A_268 = arith.addi %iota3A, %add3A_267 : vector<16xi32>
    %gather3A_269 = tpu.vector_load_idx %arg10[%add3A_268, %broadcast_in_dim3A_235] : memref<64x128xf32, #tpu.memory_space<vmem>>[vector<16xi32>, vector<16xi32>], vector<16xf32>,
    %mul3A_270 = arith.constant 512 : i32
    %mul3A_271 = vector.broadcast %mul3A_270 : i32 to vector<16xi32>
    %mul3A_272 = arith.muli %add3A_268, %mul3A_271 : vector<16xi32>
    %add3A_273 = arith.constant 508 : i32
    %add3A_274 = vector.broadcast %add3A_273 : i32 to vector<16xi32>
    %add3A_275 = arith.addi %mul3A_272, %add3A_274 : vector<16xi32>
    tpu.vector_store_idx %arg14[%add3A_275], %gather3A_269 : memref<32768xf32, #tpu.memory_space<vmem>>[vector<16xi32>], vector<16xf32>,
    %slice3A_276 = vector.extract_strided_slice %get3A_7 {offsets = [13], sizes = [1], strides = [1]} : vector<16xi32> to vector<1xi32>
    %squeeze3A_277 = vector.extract %slice3A_276[0] : i32 from vector<1xi32>
    %shift_right_logical3A_278 = arith.constant 7 : i32
    %shift_right_logical3A_279 = arith.shrui %squeeze3A_277, %shift_right_logical3A_278 : i32
    %slice3A_280 = vector.extract_strided_slice %get3A_7 {offsets = [13], sizes = [1], strides = [1]} : vector<16xi32> to vector<1xi32>
    %squeeze3A_281 = vector.extract %slice3A_280[0] : i32 from vector<1xi32>
    %and3A_282 = arith.constant 127 : i32
    %and3A_283 = arith.andi %squeeze3A_281, %and3A_282 : i32
    %mul3A_284 = arith.constant 128 : i32
    %mul3A_285 = arith.muli %shift_right_logical3A_279, %mul3A_284 : i32
    %dma_wait3A_286 = arith.constant 0 : i32
    %dma_wait3A_287 = tpu.memref_slice %arg2[%dma_wait3A_286, %mul3A_285] : memref<64x1000000xf32, #tpu.memory_space<hbm>> -> memref<64x128xf32, #tpu.memory_space<hbm>>
    %dma_wait3A_288 = arith.constant 0 : i32
    %dma_wait3A_289 = tpu.memref_slice %arg2[%dma_wait3A_288, %mul3A_285] : memref<64x1000000xf32, #tpu.memory_space<hbm>> -> memref<64x128xf32, #tpu.memory_space<hbm>>
    tpu.wait_dma2 semaphore(%arg20 : memref<!tpu.dma_semaphore, #tpu.memory_space<semaphore_mem>>) src(%dma_wait3A_289 : memref<64x128xf32, #tpu.memory_space<hbm>>) dst(%arg11 : memref<64x128xf32, #tpu.memory_space<vmem>>)
    %broadcast_in_dim3A_290 = vector.broadcast %and3A_283 : i32 to vector<16xi32>
    %add3A_291 = arith.constant 0 : i32
    %add3A_292 = vector.broadcast %add3A_291 : i32 to vector<16xi32>
    %add3A_293 = arith.addi %iota3A, %add3A_292 : vector<16xi32>
    %gather3A_294 = tpu.vector_load_idx %arg11[%add3A_293, %broadcast_in_dim3A_290] : memref<64x128xf32, #tpu.memory_space<vmem>>[vector<16xi32>, vector<16xi32>], vector<16xf32>,
    %mul3A_295 = arith.constant 512 : i32
    %mul3A_296 = vector.broadcast %mul3A_295 : i32 to vector<16xi32>
    %mul3A_297 = arith.muli %add3A_293, %mul3A_296 : vector<16xi32>
    %add3A_298 = arith.constant 509 : i32
    %add3A_299 = vector.broadcast %add3A_298 : i32 to vector<16xi32>
    %add3A_300 = arith.addi %mul3A_297, %add3A_299 : vector<16xi32>
    tpu.vector_store_idx %arg14[%add3A_300], %gather3A_294 : memref<32768xf32, #tpu.memory_space<vmem>>[vector<16xi32>], vector<16xf32>,
    %add3A_301 = arith.constant 16 : i32
    %add3A_302 = vector.broadcast %add3A_301 : i32 to vector<16xi32>
    %add3A_303 = arith.addi %iota3A, %add3A_302 : vector<16xi32>
    %gather3A_304 = tpu.vector_load_idx %arg11[%add3A_303, %broadcast_in_dim3A_290] : memref<64x128xf32, #tpu.memory_space<vmem>>[vector<16xi32>, vector<16xi32>], vector<16xf32>,
    %mul3A_305 = arith.constant 512 : i32
    %mul3A_306 = vector.broadcast %mul3A_305 : i32 to vector<16xi32>
    %mul3A_307 = arith.muli %add3A_303, %mul3A_306 : vector<16xi32>
    %add3A_308 = arith.constant 509 : i32
    %add3A_309 = vector.broadcast %add3A_308 : i32 to vector<16xi32>
    %add3A_310 = arith.addi %mul3A_307, %add3A_309 : vector<16xi32>
    tpu.vector_store_idx %arg14[%add3A_310], %gather3A_304 : memref<32768xf32, #tpu.memory_space<vmem>>[vector<16xi32>], vector<16xf32>,
    %add3A_311 = arith.constant 32 : i32
    %add3A_312 = vector.broadcast %add3A_311 : i32 to vector<16xi32>
    %add3A_313 = arith.addi %iota3A, %add3A_312 : vector<16xi32>
    %gather3A_314 = tpu.vector_load_idx %arg11[%add3A_313, %broadcast_in_dim3A_290] : memref<64x128xf32, #tpu.memory_space<vmem>>[vector<16xi32>, vector<16xi32>], vector<16xf32>,
    %mul3A_315 = arith.constant 512 : i32
    %mul3A_316 = vector.broadcast %mul3A_315 : i32 to vector<16xi32>
    %mul3A_317 = arith.muli %add3A_313, %mul3A_316 : vector<16xi32>
    %add3A_318 = arith.constant 509 : i32
    %add3A_319 = vector.broadcast %add3A_318 : i32 to vector<16xi32>
    %add3A_320 = arith.addi %mul3A_317, %add3A_319 : vector<16xi32>
    tpu.vector_store_idx %arg14[%add3A_320], %gather3A_314 : memref<32768xf32, #tpu.memory_space<vmem>>[vector<16xi32>], vector<16xf32>,
    %add3A_321 = arith.constant 48 : i32
    %add3A_322 = vector.broadcast %add3A_321 : i32 to vector<16xi32>
    %add3A_323 = arith.addi %iota3A, %add3A_322 : vector<16xi32>
    %gather3A_324 = tpu.vector_load_idx %arg11[%add3A_323, %broadcast_in_dim3A_290] : memref<64x128xf32, #tpu.memory_space<vmem>>[vector<16xi32>, vector<16xi32>], vector<16xf32>,
    %mul3A_325 = arith.constant 512 : i32
    %mul3A_326 = vector.broadcast %mul3A_325 : i32 to vector<16xi32>
    %mul3A_327 = arith.muli %add3A_323, %mul3A_326 : vector<16xi32>
    %add3A_328 = arith.constant 509 : i32
    %add3A_329 = vector.broadcast %add3A_328 : i32 to vector<16xi32>
    %add3A_330 = arith.addi %mul3A_327, %add3A_329 : vector<16xi32>
    tpu.vector_store_idx %arg14[%add3A_330], %gather3A_324 : memref<32768xf32, #tpu.memory_space<vmem>>[vector<16xi32>], vector<16xf32>,
    %slice3A_331 = vector.extract_strided_slice %get3A_7 {offsets = [14], sizes = [1], strides = [1]} : vector<16xi32> to vector<1xi32>
    %squeeze3A_332 = vector.extract %slice3A_331[0] : i32 from vector<1xi32>
    %shift_right_logical3A_333 = arith.constant 7 : i32
    %shift_right_logical3A_334 = arith.shrui %squeeze3A_332, %shift_right_logical3A_333 : i32
    %slice3A_335 = vector.extract_strided_slice %get3A_7 {offsets = [14], sizes = [1], strides = [1]} : vector<16xi32> to vector<1xi32>
    %squeeze3A_336 = vector.extract %slice3A_335[0] : i32 from vector<1xi32>
    %and3A_337 = arith.constant 127 : i32
    %and3A_338 = arith.andi %squeeze3A_336, %and3A_337 : i32
    %mul3A_339 = arith.constant 128 : i32
    %mul3A_340 = arith.muli %shift_right_logical3A_334, %mul3A_339 : i32
    %dma_wait3A_341 = arith.constant 0 : i32
    %dma_wait3A_342 = tpu.memref_slice %arg2[%dma_wait3A_341, %mul3A_340] : memref<64x1000000xf32, #tpu.memory_space<hbm>> -> memref<64x128xf32, #tpu.memory_space<hbm>>
    %dma_wait3A_343 = arith.constant 0 : i32
    %dma_wait3A_344 = tpu.memref_slice %arg2[%dma_wait3A_343, %mul3A_340] : memref<64x1000000xf32, #tpu.memory_space<hbm>> -> memref<64x128xf32, #tpu.memory_space<hbm>>
    tpu.wait_dma2 semaphore(%arg21 : memref<!tpu.dma_semaphore, #tpu.memory_space<semaphore_mem>>) src(%dma_wait3A_344 : memref<64x128xf32, #tpu.memory_space<hbm>>) dst(%arg12 : memref<64x128xf32, #tpu.memory_space<vmem>>)
    %broadcast_in_dim3A_345 = vector.broadcast %and3A_338 : i32 to vector<16xi32>
    %add3A_346 = arith.constant 0 : i32
    %add3A_347 = vector.broadcast %add3A_346 : i32 to vector<16xi32>
    %add3A_348 = arith.addi %iota3A, %add3A_347 : vector<16xi32>
    %gather3A_349 = tpu.vector_load_idx %arg12[%add3A_348, %broadcast_in_dim3A_345] : memref<64x128xf32, #tpu.memory_space<vmem>>[vector<16xi32>, vector<16xi32>], vector<16xf32>,
    %mul3A_350 = arith.constant 512 : i32
    %mul3A_351 = vector.broadcast %mul3A_350 : i32 to vector<16xi32>
    %mul3A_352 = arith.muli %add3A_348, %mul3A_351 : vector<16xi32>
    %add3A_353 = arith.constant 510 : i32
    %add3A_354 = vector.broadcast %add3A_353 : i32 to vector<16xi32>
    %add3A_355 = arith.addi %mul3A_352, %add3A_354 : vector<16xi32>
    tpu.vector_store_idx %arg14[%add3A_355], %gather3A_349 : memref<32768xf32, #tpu.memory_space<vmem>>[vector<16xi32>], vector<16xf32>,
    %add3A_356 = arith.constant 16 : i32
    %add3A_357 = vector.broadcast %add3A_356 : i32 to vector<16xi32>
    %add3A_358 = arith.addi %iota3A, %add3A_357 : vector<16xi32>
    %gather3A_359 = tpu.vector_load_idx %arg12[%add3A_358, %broadcast_in_dim3A_345] : memref<64x128xf32, #tpu.memory_space<vmem>>[vector<16xi32>, vector<16xi32>], vector<16xf32>,
    %mul3A_360 = arith.constant 512 : i32
    %mul3A_361 = vector.broadcast %mul3A_360 : i32 to vector<16xi32>
    %mul3A_362 = arith.muli %add3A_358, %mul3A_361 : vector<16xi32>
    %add3A_363 = arith.constant 510 : i32
    %add3A_364 = vector.broadcast %add3A_363 : i32 to vector<16xi32>
    %add3A_365 = arith.addi %mul3A_362, %add3A_364 : vector<16xi32>
    tpu.vector_store_idx %arg14[%add3A_365], %gather3A_359 : memref<32768xf32, #tpu.memory_space<vmem>>[vector<16xi32>], vector<16xf32>,
    %add3A_366 = arith.constant 32 : i32
    %add3A_367 = vector.broadcast %add3A_366 : i32 to vector<16xi32>
    %add3A_368 = arith.addi %iota3A, %add3A_367 : vector<16xi32>
    %gather3A_369 = tpu.vector_load_idx %arg12[%add3A_368, %broadcast_in_dim3A_345] : memref<64x128xf32, #tpu.memory_space<vmem>>[vector<16xi32>, vector<16xi32>], vector<16xf32>,
    %mul3A_370 = arith.constant 512 : i32
    %mul3A_371 = vector.broadcast %mul3A_370 : i32 to vector<16xi32>
    %mul3A_372 = arith.muli %add3A_368, %mul3A_371 : vector<16xi32>
    %add3A_373 = arith.constant 510 : i32
    %add3A_374 = vector.broadcast %add3A_373 : i32 to vector<16xi32>
    %add3A_375 = arith.addi %mul3A_372, %add3A_374 : vector<16xi32>
    tpu.vector_store_idx %arg14[%add3A_375], %gather3A_369 : memref<32768xf32, #tpu.memory_space<vmem>>[vector<16xi32>], vector<16xf32>,
    %add3A_376 = arith.constant 48 : i32
    %add3A_377 = vector.broadcast %add3A_376 : i32 to vector<16xi32>
    %add3A_378 = arith.addi %iota3A, %add3A_377 : vector<16xi32>
    %gather3A_379 = tpu.vector_load_idx %arg12[%add3A_378, %broadcast_in_dim3A_345] : memref<64x128xf32, #tpu.memory_space<vmem>>[vector<16xi32>, vector<16xi32>], vector<16xf32>,
    %mul3A_380 = arith.constant 512 : i32
    %mul3A_381 = vector.broadcast %mul3A_380 : i32 to vector<16xi32>
    %mul3A_382 = arith.muli %add3A_378, %mul3A_381 : vector<16xi32>
    %add3A_383 = arith.constant 510 : i32
    %add3A_384 = vector.broadcast %add3A_383 : i32 to vector<16xi32>
    %add3A_385 = arith.addi %mul3A_382, %add3A_384 : vector<16xi32>
    tpu.vector_store_idx %arg14[%add3A_385], %gather3A_379 : memref<32768xf32, #tpu.memory_space<vmem>>[vector<16xi32>], vector<16xf32>,
    %slice3A_386 = vector.extract_strided_slice %get3A_7 {offsets = [15], sizes = [1], strides = [1]} : vector<16xi32> to vector<1xi32>
    %squeeze3A_387 = vector.extract %slice3A_386[0] : i32 from vector<1xi32>
    %shift_right_logical3A_388 = arith.constant 7 : i32
    %shift_right_logical3A_389 = arith.shrui %squeeze3A_387, %shift_right_logical3A_388 : i32
    %slice3A_390 = vector.extract_strided_slice %get3A_7 {offsets = [15], sizes = [1], strides = [1]} : vector<16xi32> to vector<1xi32>
    %squeeze3A_391 = vector.extract %slice3A_390[0] : i32 from vector<1xi32>
    %and3A_392 = arith.constant 127 : i32
    %and3A_393 = arith.andi %squeeze3A_391, %and3A_392 : i32
    %mul3A_394 = arith.constant 128 : i32
    %mul3A_395 = arith.muli %shift_right_logical3A_389, %mul3A_394 : i32
    %dma_wait3A_396 = arith.constant 0 : i32
    %dma_wait3A_397 = tpu.memref_slice %arg2[%dma_wait3A_396, %mul3A_395] : memref<64x1000000xf32, #tpu.memory_space<hbm>> -> memref<64x128xf32, #tpu.memory_space<hbm>>
    %dma_wait3A_398 = arith.constant 0 : i32
    %dma_wait3A_399 = tpu.memref_slice %arg2[%dma_wait3A_398, %mul3A_395] : memref<64x1000000xf32, #tpu.memory_space<hbm>> -> memref<64x128xf32, #tpu.memory_space<hbm>>
    tpu.wait_dma2 semaphore(%arg22 : memref<!tpu.dma_semaphore, #tpu.memory_space<semaphore_mem>>) src(%dma_wait3A_399 : memref<64x128xf32, #tpu.memory_space<hbm>>) dst(%arg13 : memref<64x128xf32, #tpu.memory_space<vmem>>)
    %broadcast_in_dim3A_400 = vector.broadcast %and3A_393 : i32 to vector<16xi32>
    %add3A_401 = arith.constant 0 : i32
    %add3A_402 = vector.broadcast %add3A_401 : i32 to vector<16xi32>
    %add3A_403 = arith.addi %iota3A, %add3A_402 : vector<16xi32>
    %gather3A_404 = tpu.vector_load_idx %arg13[%add3A_403, %broadcast_in_dim3A_400] : memref<64x128xf32, #tpu.memory_space<vmem>>[vector<16xi32>, vector<16xi32>], vector<16xf32>,
    %mul3A_405 = arith.constant 512 : i32
    %mul3A_406 = vector.broadcast %mul3A_405 : i32 to vector<16xi32>
    %mul3A_407 = arith.muli %add3A_403, %mul3A_406 : vector<16xi32>
    %add3A_408 = arith.constant 511 : i32
    %add3A_409 = vector.broadcast %add3A_408 : i32 to vector<16xi32>
    %add3A_410 = arith.addi %mul3A_407, %add3A_409 : vector<16xi32>
    tpu.vector_store_idx %arg14[%add3A_410], %gather3A_404 : memref<32768xf32, #tpu.memory_space<vmem>>[vector<16xi32>], vector<16xf32>,
    %add3A_411 = arith.constant 16 : i32
    %add3A_412 = vector.broadcast %add3A_411 : i32 to vector<16xi32>
    %add3A_413 = arith.addi %iota3A, %add3A_412 : vector<16xi32>
    %gather3A_414 = tpu.vector_load_idx %arg13[%add3A_413, %broadcast_in_dim3A_400] : memref<64x128xf32, #tpu.memory_space<vmem>>[vector<16xi32>, vector<16xi32>], vector<16xf32>,
    %mul3A_415 = arith.constant 512 : i32
    %mul3A_416 = vector.broadcast %mul3A_415 : i32 to vector<16xi32>
    %mul3A_417 = arith.muli %add3A_413, %mul3A_416 : vector<16xi32>
    %add3A_418 = arith.constant 511 : i32
    %add3A_419 = vector.broadcast %add3A_418 : i32 to vector<16xi32>
    %add3A_420 = arith.addi %mul3A_417, %add3A_419 : vector<16xi32>
    tpu.vector_store_idx %arg14[%add3A_420], %gather3A_414 : memref<32768xf32, #tpu.memory_space<vmem>>[vector<16xi32>], vector<16xf32>,
    %add3A_421 = arith.constant 32 : i32
    %add3A_422 = vector.broadcast %add3A_421 : i32 to vector<16xi32>
    %add3A_423 = arith.addi %iota3A, %add3A_422 : vector<16xi32>
    %gather3A_424 = tpu.vector_load_idx %arg13[%add3A_423, %broadcast_in_dim3A_400] : memref<64x128xf32, #tpu.memory_space<vmem>>[vector<16xi32>, vector<16xi32>], vector<16xf32>,
    %mul3A_425 = arith.constant 512 : i32
    %mul3A_426 = vector.broadcast %mul3A_425 : i32 to vector<16xi32>
    %mul3A_427 = arith.muli %add3A_423, %mul3A_426 : vector<16xi32>
    %add3A_428 = arith.constant 511 : i32
    %add3A_429 = vector.broadcast %add3A_428 : i32 to vector<16xi32>
    %add3A_430 = arith.addi %mul3A_427, %add3A_429 : vector<16xi32>
    tpu.vector_store_idx %arg14[%add3A_430], %gather3A_424 : memref<32768xf32, #tpu.memory_space<vmem>>[vector<16xi32>], vector<16xf32>,
    %add3A_431 = arith.constant 48 : i32
    %add3A_432 = vector.broadcast %add3A_431 : i32 to vector<16xi32>
    %add3A_433 = arith.addi %iota3A, %add3A_432 : vector<16xi32>
    %gather3A_434 = tpu.vector_load_idx %arg13[%add3A_433, %broadcast_in_dim3A_400] : memref<64x128xf32, #tpu.memory_space<vmem>>[vector<16xi32>, vector<16xi32>], vector<16xf32>,
    %mul3A_435 = arith.constant 512 : i32
    %mul3A_436 = vector.broadcast %mul3A_435 : i32 to vector<16xi32>
    %mul3A_437 = arith.muli %add3A_433, %mul3A_436 : vector<16xi32>
    %add3A_438 = arith.constant 511 : i32
    %add3A_439 = vector.broadcast %add3A_438 : i32 to vector<16xi32>
    %add3A_440 = arith.addi %mul3A_437, %add3A_439 : vector<16xi32>
    tpu.vector_store_idx %arg14[%add3A_440], %gather3A_434 : memref<32768xf32, #tpu.memory_space<vmem>>[vector<16xi32>], vector<16xf32>,
    %scan3A_441 = arith.constant 0 : i32
    %scan3A_442 = arith.constant 64 : i32
    %scan3A_443 = arith.addi %scan3A_441, %scan3A_442 : i32
    %scan3A_444 = arith.constant 1 : i32
    scf.for %scan3A_446 = %scan3A_441 to %scan3A_443 step %scan3A_444  : i32 {
      %mul3A_447 = arith.constant 1 : i32
      %mul3A_448 = arith.muli %scan3A_446, %mul3A_447 : i32
      %add3A_449 = arith.constant 0 : i32
      %add3A_450 = arith.addi %add3A_449, %mul3A_448 : i32
      %mul3A_451 = arith.constant 512 : i32
      %mul3A_452 = arith.muli %add3A_450, %mul3A_451 : i32
      "tpu.region"() ({
        %run_scoped3A = tpu.sem_alloc : memref<!tpu.dma_semaphore, #tpu.memory_space<semaphore_mem>>
        %dma_start3A = tpu.memref_slice %arg14[%mul3A_452] : memref<32768xf32, #tpu.memory_space<vmem>> -> memref<512xf32, #tpu.memory_space<vmem>>
        %dma_start3A_453 = arith.constant 0 : i32
        %dma_start3A_454 = tpu.memref_slice %arg4[%add3A_450, %dma_start3A_453] : memref<64x16384xf32, #tpu.memory_space<hbm>> -> memref<1x16384xf32, #tpu.memory_space<hbm>>
        %dma_start3A_455 = tpu.memref_squeeze %dma_start3A_454 : memref<1x16384xf32, #tpu.memory_space<hbm>> -> memref<16384xf32, #tpu.memory_space<hbm>>
        %dma_start3A_456 = tpu.memref_slice %dma_start3A_455[%mul3A_2] : memref<16384xf32, #tpu.memory_space<hbm>> -> memref<512xf32, #tpu.memory_space<hbm>>
        %dma_start3A_457 = arith.constant 0 : i32
        %dma_start3A_458 = tpu.memref_slice %arg4[%add3A_450, %dma_start3A_457] : memref<64x16384xf32, #tpu.memory_space<hbm>> -> memref<1x16384xf32, #tpu.memory_space<hbm>>
        %dma_start3A_459 = tpu.memref_squeeze %dma_start3A_458 : memref<1x16384xf32, #tpu.memory_space<hbm>> -> memref<16384xf32, #tpu.memory_space<hbm>>
        %dma_start3A_460 = tpu.memref_slice %dma_start3A_459[%mul3A_2] : memref<16384xf32, #tpu.memory_space<hbm>> -> memref<512xf32, #tpu.memory_space<hbm>>
        %dma_start3A_461 = tpu.memref_slice %arg14[%mul3A_452] : memref<32768xf32, #tpu.memory_space<vmem>> -> memref<512xf32, #tpu.memory_space<vmem>>
        tpu.enqueue_dma source(%dma_start3A_461 : memref<512xf32, #tpu.memory_space<vmem>>) target(%dma_start3A_460 : memref<512xf32, #tpu.memory_space<hbm>>) target_semaphore(%run_scoped3A : memref<!tpu.dma_semaphore, #tpu.memory_space<semaphore_mem>>)
        %dma_wait3A_462 = tpu.memref_slice %arg14[%mul3A_452] : memref<32768xf32, #tpu.memory_space<vmem>> -> memref<512xf32, #tpu.memory_space<vmem>>
        %dma_wait3A_463 = arith.constant 0 : i32
        %dma_wait3A_464 = tpu.memref_slice %arg4[%add3A_450, %dma_wait3A_463] : memref<64x16384xf32, #tpu.memory_space<hbm>> -> memref<1x16384xf32, #tpu.memory_space<hbm>>
        %dma_wait3A_465 = tpu.memref_squeeze %dma_wait3A_464 : memref<1x16384xf32, #tpu.memory_space<hbm>> -> memref<16384xf32, #tpu.memory_space<hbm>>
        %dma_wait3A_466 = tpu.memref_slice %dma_wait3A_465[%mul3A_2] : memref<16384xf32, #tpu.memory_space<hbm>> -> memref<512xf32, #tpu.memory_space<hbm>>
        %dma_wait3A_467 = arith.constant 0 : i32
        %dma_wait3A_468 = tpu.memref_slice %arg4[%add3A_450, %dma_wait3A_467] : memref<64x16384xf32, #tpu.memory_space<hbm>> -> memref<1x16384xf32, #tpu.memory_space<hbm>>
        %dma_wait3A_469 = tpu.memref_squeeze %dma_wait3A_468 : memref<1x16384xf32, #tpu.memory_space<hbm>> -> memref<16384xf32, #tpu.memory_space<hbm>>
        %dma_wait3A_470 = tpu.memref_slice %dma_wait3A_469[%mul3A_2] : memref<16384xf32, #tpu.memory_space<hbm>> -> memref<512xf32, #tpu.memory_space<hbm>>
        %dma_wait3A_471 = tpu.memref_slice %arg14[%mul3A_452] : memref<32768xf32, #tpu.memory_space<vmem>> -> memref<512xf32, #tpu.memory_space<vmem>>
        tpu.wait_dma2 semaphore(%run_scoped3A : memref<!tpu.dma_semaphore, #tpu.memory_space<semaphore_mem>>) src(%dma_wait3A_471 : memref<512xf32, #tpu.memory_space<vmem>>) dst(%dma_wait3A_470 : memref<512xf32, #tpu.memory_space<hbm>>)
        tpu.yield
      }) : () -> ()
    }
    %scan3A_445 = arith.constant 64 : i32
    return
  }
}

</mosaic_0001>

<sc_bundles>
// kernel: kernel.3.cloned.1.call-start
scs
__scs_entry_jumppad:
0x0: {  	(pc) =	sbr.rel $0x88, $3  }
0x1: {  	(tag) =	ssettag $0x0;
	lr =	simm.s32 $0x1  }
0x2: {  	[smem:$0x3F9F] =	sst lr;
	_ =	strace $0xD0000000  }
0x3: {  	_ = 	snop  }
0x4: {  	_ = 	snop  }
0x5: {  	_ = 	snop  }
0x6: {  	_ = 	snop  }
0x7: {  	_ = 	snop  }
__scs_overlays_trampoline_lowered:
0x8: {  	[smem:$0x3FAE] =	sst s0  }
0x9: {  	[smem:$0x3FAF] =	sst s1  }
0xa: {  	[smem:$0x3FB0] =	sst s2  }
0xb: {  	[smem:$0x3FB1] =	sst s3  }
0xc: {  	[smem:$0x3FB2] =	sst s4  }
0xd: {  	[smem:$0x3FB3] =	sst s5  }
0xe: {  	[smem:$0x3FB4] =	sst s6  }
0xf: {  	[smem:$0x3FB5] =	sst s7  }
0x10: {  	[smem:$0x3FB6] =	sst s8  }
0x11: {  	[smem:$0x3FB7] =	sst s9;
	s0 =	simm.s32 @!p0 $0x0  }
0x12: {  	s1 =	sld [smem:$0x3F9D];
	s0 =	simm.s32 @p0 $0x1  }
0x13: {  	[smem:$0x3FB8] =	sst s0;
	s0 =	simm.s32 @!p1 $0x0  }
0x14: {  	s2 =	sld [smem:$0x3F9C];
	s0 =	simm.s32 @p1 $0x1  }
0x15: {  	[smem:$0x3FB9] =	sst s0;
	s0 =	simm.s32 @!p2 $0x0  }
0x16: {  	s3 =	sld [smem:$0x3FDB];
	s0 =	simm.s32 @p2 $0x1  }
0x17: {  	s4 =	simm.s32 $0x1BF5;
	[smem:$0x3FBB] =	sst s0  }
0x18: {  	s0 =	sld [smem:$0x3F9E];
	_ =	swait.ge [sflag:s4], $0x0  }
0x19: {  	s7 =	sld [smem:$0x3F9F]  }
0x1a: {  	s8 =	sadd.s32 $0xFFFFE003, lr  }
0x1b: {  	s9 =	sadd.s32 $0xFFFFFEF7, lr;
	s5 =	simm.s32 $0xFFFFFFFF;
	p2 =	slt.u32 s8, $0xFFFFF086  }
0x1c: {  	p1 =	slt.u32 s9, $0xF7A;
	s5 =	simm.s32 @!p2 $0x0  }
0x1d: {  	s5 =	simm.s32 @p1 $0x1;
	p0 =	seq.s32 s7, s2  }
0x1e: {  	s7 =	smul.u32 @!p0 $0xF7A, s2;
	p2 =	seq.s32 @!p0 s5, $0x0  }
0x1f: {  	s9 =	smul.u32 $0xF7A, s1;
	s8 =	simm.s32 @!p0 $0x1BF5;
	p2 =	por !p2, p0  }
0x20: {  	[sflag:s8] =	ssyncset.s32 @!p0 $0xFFFFF086;
	s6 =	sadd.s32 @!p0 s3, s7;
	s7 =	simm.s32 @!p0 $0x108  }
0x21: {  	s3 =	sadd.s32 s3, s9;
	s6 =	sadd.s32 @!p0 $0x88, s6;
	s7 =	simm.s32 @p2 $0x1082  }
0x22: {  	[simem:s7], [sflag:s8] =	dma.local @!p0 [hbm:s6], $0xF7A  }
0x23: {  	s9 =	sor.u32 $0xD0000000, s2;
	s6 =	simm.s32 $0x108;
	_ =	swait.ge @!p0 [sflag:s8], $0x0  }
0x24: {  	s3 =	sadd.s32 $0x88, s3;
	s6 =	simm.s32 @!p1 $0x1082;
	[sflag:s4] =	ssyncset.s32 $0xFFFFF086  }
0x25: {  	[simem:s6], [sflag:s4] =	dma.local [hbm:s3], $0xF7A  }
0x26: {  	[smem:$0x3F9F] =	sst s1;
	(tag) =	ssettag s2;
	_ =	strace s9  }
0x27: {  	s1 =	sld [smem:$0x3FAF]  }
0x28: {  	s2 =	sld [smem:$0x3FB0]  }
0x29: {  	s4 =	sld [smem:$0x3FB2]  }
0x2a: {  	p0 =	seq.s32 s5, $0x0;
	s5 =	sld [smem:$0x3FB3]  }
0x2b: {  	s6 =	sld [smem:$0x3FB4]  }
0x2c: {  	s7 =	sld [smem:$0x3FB5]  }
0x2d: {  	s3 =	simm.s32 $0x108;
	s8 =	sld [smem:$0x3FB6]  }
0x2e: {  	s3 =	simm.s32 @!p0 $0x1082;
	s9 =	sld [smem:$0x3FB7]  }
0x2f: {  	lr =	sadd.s32 s0, s3;
	s0 =	sld [smem:$0x3FAE]  }
0x30: {  	s3 =	sld [smem:$0x3FB1]  }
0x31: {  	[smem:$0x3FBA] =	sst s10  }
0x32: {  	s10 =	sld [smem:$0x3FB8];
	_ =	sdelay $0x3  }
0x33: {  	p0 =	seq.s32 s10, $0x1;
	s10 =	sld [smem:$0x3FBA];
	_ =	sdelay $0x3  }
0x34: {  	[smem:$0x3FBA] =	sst s10  }
0x35: {  	s10 =	sld [smem:$0x3FB9];
	_ =	sdelay $0x3  }
0x36: {  	p1 =	seq.s32 s10, $0x1;
	s10 =	sld [smem:$0x3FBA];
	_ =	sdelay $0x3  }
0x37: {  	[smem:$0x3FBA] =	sst s10  }
0x38: {  	s10 =	sld [smem:$0x3FBB]  }
0x39: {  	_ = 	snop;
	(pc) =	sbr.ind lr, $3  }
0x3a: {  	_ = 	snop  }
0x3b: {  	_ = 	snop  }
0x3c: {  	p2 =	seq.s32 s10, $0x1;
	s10 =	sld [smem:$0x3FBA]  }
0x3d: {  	_ =	shalt  }
0x3e: {  	_ =	shalt  }
0x3f: {  	_ =	shalt  }
0x40: {  	_ =	shalt  }
0x41: {  	_ =	shalt  }
0x42: {  	_ =	shalt  }
0x43: {  	_ =	shalt  }
0x44: {  	_ =	shalt  }
0x45: {  	_ =	shalt  }
0x46: {  	_ =	shalt  }
0x47: {  	_ =	shalt  }
0x48: {  	_ =	shalt  }
0x49: {  	_ =	shalt  }
0x4a: {  	_ =	shalt  }
0x4b: {  	_ =	shalt  }
0x4c: {  	_ =	shalt  }
0x4d: {  	_ =	shalt  }
0x4e: {  	_ =	shalt  }
0x4f: {  	_ =	shalt  }
0x50: {  	_ =	shalt  }
0x51: {  	_ =	shalt  }
0x52: {  	_ =	shalt  }
0x53: {  	_ =	shalt  }
0x54: {  	_ =	shalt  }
0x55: {  	_ =	shalt  }
0x56: {  	_ =	shalt  }
0x57: {  	_ =	shalt  }
0x58: {  	_ =	shalt  }
0x59: {  	_ =	shalt  }
0x5a: {  	_ =	shalt  }
0x5b: {  	_ =	shalt  }
0x5c: {  	_ =	shalt  }
0x5d: {  	_ =	shalt  }
0x5e: {  	_ =	shalt  }
0x5f: {  	_ =	shalt  }
0x60: {  	_ =	shalt  }
0x61: {  	_ =	shalt  }
0x62: {  	_ =	shalt  }
0x63: {  	_ =	shalt  }
0x64: {  	_ =	shalt  }
0x65: {  	_ =	shalt  }
0x66: {  	_ =	shalt  }
0x67: {  	_ =	shalt  }
0x68: {  	_ =	shalt  }
0x69: {  	_ =	shalt  }
0x6a: {  	_ =	shalt  }
0x6b: {  	_ =	shalt  }
0x6c: {  	_ =	shalt  }
0x6d: {  	_ =	shalt  }
0x6e: {  	_ =	shalt  }
0x6f: {  	_ =	shalt  }
0x70: {  	_ =	shalt  }
0x71: {  	_ =	shalt  }
0x72: {  	_ =	shalt  }
0x73: {  	_ =	shalt  }
0x74: {  	_ =	shalt  }
0x75: {  	_ =	shalt  }
0x76: {  	_ =	shalt  }
0x77: {  	_ =	shalt  }
0x78: {  	_ =	shalt  }
0x79: {  	_ =	shalt  }
0x7a: {  	_ =	shalt  }
0x7b: {  	_ =	shalt  }
0x7c: {  	_ =	shalt  }
0x7d: {  	_ =	shalt  }
0x7e: {  	_ =	shalt  }
0x7f: {  	_ =	shalt  }
0x80: {  	_ =	shalt  }
0x81: {  	_ =	shalt  }
0x82: {  	_ =	shalt  }
0x83: {  	_ =	shalt  }
0x84: {  	_ =	shalt  }
0x85: {  	_ =	shalt  }
0x86: {  	_ =	shalt  }
0x87: {  	_ =	shalt  }
.Lfunc_end0:
.L_simem_size_0:
called_computation_lowered:
.L_overlay_start_0:
0x88: {  	s2 =	sld [smem:$0x3FD9]  }
0x89: {  	s3 =	sld [smem:$0x3FFE];
	_ =	sdelay $0x1  }
0x8a: {  	s1 =	srdreg.scid  }
0x8b: {  	s0 =	sand.u32 $0x1, s1  }
0x8c: {  	s18 =	sshll.u32 s0, $0xA;
	s2 =	sadd.s32 s3, s2  }
0x8d: {  	s2 =	sadd.s32 s2, s18  }
0x8e: {  	[smem:$0x3FC6] =	sst s2  }
0x8f: {  	_ = 	snop  }
0x90: {  	s2 =	sld [smem:$0x3FC9]  }
0x91: {  	s19 =	sld [smem:$0x3FC8]  }
0x92: {  	s4 =	sld [smem:$0x3FD0];
	(tm) =	ssettm $0x1  }
0x93: {  	s5 =	sld [smem:$0x3FFB];
	_ =	sdelay $0x3  }
0x94: {  	_ =	strace s5  }
0x95: {  	s5 =	sld [smem:$0x3FFC];
	_ =	sdelay $0x3  }
0x96: {  	_ =	strace s5  }
0x97: {  	s5 =	sld [smem:$0x3FFD];
	_ =	sdelay $0x3  }
0x98: {  	_ =	strace s5  }
0x99: {  	_ =	strace $0x8FFFFFFF  }
0x9a: {  	s20 =	sld [smem:$0x3FDB];
	_ =	sdelay $0x1  }
0x9b: {  	s6 =	simm.s32 $_scs_section_size  }
0x9c: {  	s7 =	simm.s32 $_size__tile_overlayer_lowered;
	s8 =	simm.s32 $_tile_overlayer_lowered  }
0x9d: {  	s23 =	simm.s32 $0x1BFF;
	s22 =	sshll.u32 s8, $0x1;
	s5 =	sadd.s32 s6, s20  }
0x9e: {  	s9 =	simm.s32 $0x0;
	s21 =	sshll.u32 s7, $0x1;
	s7 =	sadd.s32 s22, s5  }
0x9f: {  	[timem:s9], [sflag:s23] =	dma.local [hbm:s7], s21  }
0xa0: {  	_ =	swait.ge [sflag:s23], s21  }
0xa1: {  	s6 =	ssub.s32 $0x0, s21;
	[sflag:s23] =	ssyncset.done $0x0  }
0xa2: {  	[sflag:s23] =	ssyncadd.s32 s6;
	_ =	sdelay $0x1  }
0xa3: {  	s24 =	simm.s32 $0x1B8B  }
0xa4: {  	_ =	swait.ge [sflag:s24], $0x1  }
0xa5: {  	[sflag:s24] =	ssyncset.done $0x0  }
0xa6: {  	s25 =	simm.s32 $0x1B8E;
	[sflag:s24] =	ssyncadd.s32 $0xFFFFFFFF  }
0xa7: {  	s26 =	simm.s32 $execute0_lowered;
	[smem:$0x3FD2] =	sst s25  }
0xa8: {  	s6 =	sshll.u32 s26, $0x1;
	_ =	strace $0x80000046;
	[dreg:$0x1] =	wrdreg $0xFFFFFFFF  }
0xa9: {  	s28 =	simm.s32 $_size_execute0_lowered;
	s5 =	sadd.s32 s5, s6;
	[dreg:$0x0] =	wrdreg $0x0  }
0xaa: {  	s6 =	sshll.u32 s28, $0x1;
	[dreg:$0x2] =	wrdreg s5  }
0xab: {  	[dreg:$0x3] =	wrdreg s6  }
0xac: {  	[dreg:$0x4] =	wrdreg $0xC0  }
0xad: {  	_ =	task [dreg:s9], $0x5FFFF  }
0xae: {  	[dreg:$0x1] =	wrdreg $0xFFFFFFFF  }
0xaf: {  	[dreg:$0x0] =	wrdreg $0x60  }
0xb0: {  	[dreg:$0x2] =	wrdreg s2  }
0xb1: {  	[dreg:$0x3] =	wrdreg s19  }
0xb2: {  	[dreg:$0x4] =	wrdreg s4  }
0xb3: {  	[dreg:$0x5] =	wrdreg $0x9  }
0xb4: {  	_ =	task.clear_ibuf [dreg:s9], $0x6FFFF;
	_ =	strace $0x90000046  }
0xb5: {  	s29 =	simm.s32 $0x9;
	_ =	strace $0x80000048  }
0xb6: {  	_ =	swait.ge [sflag:s29], $0x1  }
0xb7: {  	[sflag:s29] =	ssyncadd.s32 $0xFFFFFFFF  }
0xb8: {  	_ =	strace $0x90000048  }
0xb9: {  	_ =	sfence  }
0xba: {  	s30 =	sld [smem:$0x0];
	_ =	sdelay $0x2  }
0xbb: {  	s31 =	sshll.u32 s1, $0xD;
	s1 =	sshrl.u32 s1, $0x2  }
0xbc: {  	s3 =	sand.u32 $0x4000, s31;
	s1 =	sadd.s32 s1, s30  }
0xbd: {  	s0 =	sor.u32 s3, s0;
	s1 =	sshll.u32 s1, $0x11  }
0xbe: {  	s0 =	sor.u32 s1, s0  }
0xbf: {  	s0 =	sadd.s32 $0x8F2B, s0  }
0xc0: {  	[sflag:s0] =	ssyncadd.remote.s32 $0x1  }
0xc1: {  	_ =	sfence.sel $0xFFFF  }
0xc2: {  	[dreg:$0x0] =	wrdreg $0xFFFFFFFF;
	(pc) =	sbr.abs _section_cstart, $3  }
0xc3: {  	[dreg:$0x1] =	wrdreg $0xFFFFFFFF  }
0xc4: {  	_ =	task.clear_ibuf [dreg:s9], $0x2FFFF;
	_ =	strace $0x9FFFFFFF  }
0xc5: {  	(tm) =	ssettm $0x7FFFFFFF  }
tec
execute0_lowered:
.L_overlay_start_1:
0x0: {  	(tag) =	ssettag $0x1  }
0x1: {  	v1 =	vlaneseq.u32  }
0x2: {  	v0 =	vmul.u32 $0x80, v1;
	v1 =	vmul.u32 $0x200, v1;
	_ =	sdelay $0x1  }
0x3: {  	v2 =	vor.u32 $0x800, v0;
	v3 =	vor.u32 $0x2000, v1  }
0x4: {  	v4 =	vor.u32 $0x1000, v0;
	v5 =	vor.u32 $0x4000, v1;
	v6 =	vor.u32 $0x1800, v0  }
0x5: {  	s15 =	rddreg [dreg:$0x0];
	v7 =	vor.u32 $0x6000, v1;
	v8 =	vor.u32 $0x1F8, v1;
	v9 =	vor.u32 $0x21F8, v1  }
0x6: {  	s0 =	rddreg [dreg:$0x1];
	v10 =	vor.u32 $0x41F8, v1;
	v11 =	vor.u32 $0x61F8, v1;
	v12 =	vor.u32 $0x1F9, v1  }
0x7: {  	s2 =	rddreg [dreg:$0x2];
	v13 =	vor.u32 $0x21F9, v1;
	v14 =	vor.u32 $0x41F9, v1;
	v15 =	vor.u32 $0x61F9, v1  }
0x8: {  	s3 =	srdreg.scid;
	s6 =	simm.s32 $0x0;
	s1 =	stileid.u32;
	v16 =	vor.u32 $0x1FA, v1;
	v17 =	vor.u32 $0x21FA, v1;
	v18 =	vor.u32 $0x41FA, v1  }
0x9: {  	s7 =	simm.s32 $0x9;
	s8 =	simm.s32 $0x400;
	s3 =	sand.u32 $0x1, s3;
	v19 =	vor.u32 $0x61FA, v1;
	v20 =	vor.u32 $0x1FB, v1;
	v21 =	vor.u32 $0x21FB, v1  }
0xa: {  	s5 =	sshll.u32 s1, $0xA;
	s4 =	ssub.s32 $0x2, s3;
	s3 =	sshll.u32 s3, $0x9;
	v22 =	vor.u32 $0x41FB, v1;
	v23 =	vor.u32 $0x61FB, v1;
	v24 =	vor.u32 $0x1FC, v1  }
0xb: {  	s16 =	simm.s32 $0x7A1400;
	s23 =	simm.s32 $0x4200;
	s5 =	sor.u32 s3, s5;
	v25 =	vor.u32 $0x21FC, v1;
	v26 =	vor.u32 $0x41FC, v1;
	v27 =	vor.u32 $0x61FC, v1  }
0xc: {  	s18 =	simm.s32 $0x10200;
	s26 =	sshrl.u32 s4, $0x1;
	v28 =	vor.u32 $0x1FD, v1;
	v29 =	vor.u32 $0x21FD, v1;
	v30 =	vor.u32 $0x41FD, v1;
	s30 =	sshrl.u32 s5, $0x3  }
0xd: {  	[smem:$0x7FF] =	sst s6;
	v31 =	vor.u32 $0x61FD, v1;
	v32 =	vor.u32 $0x1FE, v1;
	v33 =	vor.u32 $0x21FE, v1;
	s28 =	ssub.s32 s4, s26;
	s0 =	sadd.s32 s0, s30  }
0xe: {  	_ =	strace $0x80000047;
	v34 =	vor.u32 $0x41FE, v1;
	v35 =	vor.u32 $0x61FE, v1;
	v36 =	vor.u32 $0x1FF, v1;
	s31 =	smax.u32 s28, $0x1;
	[dreg:$0x4] =	wrdreg s0  }
0xf: {  	s29 =	simm.s32 $0x80;
	s1 =	simm.s32 $0x0;
	v37 =	vor.u32 $0x21FF, v1;
	v38 =	vor.u32 $0x41FF, v1;
	v39 =	vor.u32 $0x61FF, v1;
	[dreg:$0x5] =	wrdreg s31  }
.LBB2_1:
0x10: {  	[dreg:$0x6] =	wrdreg s1  }
.Ltmp0:
0x11: {  	s0 =	simm.s32 $0x0;
	s30 =	rddreg [dreg:$0x4];
	(pc) =	sbr.rel .LBB2_2-.Ltmp0, $4  }
0x12: {  	[tilespmem:s0], [sflag:$0x9] =	stream.linear.gather [hbm4b:s30+s0], $0x200, $0x38;
	[tilespmem:$0x18200] =	vst v63  }
0x13: {  	_ =	swait.ge [sflag:s7], $0x200  }
0x14: {  	[sflag:s7] =	ssyncset.done $0x0  }
0x15: {  	s31 =	simm.s32 $0x0;
	s0 =	simm.s32 $0x0;
	[sflag:s7] =	ssyncadd.s32 $0xFFFFFE00  }
.LBB2_4:
0x16: {  	s1 =	simm.s32 $0x200  }
0x17: {  	[tilespmem:s1], [sflag:$0x1] =	stream.strided.gather [hbm4b:s10+s8], $0x2000, s16, s8, $0x38;
	[tilespmem:$0x18200] =	vst v63  }
0x18: {  	s26 =	simm.s32 $0x2200  }
0x19: {  	[tilespmem:s26], [sflag:$0x2] =	stream.strided.gather [hbm4b:s4+s8], $0x2000, s16, s8, $0x38;
	[tilespmem:$0x18200] =	vst v63  }
0x1a: {  	s24 =	simm.s32 $0x1;
	s30 =	simm.s32 $0x2;
	s26 =	simm.s32 $0x3  }
.LBB2_5:
0x1b: {  	s1 =	sand.u32 $0xFFFFF80, s20  }
0x1c: {  	s1 =	sadd.s32 s15, s1  }
0x1d: {  	v40 =	vlaneseq.u32 @!p0;
	[tilespmem:s23], [sflag:$0x3] =	stream.strided.gather [hbm4b:s1+s8], $0x2000, s16, s8, $0x38;
	[tilespmem:$0x18200] =	vst v63  }
0x1e: {  	s4 =	simm.s32 @p0 $0x400;
	v41 =	vmul.u32 @!p0 $0x80, v40;
	s1 =	sand.u32 @p0 $0xFFFFF80, s11  }
0x1f: {  	s10 =	simm.s32 @p0 $0x7A1400;
	s6 =	simm.s32 @p0 $0x6200;
	s1 =	sadd.s32 @p0 s15, s1  }
0x20: {  	v42 =	vor.u32 @!p0 s13, v41;
	[tilespmem:s6], [sflag:$0x4] =	stream.strided.gather @p0 [hbm4b:s1+s4], $0x2000, s10, s4, $0x38;
	[tilespmem:$0x18200] =	vst v63  }
0x21: {  	s1 =	simm.s32 @!p0 $0x4  }
0x22: {  	_ =	swait.ge @!p0 [sflag:s1], $0x2000  }
0x23: {  	s25 =	sadd.s32 @!p0 s25, s0;
	v40 =	vmul.u32 @!p0 $0x200, v40;
	[sflag:s1] =	ssyncset.done @!p0 $0x0  }
0x24: {  	s6 =	simm.s32 @!p0 $0x6200;
	[sflag:s1] =	ssyncadd.s32 @!p0 $0xFFFFE000;
	s1 =	sadd.s32 @!p0 $0xB, s25  }
0x25: {  	v44 =	vor.u32 @!p0 $0x800, v41;
	v42 =	vld.idx.msk @!p0 [tilespmem:v42+s6+$0x0], $0xffff;
	v43 =	vor.u32 @!p0 s1, v40  }
0x26: {  	v45 =	vor.u32 @!p0 s13, v44;
	_ =	sdelay $0x2  }
0x27: {  	s20 =	simm.s32 @!p0 $0x10200  }
0x28: {  	[tilespmem:v43+s20+$0x0] =	vst.idx.msk @!p0 $0xffff, v42;
	v42 =	vor.u32 @!p0 $0x2000, v40  }
0x29: {  	v46 =	vor.u32 @!p0 $0x1000, v41;
	v43 =	vld.idx.msk @!p0 [tilespmem:v45+s6+$0x0], $0xffff;
	v45 =	vor.u32 @!p0 s1, v42  }
0x2a: {  	v47 =	vor.u32 @!p0 s13, v46;
	_ =	sdelay $0x3  }
0x2b: {  	[tilespmem:v45+s20+$0x0] =	vst.idx.msk @!p0 $0xffff, v43;
	v43 =	vor.u32 @!p0 $0x4000, v40  }
0x2c: {  	v48 =	vor.u32 @!p0 $0x1800, v41;
	v45 =	vld.idx.msk @!p0 [tilespmem:v47+s6+$0x0], $0xffff;
	v47 =	vor.u32 @!p0 s1, v43  }
0x2d: {  	v49 =	vor.u32 @!p0 s13, v48;
	_ =	sdelay $0x3  }
0x2e: {  	[tilespmem:v47+s20+$0x0] =	vst.idx.msk @!p0 $0xffff, v45;
	v45 =	vor.u32 @!p0 $0x6000, v40  }
0x2f: {  	v47 =	vor.u32 @!p0 s1, v45;
	v49 =	vld.idx.msk @!p0 [tilespmem:v49+s6+$0x0], $0xffff;
	_ =	sdelay $0x3  }
0x30: {  	s1 =	sand.u32 @!p0 $0xFFFFF80, s11  }
0x31: {  	s13 =	simm.s32 @!p0 $0x7A1400;
	s11 =	simm.s32 @!p0 $0x400;
	s1 =	sadd.s32 @!p0 s15, s1;
	[tilespmem:v47+s20+$0x0] =	vst.idx.msk @!p0 $0xffff, v49  }
0x32: {  	v47 =	vor.u32 @!p0 s12, v41;
	[tilespmem:s6], [sflag:$0x4] =	stream.strided.gather @!p0 [hbm4b:s1+s11], $0x2000, s13, s11, $0x38;
	[tilespmem:$0x18200] =	vst v63  }
0x33: {  	s1 =	simm.s32 @!p0 $0x5  }
0x34: {  	_ =	swait.ge @!p0 [sflag:s1], $0x2000  }
0x35: {  	[sflag:s1] =	ssyncset.done @!p0 $0x0  }
0x36: {  	s6 =	simm.s32 @!p0 $0x8200;
	[sflag:s1] =	ssyncadd.s32 @!p0 $0xFFFFE000;
	s1 =	sadd.s32 @!p0 $0xC, s25  }
0x37: {  	v47 =	vld.idx.msk @!p0 [tilespmem:v47+s6+$0x0], $0xffff;
	v49 =	vor.u32 @!p0 s1, v40  }
0x38: {  	v50 =	vor.u32 @!p0 s12, v44;
	_ =	sdelay $0x3  }
0x39: {  	[tilespmem:v49+s20+$0x0] =	vst.idx.msk @!p0 $0xffff, v47  }
0x3a: {  	v49 =	vor.u32 @!p0 s1, v42;
	v47 =	vld.idx.msk @!p0 [tilespmem:v50+s6+$0x0], $0xffff  }
0x3b: {  	v50 =	vor.u32 @!p0 s12, v46;
	_ =	sdelay $0x3  }
0x3c: {  	[tilespmem:v49+s20+$0x0] =	vst.idx.msk @!p0 $0xffff, v47  }
0x3d: {  	v49 =	vor.u32 @!p0 s1, v43;
	v47 =	vld.idx.msk @!p0 [tilespmem:v50+s6+$0x0], $0xffff  }
0x3e: {  	v50 =	vor.u32 @!p0 s12, v48;
	_ =	sdelay $0x3  }
0x3f: {  	[tilespmem:v49+s20+$0x0] =	vst.idx.msk @!p0 $0xffff, v47  }
0x40: {  	v49 =	vor.u32 @!p0 s1, v45;
	v47 =	vld.idx.msk @!p0 [tilespmem:v50+s6+$0x0], $0xffff;
	_ =	sdelay $0x2  }
0x41: {  	s12 =	rddreg [dreg:$0x16]  }
0x42: {  	s1 =	sand.u32 $0xFFFFF80, s12  }
0x43: {  	s12 =	simm.s32 $0x8200;
	s1 =	sadd.s32 s15, s1;
	[tilespmem:v49+s20+$0x0] =	vst.idx.msk @!p0 $0xffff, v47  }
0x44: {  	[tilespmem:s12], [sflag:$0x5] =	stream.strided.gather [hbm4b:s1+s8], $0x2000, s16, s8, $0x38;
	[tilespmem:$0x18200] =	vst v63  }
0x45: {  	s1 =	sand.u32 @p0 $0xFFFFF80, s9  }
0x46: {  	s6 =	simm.s32 @p0 $0xA200;
	s1 =	sadd.s32 @p0 s15, s1  }
0x47: {  	v47 =	vor.u32 @!p0 s28, v41;
	[tilespmem:s6], [sflag:$0x6] =	stream.strided.gather @p0 [hbm4b:s1+s4], $0x2000, s10, s4, $0x38;
	[tilespmem:$0x18200] =	vst v63  }
0x48: {  	s1 =	simm.s32 @!p0 $0x6  }
0x49: {  	_ =	swait.ge @!p0 [sflag:s1], $0x2000  }
0x4a: {  	[sflag:s1] =	ssyncset.done @!p0 $0x0  }
0x4b: {  	s4 =	simm.s32 @!p0 $0xA200;
	[sflag:s1] =	ssyncadd.s32 @!p0 $0xFFFFE000;
	s1 =	sadd.s32 @!p0 $0xD, s25  }
0x4c: {  	v47 =	vld.idx.msk @!p0 [tilespmem:v47+s4+$0x0], $0xffff;
	v49 =	vor.u32 @!p0 s1, v40  }
0x4d: {  	v50 =	vor.u32 @!p0 s28, v44;
	_ =	sdelay $0x3  }
0x4e: {  	[tilespmem:v49+s20+$0x0] =	vst.idx.msk @!p0 $0xffff, v47  }
0x4f: {  	v49 =	vor.u32 @!p0 s1, v42;
	v47 =	vld.idx.msk @!p0 [tilespmem:v50+s4+$0x0], $0xffff  }
0x50: {  	v50 =	vor.u32 @!p0 s28, v46;
	_ =	sdelay $0x3  }
0x51: {  	[tilespmem:v49+s20+$0x0] =	vst.idx.msk @!p0 $0xffff, v47  }
0x52: {  	v49 =	vor.u32 @!p0 s1, v43;
	v47 =	vld.idx.msk @!p0 [tilespmem:v50+s4+$0x0], $0xffff  }
0x53: {  	v50 =	vor.u32 @!p0 s28, v48;
	_ =	sdelay $0x3  }
0x54: {  	[tilespmem:v49+s20+$0x0] =	vst.idx.msk @!p0 $0xffff, v47  }
0x55: {  	v47 =	vor.u32 @!p0 s1, v45;
	v49 =	vld.idx.msk @!p0 [tilespmem:v50+s4+$0x0], $0xffff;
	_ =	sdelay $0x3  }
0x56: {  	s1 =	sand.u32 @!p0 $0xFFFFF80, s9  }
0x57: {  	s1 =	sadd.s32 @!p0 s15, s1;
	[tilespmem:v47+s20+$0x0] =	vst.idx.msk @!p0 $0xffff, v49  }
0x58: {  	v47 =	vor.u32 @!p0 s21, v41;
	[tilespmem:s4], [sflag:$0x6] =	stream.strided.gather @!p0 [hbm4b:s1+s11], $0x2000, s13, s11, $0x38;
	[tilespmem:$0x18200] =	vst v63  }
0x59: {  	s1 =	simm.s32 @!p0 $0x7  }
0x5a: {  	_ =	swait.ge @!p0 [sflag:s1], $0x2000  }
0x5b: {  	[sflag:s1] =	ssyncset.done @!p0 $0x0  }
0x5c: {  	s4 =	sadd.s32 @!p0 $0xE, s25;
	[sflag:s1] =	ssyncadd.s32 @!p0 $0xFFFFE000;
	s1 =	simm.s32 @!p0 $0xC200  }
0x5d: {  	v49 =	vor.u32 @!p0 s4, v40;
	v47 =	vld.idx.msk @!p0 [tilespmem:v47+s1+$0x0], $0xffff  }
0x5e: {  	v50 =	vor.u32 @!p0 s21, v44;
	_ =	sdelay $0x3  }
0x5f: {  	[tilespmem:v49+s20+$0x0] =	vst.idx.msk @!p0 $0xffff, v47  }
0x60: {  	v49 =	vor.u32 @!p0 s4, v42;
	v47 =	vld.idx.msk @!p0 [tilespmem:v50+s1+$0x0], $0xffff  }
0x61: {  	v50 =	vor.u32 @!p0 s21, v46;
	_ =	sdelay $0x3  }
0x62: {  	[tilespmem:v49+s20+$0x0] =	vst.idx.msk @!p0 $0xffff, v47  }
0x63: {  	v49 =	vor.u32 @!p0 s4, v43;
	v47 =	vld.idx.msk @!p0 [tilespmem:v50+s1+$0x0], $0xffff  }
0x64: {  	v50 =	vor.u32 @!p0 s21, v48;
	_ =	sdelay $0x3  }
0x65: {  	[tilespmem:v49+s20+$0x0] =	vst.idx.msk @!p0 $0xffff, v47  }
0x66: {  	v49 =	vor.u32 @!p0 s4, v45;
	v47 =	vld.idx.msk @!p0 [tilespmem:v50+s1+$0x0], $0xffff;
	_ =	sdelay $0x2  }
0x67: {  	s21 =	rddreg [dreg:$0x14]  }
0x68: {  	s1 =	sand.u32 $0xFFFFF80, s21  }
0x69: {  	s6 =	simm.s32 $0xC200;
	s1 =	sadd.s32 s15, s1;
	[tilespmem:v49+s20+$0x0] =	vst.idx.msk @!p0 $0xffff, v47  }
0x6a: {  	v41 =	vor.u32 @!p0 s3, v41;
	[tilespmem:s6], [sflag:$0x7] =	stream.strided.gather [hbm4b:s1+s8], $0x2000, s16, s8, $0x38;
	[tilespmem:$0x18200] =	vst v63  }
0x6b: {  	s1 =	simm.s32 @!p0 $0x8  }
0x6c: {  	_ =	swait.ge @!p0 [sflag:s1], $0x2000  }
0x6d: {  	[sflag:s1] =	ssyncset.done @!p0 $0x0;
	s4 =	rddreg [dreg:$0x15]  }
0x6e: {  	s4 =	sadd.s32 @!p0 s4, s0;
	[sflag:s1] =	ssyncadd.s32 @!p0 $0xFFFFE000;
	s1 =	simm.s32 @!p0 $0xE200  }
0x6f: {  	v41 =	vld.idx.msk @!p0 [tilespmem:v41+s1+$0x0], $0xffff;
	v40 =	vor.u32 @!p0 s4, v40  }
0x70: {  	v44 =	vor.u32 @!p0 s3, v44;
	_ =	sdelay $0x3  }
0x71: {  	[tilespmem:v40+s20+$0x0] =	vst.idx.msk @!p0 $0xffff, v41  }
0x72: {  	v41 =	vor.u32 @!p0 s4, v42;
	v40 =	vld.idx.msk @!p0 [tilespmem:v44+s1+$0x0], $0xffff  }
0x73: {  	v42 =	vor.u32 @!p0 s3, v46;
	_ =	sdelay $0x3  }
0x74: {  	[tilespmem:v41+s20+$0x0] =	vst.idx.msk @!p0 $0xffff, v40  }
0x75: {  	v41 =	vor.u32 @!p0 s4, v43;
	v40 =	vld.idx.msk @!p0 [tilespmem:v42+s1+$0x0], $0xffff  }
0x76: {  	v42 =	vor.u32 @!p0 s3, v48;
	_ =	sdelay $0x3  }
0x77: {  	[tilespmem:v41+s20+$0x0] =	vst.idx.msk @!p0 $0xffff, v40  }
0x78: {  	v41 =	vor.u32 @!p0 s4, v45;
	v40 =	vld.idx.msk @!p0 [tilespmem:v42+s1+$0x0], $0xffff;
	_ =	sdelay $0x2  }
0x79: {  	s25 =	rddreg [dreg:$0x13]  }
0x7a: {  	s1 =	sand.u32 $0xFFFFF80, s25  }
0x7b: {  	v57 =	vor.u32 s14, v0;
	s3 =	simm.s32 $0xE200;
	s1 =	sadd.s32 s15, s1;
	[tilespmem:v41+s20+$0x0] =	vst.idx.msk @!p0 $0xffff, v40  }
0x7c: {  	[tilespmem:s3], [sflag:$0x8] =	stream.strided.gather [hbm4b:s1+s8], $0x2000, s16, s8, $0x38;
	[tilespmem:$0x18200] =	vst v63  }
0x7d: {  	_ =	swait.ge [sflag:s24], $0x2000  }
0x7e: {  	[sflag:s24] =	ssyncset.done $0x0  }
0x7f: {  	s28 =	simm.s32 $0x200;
	[sflag:s24] =	ssyncadd.s32 $0xFFFFE000  }
0x80: {  	v58 =	vor.u32 s0, v1;
	v40 =	vld.idx.msk [tilespmem:v57+s28+$0x0], $0xffff  }
0x81: {  	v59 =	vor.u32 s14, v2;
	_ =	sdelay $0x3  }
0x82: {  	[tilespmem:v58+s18+$0x0] =	vst.idx.msk $0xffff, v40  }
0x83: {  	v60 =	vor.u32 s0, v3;
	v40 =	vld.idx.msk [tilespmem:v59+s28+$0x0], $0xffff  }
0x84: {  	v61 =	vor.u32 s14, v4;
	_ =	sdelay $0x3  }
0x85: {  	[tilespmem:v60+s18+$0x0] =	vst.idx.msk $0xffff, v40  }
0x86: {  	v62 =	vor.u32 s0, v5;
	v40 =	vld.idx.msk [tilespmem:v61+s28+$0x0], $0xffff  }
0x87: {  	v63 =	vor.u32 s14, v6;
	_ =	sdelay $0x3  }
0x88: {  	[tilespmem:v62+s18+$0x0] =	vst.idx.msk $0xffff, v40  }
0x89: {  	v45 =	vor.u32 s0, v7;
	v40 =	vld.idx.msk [tilespmem:v63+s28+$0x0], $0xffff;
	_ =	sdelay $0x2  }
0x8a: {  	s9 =	rddreg [dreg:$0x12]  }
0x8b: {  	s1 =	sand.u32 $0xFFFFF80, s9  }
0x8c: {  	v46 =	vor.u32 s22, v0;
	s1 =	sadd.s32 s15, s1;
	[tilespmem:v45+s18+$0x0] =	vst.idx.msk $0xffff, v40  }
0x8d: {  	[tilespmem:s28], [sflag:$0x1] =	stream.strided.gather [hbm4b:s1+s8], $0x2000, s16, s8, $0x38;
	[tilespmem:$0x18200] =	vst v63  }
0x8e: {  	_ =	swait.ge [sflag:s30], $0x2000  }
0x8f: {  	[sflag:s30] =	ssyncset.done $0x0  }
0x90: {  	s10 =	sadd.s32 $0x1, s0;
	s11 =	simm.s32 $0x2200;
	[sflag:s30] =	ssyncadd.s32 $0xFFFFE000  }
0x91: {  	v47 =	vor.u32 s10, v1;
	v40 =	vld.idx.msk [tilespmem:v46+s11+$0x0], $0xffff  }
0x92: {  	v48 =	vor.u32 s22, v2;
	_ =	sdelay $0x3  }
0x93: {  	[tilespmem:v47+s18+$0x0] =	vst.idx.msk $0xffff, v40  }
0x94: {  	v49 =	vor.u32 s10, v3;
	v40 =	vld.idx.msk [tilespmem:v48+s11+$0x0], $0xffff  }
0x95: {  	v50 =	vor.u32 s22, v4;
	_ =	sdelay $0x3  }
0x96: {  	[tilespmem:v49+s18+$0x0] =	vst.idx.msk $0xffff, v40  }
0x97: {  	v51 =	vor.u32 s10, v5;
	v40 =	vld.idx.msk [tilespmem:v50+s11+$0x0], $0xffff  }
0x98: {  	v52 =	vor.u32 s22, v6;
	_ =	sdelay $0x3  }
0x99: {  	[tilespmem:v51+s18+$0x0] =	vst.idx.msk $0xffff, v40  }
0x9a: {  	v53 =	vor.u32 s10, v7;
	v41 =	vld.idx.msk [tilespmem:v52+s11+$0x0], $0xffff;
	_ =	sdelay $0x2  }
0x9b: {  	s13 =	rddreg [dreg:$0x11]  }
0x9c: {  	s1 =	sand.u32 $0xFFFFF80, s13  }
0x9d: {  	v54 =	vor.u32 s19, v0;
	s1 =	sadd.s32 s15, s1;
	[tilespmem:v53+s18+$0x0] =	vst.idx.msk $0xffff, v41  }
0x9e: {  	[tilespmem:s11], [sflag:$0x2] =	stream.strided.gather [hbm4b:s1+s8], $0x2000, s16, s8, $0x38;
	[tilespmem:$0x18200] =	vst v63  }
0x9f: {  	_ =	swait.ge [sflag:s26], $0x2000  }
0xa0: {  	[sflag:s26] =	ssyncset.done $0x0  }
0xa1: {  	s14 =	sadd.s32 $0x2, s0;
	[sflag:s26] =	ssyncadd.s32 $0xFFFFE000  }
0xa2: {  	v55 =	vor.u32 s14, v1;
	v40 =	vld.idx.msk [tilespmem:v54+s23+$0x0], $0xffff  }
0xa3: {  	v56 =	vor.u32 s19, v2;
	_ =	sdelay $0x3  }
0xa4: {  	[tilespmem:v55+s18+$0x0] =	vst.idx.msk $0xffff, v40  }
0xa5: {  	v57 =	vor.u32 s14, v3;
	v40 =	vld.idx.msk [tilespmem:v56+s23+$0x0], $0xffff  }
0xa6: {  	v58 =	vor.u32 s19, v4;
	_ =	sdelay $0x3  }
0xa7: {  	[tilespmem:v57+s18+$0x0] =	vst.idx.msk $0xffff, v40  }
0xa8: {  	v59 =	vor.u32 s14, v5;
	v40 =	vld.idx.msk [tilespmem:v58+s23+$0x0], $0xffff  }
0xa9: {  	v60 =	vor.u32 s19, v6;
	_ =	sdelay $0x3  }
0xaa: {  	[tilespmem:v59+s18+$0x0] =	vst.idx.msk $0xffff, v40  }
0xab: {  	v61 =	vor.u32 s14, v7;
	v41 =	vld.idx.msk [tilespmem:v60+s23+$0x0], $0xffff;
	_ =	sdelay $0x2  }
0xac: {  	s20 =	rddreg [dreg:$0x10]  }
0xad: {  	s1 =	sand.u32 $0xFFFFF80, s20  }
0xae: {  	s21 =	simm.s32 $0x4;
	v62 =	vor.u32 s17, v0;
	s1 =	sadd.s32 s15, s1;
	[tilespmem:v61+s18+$0x0] =	vst.idx.msk $0xffff, v41  }
0xaf: {  	[tilespmem:s23], [sflag:$0x3] =	stream.strided.gather [hbm4b:s1+s8], $0x2000, s16, s8, $0x38;
	[tilespmem:$0x18200] =	vst v63  }
0xb0: {  	_ =	swait.ge [sflag:s21], $0x2000  }
0xb1: {  	[sflag:s21] =	ssyncset.done $0x0  }
0xb2: {  	s22 =	sadd.s32 $0x3, s0;
	s24 =	simm.s32 $0x6200;
	[sflag:s21] =	ssyncadd.s32 $0xFFFFE000  }
0xb3: {  	v63 =	vor.u32 s22, v1;
	v40 =	vld.idx.msk [tilespmem:v62+s24+$0x0], $0xffff  }
0xb4: {  	v45 =	vor.u32 s17, v2;
	_ =	sdelay $0x3  }
0xb5: {  	[tilespmem:v63+s18+$0x0] =	vst.idx.msk $0xffff, v40  }
0xb6: {  	v46 =	vor.u32 s22, v3;
	v40 =	vld.idx.msk [tilespmem:v45+s24+$0x0], $0xffff  }
0xb7: {  	v47 =	vor.u32 s17, v4;
	_ =	sdelay $0x3  }
0xb8: {  	[tilespmem:v46+s18+$0x0] =	vst.idx.msk $0xffff, v40  }
0xb9: {  	v48 =	vor.u32 s22, v5;
	v40 =	vld.idx.msk [tilespmem:v47+s24+$0x0], $0xffff  }
0xba: {  	v49 =	vor.u32 s17, v6;
	_ =	sdelay $0x3  }
0xbb: {  	[tilespmem:v48+s18+$0x0] =	vst.idx.msk $0xffff, v40  }
0xbc: {  	v50 =	vor.u32 s22, v7;
	v41 =	vld.idx.msk [tilespmem:v49+s24+$0x0], $0xffff;
	_ =	sdelay $0x2  }
0xbd: {  	s25 =	rddreg [dreg:$0xe]  }
0xbe: {  	s26 =	rddreg [dreg:$0xf];
	s1 =	sand.u32 $0xFFFFF80, s25  }
0xbf: {  	s28 =	simm.s32 $0x5;
	v51 =	vor.u32 s26, v0;
	s1 =	sadd.s32 s15, s1;
	[tilespmem:v50+s18+$0x0] =	vst.idx.msk $0xffff, v41  }
0xc0: {  	[tilespmem:s24], [sflag:$0x4] =	stream.strided.gather [hbm4b:s1+s8], $0x2000, s16, s8, $0x38;
	[tilespmem:$0x18200] =	vst v63  }
0xc1: {  	_ =	swait.ge [sflag:s28], $0x2000  }
0xc2: {  	[sflag:s28] =	ssyncset.done $0x0  }
0xc3: {  	s30 =	sadd.s32 $0x4, s0;
	[sflag:s28] =	ssyncadd.s32 $0xFFFFE000  }
0xc4: {  	v52 =	vor.u32 s30, v1;
	v40 =	vld.idx.msk [tilespmem:v51+s12+$0x0], $0xffff  }
0xc5: {  	v53 =	vor.u32 s26, v2;
	_ =	sdelay $0x3  }
0xc6: {  	[tilespmem:v52+s18+$0x0] =	vst.idx.msk $0xffff, v40  }
0xc7: {  	v54 =	vor.u32 s30, v3;
	v40 =	vld.idx.msk [tilespmem:v53+s12+$0x0], $0xffff  }
0xc8: {  	v55 =	vor.u32 s26, v4;
	_ =	sdelay $0x3  }
0xc9: {  	[tilespmem:v54+s18+$0x0] =	vst.idx.msk $0xffff, v40  }
0xca: {  	v56 =	vor.u32 s30, v5;
	v40 =	vld.idx.msk [tilespmem:v55+s12+$0x0], $0xffff  }
0xcb: {  	v57 =	vor.u32 s26, v6;
	_ =	sdelay $0x3  }
0xcc: {  	[tilespmem:v56+s18+$0x0] =	vst.idx.msk $0xffff, v40  }
0xcd: {  	v58 =	vor.u32 s30, v7;
	v41 =	vld.idx.msk [tilespmem:v57+s12+$0x0], $0xffff;
	_ =	sdelay $0x2  }
0xce: {  	s10 =	rddreg [dreg:$0xc]  }
0xcf: {  	s11 =	rddreg [dreg:$0xd];
	s1 =	sand.u32 $0xFFFFF80, s10  }
0xd0: {  	s13 =	simm.s32 $0x6;
	v59 =	vor.u32 s11, v0;
	s1 =	sadd.s32 s15, s1;
	[tilespmem:v58+s18+$0x0] =	vst.idx.msk $0xffff, v41  }
0xd1: {  	[tilespmem:s12], [sflag:$0x5] =	stream.strided.gather [hbm4b:s1+s8], $0x2000, s16, s8, $0x38;
	[tilespmem:$0x18200] =	vst v63  }
0xd2: {  	_ =	swait.ge [sflag:s13], $0x2000  }
0xd3: {  	[sflag:s13] =	ssyncset.done $0x0  }
0xd4: {  	s14 =	sadd.s32 $0x5, s0;
	s17 =	simm.s32 $0xA200;
	[sflag:s13] =	ssyncadd.s32 $0xFFFFE000  }
0xd5: {  	v60 =	vor.u32 s14, v1;
	v40 =	vld.idx.msk [tilespmem:v59+s17+$0x0], $0xffff  }
0xd6: {  	v61 =	vor.u32 s11, v2;
	_ =	sdelay $0x3  }
0xd7: {  	[tilespmem:v60+s18+$0x0] =	vst.idx.msk $0xffff, v40  }
0xd8: {  	v62 =	vor.u32 s14, v3;
	v40 =	vld.idx.msk [tilespmem:v61+s17+$0x0], $0xffff  }
0xd9: {  	v63 =	vor.u32 s11, v4;
	_ =	sdelay $0x3  }
0xda: {  	[tilespmem:v62+s18+$0x0] =	vst.idx.msk $0xffff, v40  }
0xdb: {  	v45 =	vor.u32 s14, v5;
	v40 =	vld.idx.msk [tilespmem:v63+s17+$0x0], $0xffff  }
0xdc: {  	v46 =	vor.u32 s11, v6;
	_ =	sdelay $0x3  }
0xdd: {  	[tilespmem:v45+s18+$0x0] =	vst.idx.msk $0xffff, v40  }
0xde: {  	v47 =	vor.u32 s14, v7;
	v41 =	vld.idx.msk [tilespmem:v46+s17+$0x0], $0xffff;
	_ =	sdelay $0x2  }
0xdf: {  	s19 =	rddreg [dreg:$0xa]  }
0xe0: {  	s20 =	rddreg [dreg:$0xb];
	s1 =	sand.u32 $0xFFFFF80, s19  }
0xe1: {  	s21 =	simm.s32 $0x7;
	v48 =	vor.u32 s20, v0;
	s1 =	sadd.s32 s15, s1;
	[tilespmem:v47+s18+$0x0] =	vst.idx.msk $0xffff, v41  }
0xe2: {  	[tilespmem:s17], [sflag:$0x6] =	stream.strided.gather [hbm4b:s1+s8], $0x2000, s16, s8, $0x38;
	[tilespmem:$0x18200] =	vst v63  }
0xe3: {  	_ =	swait.ge [sflag:s21], $0x2000  }
0xe4: {  	[sflag:s21] =	ssyncset.done $0x0  }
0xe5: {  	s22 =	sadd.s32 $0x6, s0;
	[sflag:s21] =	ssyncadd.s32 $0xFFFFE000  }
0xe6: {  	v49 =	vor.u32 s22, v1;
	v40 =	vld.idx.msk [tilespmem:v48+s6+$0x0], $0xffff  }
0xe7: {  	v50 =	vor.u32 s20, v2;
	_ =	sdelay $0x3  }
0xe8: {  	[tilespmem:v49+s18+$0x0] =	vst.idx.msk $0xffff, v40  }
0xe9: {  	v51 =	vor.u32 s22, v3;
	v40 =	vld.idx.msk [tilespmem:v50+s6+$0x0], $0xffff  }
0xea: {  	v52 =	vor.u32 s20, v4;
	_ =	sdelay $0x3  }
0xeb: {  	[tilespmem:v51+s18+$0x0] =	vst.idx.msk $0xffff, v40  }
0xec: {  	v53 =	vor.u32 s22, v5;
	v40 =	vld.idx.msk [tilespmem:v52+s6+$0x0], $0xffff  }
0xed: {  	v54 =	vor.u32 s20, v6;
	_ =	sdelay $0x3  }
0xee: {  	[tilespmem:v53+s18+$0x0] =	vst.idx.msk $0xffff, v40  }
0xef: {  	v55 =	vor.u32 s22, v7;
	v41 =	vld.idx.msk [tilespmem:v54+s6+$0x0], $0xffff;
	_ =	sdelay $0x2  }
0xf0: {  	s24 =	rddreg [dreg:$0x8]  }
0xf1: {  	s25 =	rddreg [dreg:$0x9];
	s1 =	sand.u32 $0xFFFFF80, s24  }
0xf2: {  	s26 =	simm.s32 $0x8;
	v56 =	vor.u32 s25, v0;
	s1 =	sadd.s32 s15, s1;
	[tilespmem:v55+s18+$0x0] =	vst.idx.msk $0xffff, v41  }
0xf3: {  	[tilespmem:s6], [sflag:$0x7] =	stream.strided.gather [hbm4b:s1+s8], $0x2000, s16, s8, $0x38;
	[tilespmem:$0x18200] =	vst v63  }
0xf4: {  	_ =	swait.ge [sflag:s26], $0x2000  }
0xf5: {  	[sflag:s26] =	ssyncset.done $0x0  }
0xf6: {  	s28 =	sadd.s32 $0x7, s0;
	[sflag:s26] =	ssyncadd.s32 $0xFFFFE000  }
0xf7: {  	v57 =	vor.u32 s28, v1;
	v40 =	vld.idx.msk [tilespmem:v56+s3+$0x0], $0xffff  }
0xf8: {  	v58 =	vor.u32 s25, v2;
	_ =	sdelay $0x3  }
0xf9: {  	[tilespmem:v57+s18+$0x0] =	vst.idx.msk $0xffff, v40  }
0xfa: {  	v59 =	vor.u32 s28, v3;
	v40 =	vld.idx.msk [tilespmem:v58+s3+$0x0], $0xffff  }
0xfb: {  	v60 =	vor.u32 s25, v4;
	_ =	sdelay $0x3  }
0xfc: {  	[tilespmem:v59+s18+$0x0] =	vst.idx.msk $0xffff, v40  }
0xfd: {  	v61 =	vor.u32 s28, v5;
	v40 =	vld.idx.msk [tilespmem:v60+s3+$0x0], $0xffff  }
0xfe: {  	v62 =	vor.u32 s25, v6;
	_ =	sdelay $0x3  }
0xff: {  	[tilespmem:v61+s18+$0x0] =	vst.idx.msk $0xffff, v40  }
0x100: {  	v63 =	vor.u32 s28, v7;
	v41 =	vld.idx.msk [tilespmem:v62+s3+$0x0], $0xffff  }
0x101: {  	s0 =	sadd.s32 $0x10, s0  }
0x102: {  	p0 =	sne.s32 s0, $0x200  }
.Ltmp1:
0x103: {  	s30 =	rddreg [dreg:$0x7];
	(pc) =	sbr.rel @!p0 .LBB2_6-.Ltmp1, $4  }
0x104: {  	s1 =	sand.u32 $0xFFFFF80, s30  }
0x105: {  	s31 =	sadd.s32 $0x10, s31;
	s1 =	sadd.s32 s15, s1;
	[tilespmem:v63+s18+$0x0] =	vst.idx.msk $0xffff, v41  }
0x106: {  	[tilespmem:s3], [sflag:$0x8] =	stream.strided.gather [hbm4b:s1+s8], $0x2000, s16, s8, $0x38;
	[tilespmem:$0x18200] =	vst v63  }
0x107: {  	s4 =	simm.s32 $0x3;
	s1 =	simm.s32 $0x1;
	s3 =	simm.s32 $0x2  }
.LBB2_2:
0x108: {  	v41 =	vld [tilespmem:s31+$0x0];
	_ =	sdelay $0x4  }
0x109: {  	(v2sf) =	vpush v41, $0x0  }
0x10a: {  	(v2sf) =	vpush v41, $0x1  }
0x10b: {  	(v2sf) =	vpush v41, $0x2  }
0x10c: {  	(v2sf) =	vpush v41, $0x3  }
0x10d: {  	(v2sf) =	vpush v41, $0x4  }
0x10e: {  	(v2sf) =	vpush v41, $0x5  }
0x10f: {  	(v2sf) =	vpush v41, $0x6;
	_ =	sdelay $0x1  }
0x110: {  	(v2sf) =	vpush v41, $0x7  }
0x111: {  	s3 =	smin.u32 s0, $0x10;
	(v2sf) =	vpush v41, $0x8  }
0x112: {  	s4 =	sshll.u32 s3, $0x2  }
0x113: {  	s4 =	ssub.s32 $0x0, s4;
	(v2sf) =	vpush v41, $0x9  }
0x114: {  	s4 =	sshra.s32 s4, $0x2;
	(v2sf) =	vpush v41, $0xA  }
0x115: {  	s4 =	sadd.s32 s4, s31;
	(v2sf) =	vpush v41, $0xB  }
0x116: {  	v40 =	vld [tilespmem:s4+$0x0];
	(v2sf) =	vpush v41, $0xC  }
0x117: {  	(v2sf) =	vpush v41, $0xD;
	s4 =	spop (v2sf)  }
0x118: {  	(v2sf) =	vpush v41, $0xE;
	s6 =	spop (v2sf)  }
0x119: {  	(v2sf) =	vpush v41, $0xF;
	s20 =	spop (v2sf)  }
0x11a: {  	s25 =	ssub.s32 $0xF, s3;
	s11 =	spop (v2sf)  }
0x11b: {  	[dreg:$0x15] =	wrdreg s25;
	(v2sf) =	vpush v40, $0xB;
	s30 =	spop (v2sf)  }
0x11c: {  	(v2sf) =	vpush v40, $0xC;
	s9 =	spop (v2sf);
	[dreg:$0x16] =	wrdreg s30;
	s30 =	sand.u32 $0x7F, s30  }
0x11d: {  	(v2sf) =	vpush v40, $0xD;
	s24 =	spop (v2sf);
	[dreg:$0xf] =	wrdreg s30  }
0x11e: {  	(v2sf) =	vpush v40, $0xE;
	[dreg:$0x14] =	wrdreg s24;
	s24 =	sand.u32 $0x7F, s24  }
0x11f: {  	(v2sf) =	vpush v40, $0xF;
	s26 =	spop (v2sf);
	[dreg:$0xb] =	wrdreg s24  }
0x120: {  	s1 =	spop (v2sf);
	[dreg:$0x13] =	wrdreg s26  }
0x121: {  	s30 =	sand.u32 $0x7F, s26;
	[dreg:$0x12] =	wrdreg s1  }
0x122: {  	s12 =	spop (v2sf);
	[dreg:$0x9] =	wrdreg s30  }
0x123: {  	[dreg:$0x11] =	wrdreg s12;
	s13 =	spop (v2sf)  }
0x124: {  	[dreg:$0x10] =	wrdreg s13;
	s14 =	spop (v2sf)  }
0x125: {  	[dreg:$0xe] =	wrdreg s14;
	s17 =	spop (v2sf)  }
0x126: {  	p0 =	seq.s32 s0, $0x0;
	[dreg:$0xc] =	wrdreg s17;
	s19 =	spop (v2sf)  }
0x127: {  	s25 =	ssub.s32 $0x0, s3;
	[dreg:$0xa] =	wrdreg s19;
	s21 =	spop (v2sf)  }
0x128: {  	s14 =	sand.u32 $0x7F, s4;
	[dreg:$0x8] =	wrdreg s21;
	s22 =	spop (v2sf)  }
0x129: {  	s4 =	sand.u32 $0xFFFFF80, s4;
	s19 =	sand.u32 $0x7F, s20;
	[dreg:$0x7] =	wrdreg s22  }
0x12a: {  	s10 =	spop (v2sf);
	s22 =	sand.u32 $0x7F, s6;
	s6 =	sand.u32 $0xFFFFF80, s6  }
.Ltmp2:
0x12b: {  	s12 =	spop (v2sf);
	s13 =	sand.u32 $0x7F, s10;
	(pc) =	sbr.rel @p0 .LBB2_4-.Ltmp2, $4  }
0x12c: {  	s10 =	sadd.s32 s15, s4;
	s4 =	sadd.s32 s15, s6;
	s17 =	spop (v2sf)  }
0x12d: {  	s6 =	sand.u32 $0x7F, s9;
	s12 =	sand.u32 $0x7F, s12;
	s21 =	spop (v2sf)  }
0x12e: {  	[dreg:$0xd] =	wrdreg s6;
	s28 =	sand.u32 $0x7F, s17;
	s1 =	spop (v2sf)  }
0x12f: {  	s17 =	sand.u32 $0x7F, s11;
	s21 =	sand.u32 $0x7F, s21;
	s3 =	sand.u32 $0x7F, s1  }
0x130: {  	(v2sf) =	vpush v40, $0xA  }
0x131: {  	(v2sf) =	vpush v40, $0x9  }
0x132: {  	(v2sf) =	vpush v40, $0x8;
	_ =	sdelay $0xc  }
0x133: {  	s23 =	smov.u32 s15;
	s15 =	spop (v2sf)  }
0x134: {  	s1 =	spop (v2sf)  }
0x135: {  	s16 =	spop (v2sf)  }
0x136: {  	s16 =	sand.u32 $0x7F, s16  }
0x137: {  	v61 =	vor.u32 s16, v0  }
0x138: {  	s24 =	simm.s32 $0x1  }
0x139: {  	_ =	swait.ge [sflag:s24], $0x2000  }
0x13a: {  	s6 =	sadd.s32 s25, s0;
	[sflag:s24] =	ssyncset.done $0x0  }
0x13b: {  	s26 =	simm.s32 $0x200;
	s30 =	sadd.s32 $0x8, s6;
	[sflag:s24] =	ssyncadd.s32 $0xFFFFE000  }
0x13c: {  	v41 =	vor.u32 s30, v1;
	v40 =	vld.idx.msk [tilespmem:v61+s26+$0x0], $0xffff  }
0x13d: {  	v42 =	vor.u32 s16, v2;
	_ =	sdelay $0x3  }
0x13e: {  	[tilespmem:v41+s18+$0x0] =	vst.idx.msk $0xffff, v40  }
0x13f: {  	v62 =	vor.u32 s30, v3;
	v40 =	vld.idx.msk [tilespmem:v42+s26+$0x0], $0xffff  }
0x140: {  	v63 =	vor.u32 s16, v4;
	_ =	sdelay $0x3  }
0x141: {  	[tilespmem:v62+s18+$0x0] =	vst.idx.msk $0xffff, v40  }
0x142: {  	v45 =	vor.u32 s30, v5;
	v40 =	vld.idx.msk [tilespmem:v63+s26+$0x0], $0xffff  }
0x143: {  	v46 =	vor.u32 s16, v6;
	_ =	sdelay $0x3  }
0x144: {  	[tilespmem:v45+s18+$0x0] =	vst.idx.msk $0xffff, v40  }
0x145: {  	v47 =	vor.u32 s30, v7;
	v40 =	vld.idx.msk [tilespmem:v46+s26+$0x0], $0xffff;
	_ =	sdelay $0x4  }
0x146: {  	s30 =	simm.s32 $0x200;
	s1 =	sand.u32 $0x7F, s1;
	s16 =	simm.s32 $0x7A1400;
	[tilespmem:v47+s18+$0x0] =	vst.idx.msk $0xffff, v40  }
0x147: {  	v48 =	vor.u32 s1, v0;
	[tilespmem:s30], [sflag:$0x1] =	stream.strided.gather [hbm4b:s10+s8], $0x2000, s16, s8, $0x38;
	[tilespmem:$0x18200] =	vst v63  }
0x148: {  	s30 =	simm.s32 $0x2  }
0x149: {  	_ =	swait.ge [sflag:s30], $0x2000  }
0x14a: {  	[sflag:s30] =	ssyncset.done $0x0  }
0x14b: {  	s26 =	simm.s32 $0x2200;
	s10 =	sadd.s32 $0x9, s6;
	[sflag:s30] =	ssyncadd.s32 $0xFFFFE000  }
0x14c: {  	v49 =	vor.u32 s10, v1;
	v40 =	vld.idx.msk [tilespmem:v48+s26+$0x0], $0xffff  }
0x14d: {  	v50 =	vor.u32 s1, v2;
	_ =	sdelay $0x3  }
0x14e: {  	[tilespmem:v49+s18+$0x0] =	vst.idx.msk $0xffff, v40  }
0x14f: {  	v51 =	vor.u32 s10, v3;
	v40 =	vld.idx.msk [tilespmem:v50+s26+$0x0], $0xffff  }
0x150: {  	v52 =	vor.u32 s1, v4;
	_ =	sdelay $0x3  }
0x151: {  	[tilespmem:v51+s18+$0x0] =	vst.idx.msk $0xffff, v40  }
0x152: {  	v53 =	vor.u32 s10, v5;
	v40 =	vld.idx.msk [tilespmem:v52+s26+$0x0], $0xffff  }
0x153: {  	v54 =	vor.u32 s1, v6;
	_ =	sdelay $0x3  }
0x154: {  	[tilespmem:v53+s18+$0x0] =	vst.idx.msk $0xffff, v40  }
0x155: {  	v55 =	vor.u32 s10, v7;
	v40 =	vld.idx.msk [tilespmem:v54+s26+$0x0], $0xffff;
	_ =	sdelay $0x4  }
0x156: {  	s1 =	sand.u32 $0x7F, s15;
	[tilespmem:v55+s18+$0x0] =	vst.idx.msk $0xffff, v40  }
0x157: {  	v56 =	vor.u32 s1, v0;
	[tilespmem:s26], [sflag:$0x2] =	stream.strided.gather [hbm4b:s4+s8], $0x2000, s16, s8, $0x38;
	[tilespmem:$0x18200] =	vst v63  }
0x158: {  	s26 =	simm.s32 $0x3  }
0x159: {  	_ =	swait.ge [sflag:s26], $0x2000  }
0x15a: {  	s15 =	smov.u32 s23;
	[sflag:s26] =	ssyncset.done $0x0  }
0x15b: {  	s23 =	simm.s32 $0x4200;
	s10 =	sadd.s32 $0xA, s6;
	[sflag:s26] =	ssyncadd.s32 $0xFFFFE000  }
0x15c: {  	v57 =	vor.u32 s10, v1;
	v40 =	vld.idx.msk [tilespmem:v56+s23+$0x0], $0xffff  }
0x15d: {  	v58 =	vor.u32 s1, v2;
	_ =	sdelay $0x3  }
0x15e: {  	[tilespmem:v57+s18+$0x0] =	vst.idx.msk $0xffff, v40  }
0x15f: {  	v59 =	vor.u32 s10, v3;
	v40 =	vld.idx.msk [tilespmem:v58+s23+$0x0], $0xffff  }
0x160: {  	v60 =	vor.u32 s1, v4;
	_ =	sdelay $0x3  }
0x161: {  	[tilespmem:v59+s18+$0x0] =	vst.idx.msk $0xffff, v40  }
0x162: {  	v61 =	vor.u32 s10, v5;
	v40 =	vld.idx.msk [tilespmem:v60+s23+$0x0], $0xffff  }
0x163: {  	v62 =	vor.u32 s1, v6;
	_ =	sdelay $0x3  }
0x164: {  	[tilespmem:v61+s18+$0x0] =	vst.idx.msk $0xffff, v40  }
0x165: {  	v63 =	vor.u32 s10, v7;
	v40 =	vld.idx.msk [tilespmem:v62+s23+$0x0], $0xffff  }
.Ltmp3:
0x166: {  	_ = 	snop;
	(pc) =	sbr.rel .LBB2_5-.Ltmp3, $2  }
0x167: {  	_ =	sdelay $0x2  }
0x168: {  	[tilespmem:v63+s18+$0x0] =	vst.idx.msk $0xffff, v40  }
.LBB2_6:
0x169: {  	v40 =	vld [tilespmem:$0x1F0];
	_ =	sdelay $0x4  }
0x16a: {  	(v2sf) =	vpush v40, $0x8;
	_ =	sdelay $0xe  }
0x16b: {  	s0 =	spop (v2sf)  }
0x16c: {  	s0 =	sand.u32 $0x7F, s0  }
0x16d: {  	v41 =	vor.u32 s0, v0;
	_ =	sdelay $0x1  }
0x16e: {  	_ =	swait.ge [sflag:s1], $0x2000  }
0x16f: {  	[sflag:s1] =	ssyncset.done $0x0  }
0x170: {  	s28 =	simm.s32 $0x200;
	[sflag:s1] =	ssyncadd.s32 $0xFFFFE000  }
0x171: {  	v41 =	vld.idx.msk [tilespmem:v41+s28+$0x0], $0xffff  }
0x172: {  	v42 =	vor.u32 s0, v2;
	_ =	sdelay $0x3  }
0x173: {  	(v2sf) =	vpush v40, $0x9;
	[tilespmem:v8+s18+$0x0] =	vst.idx.msk $0xffff, v41  }
0x174: {  	v41 =	vld.idx.msk [tilespmem:v42+s28+$0x0], $0xffff  }
0x175: {  	v45 =	vor.u32 s0, v4;
	_ =	sdelay $0x3  }
0x176: {  	[tilespmem:v9+s18+$0x0] =	vst.idx.msk $0xffff, v41  }
0x177: {  	v41 =	vld.idx.msk [tilespmem:v45+s28+$0x0], $0xffff  }
0x178: {  	v46 =	vor.u32 s0, v6;
	_ =	sdelay $0x3  }
0x179: {  	[tilespmem:v10+s18+$0x0] =	vst.idx.msk $0xffff, v41  }
0x17a: {  	v41 =	vld.idx.msk [tilespmem:v46+s28+$0x0], $0xffff;
	_ =	sdelay $0x1  }
0x17b: {  	s30 =	spop (v2sf)  }
0x17c: {  	s0 =	sand.u32 $0x7F, s30  }
0x17d: {  	v47 =	vor.u32 s0, v0  }
0x17e: {  	[tilespmem:v11+s18+$0x0] =	vst.idx.msk $0xffff, v41  }
0x17f: {  	_ =	swait.ge [sflag:s3], $0x2000  }
0x180: {  	[sflag:s3] =	ssyncset.done $0x0  }
0x181: {  	s31 =	simm.s32 $0x2200;
	[sflag:s3] =	ssyncadd.s32 $0xFFFFE000  }
0x182: {  	v48 =	vld.idx.msk [tilespmem:v47+s31+$0x0], $0xffff  }
0x183: {  	v49 =	vor.u32 s0, v2;
	_ =	sdelay $0x3  }
0x184: {  	(v2sf) =	vpush v40, $0xA;
	[tilespmem:v12+s18+$0x0] =	vst.idx.msk $0xffff, v48  }
0x185: {  	v41 =	vld.idx.msk [tilespmem:v49+s31+$0x0], $0xffff  }
0x186: {  	v50 =	vor.u32 s0, v4;
	_ =	sdelay $0x3  }
0x187: {  	[tilespmem:v13+s18+$0x0] =	vst.idx.msk $0xffff, v41  }
0x188: {  	v41 =	vld.idx.msk [tilespmem:v50+s31+$0x0], $0xffff  }
0x189: {  	v51 =	vor.u32 s0, v6;
	_ =	sdelay $0x3  }
0x18a: {  	[tilespmem:v14+s18+$0x0] =	vst.idx.msk $0xffff, v41  }
0x18b: {  	v41 =	vld.idx.msk [tilespmem:v51+s31+$0x0], $0xffff;
	_ =	sdelay $0x1  }
0x18c: {  	s3 =	spop (v2sf)  }
0x18d: {  	s0 =	sand.u32 $0x7F, s3  }
0x18e: {  	v52 =	vor.u32 s0, v0  }
0x18f: {  	[tilespmem:v15+s18+$0x0] =	vst.idx.msk $0xffff, v41  }
0x190: {  	_ =	swait.ge [sflag:s4], $0x2000  }
0x191: {  	[sflag:s4] =	ssyncset.done $0x0  }
0x192: {  	[sflag:s4] =	ssyncadd.s32 $0xFFFFE000  }
0x193: {  	v53 =	vld.idx.msk [tilespmem:v52+s23+$0x0], $0xffff  }
0x194: {  	v54 =	vor.u32 s0, v2;
	_ =	sdelay $0x3  }
0x195: {  	(v2sf) =	vpush v40, $0xB;
	[tilespmem:v16+s18+$0x0] =	vst.idx.msk $0xffff, v53  }
0x196: {  	v41 =	vld.idx.msk [tilespmem:v54+s23+$0x0], $0xffff  }
0x197: {  	v55 =	vor.u32 s0, v4;
	_ =	sdelay $0x3  }
0x198: {  	[tilespmem:v17+s18+$0x0] =	vst.idx.msk $0xffff, v41  }
0x199: {  	v41 =	vld.idx.msk [tilespmem:v55+s23+$0x0], $0xffff  }
0x19a: {  	v56 =	vor.u32 s0, v6;
	_ =	sdelay $0x3  }
0x19b: {  	[tilespmem:v18+s18+$0x0] =	vst.idx.msk $0xffff, v41  }
0x19c: {  	v41 =	vld.idx.msk [tilespmem:v56+s23+$0x0], $0xffff;
	_ =	sdelay $0x1  }
0x19d: {  	s6 =	spop (v2sf)  }
0x19e: {  	s0 =	sand.u32 $0x7F, s6  }
0x19f: {  	v57 =	vor.u32 s0, v0  }
0x1a0: {  	s9 =	simm.s32 $0x4;
	[tilespmem:v19+s18+$0x0] =	vst.idx.msk $0xffff, v41  }
0x1a1: {  	_ =	swait.ge [sflag:s9], $0x2000  }
0x1a2: {  	[sflag:s9] =	ssyncset.done $0x0  }
0x1a3: {  	s10 =	simm.s32 $0x6200;
	[sflag:s9] =	ssyncadd.s32 $0xFFFFE000  }
0x1a4: {  	v58 =	vld.idx.msk [tilespmem:v57+s10+$0x0], $0xffff  }
0x1a5: {  	v59 =	vor.u32 s0, v2;
	_ =	sdelay $0x3  }
0x1a6: {  	(v2sf) =	vpush v40, $0xC;
	[tilespmem:v20+s18+$0x0] =	vst.idx.msk $0xffff, v58  }
0x1a7: {  	v41 =	vld.idx.msk [tilespmem:v59+s10+$0x0], $0xffff  }
0x1a8: {  	v60 =	vor.u32 s0, v4;
	_ =	sdelay $0x3  }
0x1a9: {  	[tilespmem:v21+s18+$0x0] =	vst.idx.msk $0xffff, v41  }
0x1aa: {  	v41 =	vld.idx.msk [tilespmem:v60+s10+$0x0], $0xffff  }
0x1ab: {  	v61 =	vor.u32 s0, v6;
	_ =	sdelay $0x3  }
0x1ac: {  	[tilespmem:v22+s18+$0x0] =	vst.idx.msk $0xffff, v41  }
0x1ad: {  	v41 =	vld.idx.msk [tilespmem:v61+s10+$0x0], $0xffff;
	_ =	sdelay $0x1  }
0x1ae: {  	s11 =	spop (v2sf)  }
0x1af: {  	s0 =	sand.u32 $0x7F, s11  }
0x1b0: {  	v62 =	vor.u32 s0, v0  }
0x1b1: {  	s12 =	simm.s32 $0x5;
	[tilespmem:v23+s18+$0x0] =	vst.idx.msk $0xffff, v41  }
0x1b2: {  	_ =	swait.ge [sflag:s12], $0x2000  }
0x1b3: {  	[sflag:s12] =	ssyncset.done $0x0  }
0x1b4: {  	s13 =	simm.s32 $0x8200;
	[sflag:s12] =	ssyncadd.s32 $0xFFFFE000  }
0x1b5: {  	v63 =	vld.idx.msk [tilespmem:v62+s13+$0x0], $0xffff  }
0x1b6: {  	v45 =	vor.u32 s0, v2;
	_ =	sdelay $0x3  }
0x1b7: {  	(v2sf) =	vpush v40, $0xD;
	[tilespmem:v24+s18+$0x0] =	vst.idx.msk $0xffff, v63  }
0x1b8: {  	v41 =	vld.idx.msk [tilespmem:v45+s13+$0x0], $0xffff  }
0x1b9: {  	v46 =	vor.u32 s0, v4;
	_ =	sdelay $0x3  }
0x1ba: {  	[tilespmem:v25+s18+$0x0] =	vst.idx.msk $0xffff, v41  }
0x1bb: {  	v41 =	vld.idx.msk [tilespmem:v46+s13+$0x0], $0xffff  }
0x1bc: {  	v47 =	vor.u32 s0, v6;
	_ =	sdelay $0x3  }
0x1bd: {  	[tilespmem:v26+s18+$0x0] =	vst.idx.msk $0xffff, v41  }
0x1be: {  	v41 =	vld.idx.msk [tilespmem:v47+s13+$0x0], $0xffff;
	_ =	sdelay $0x1  }
0x1bf: {  	s14 =	spop (v2sf)  }
0x1c0: {  	s0 =	sand.u32 $0x7F, s14  }
0x1c1: {  	v48 =	vor.u32 s0, v0  }
0x1c2: {  	s17 =	simm.s32 $0x6;
	[tilespmem:v27+s18+$0x0] =	vst.idx.msk $0xffff, v41  }
0x1c3: {  	_ =	swait.ge [sflag:s17], $0x2000  }
0x1c4: {  	[sflag:s17] =	ssyncset.done $0x0  }
0x1c5: {  	s19 =	simm.s32 $0xA200;
	[sflag:s17] =	ssyncadd.s32 $0xFFFFE000  }
0x1c6: {  	v49 =	vld.idx.msk [tilespmem:v48+s19+$0x0], $0xffff  }
0x1c7: {  	v50 =	vor.u32 s0, v2;
	_ =	sdelay $0x3  }
0x1c8: {  	(v2sf) =	vpush v40, $0xE;
	[tilespmem:v28+s18+$0x0] =	vst.idx.msk $0xffff, v49  }
0x1c9: {  	v41 =	vld.idx.msk [tilespmem:v50+s19+$0x0], $0xffff  }
0x1ca: {  	v51 =	vor.u32 s0, v4;
	_ =	sdelay $0x3  }
0x1cb: {  	[tilespmem:v29+s18+$0x0] =	vst.idx.msk $0xffff, v41  }
0x1cc: {  	v41 =	vld.idx.msk [tilespmem:v51+s19+$0x0], $0xffff  }
0x1cd: {  	v52 =	vor.u32 s0, v6;
	_ =	sdelay $0x3  }
0x1ce: {  	[tilespmem:v30+s18+$0x0] =	vst.idx.msk $0xffff, v41  }
0x1cf: {  	v41 =	vld.idx.msk [tilespmem:v52+s19+$0x0], $0xffff;
	_ =	sdelay $0x1  }
0x1d0: {  	s20 =	spop (v2sf)  }
0x1d1: {  	s0 =	sand.u32 $0x7F, s20  }
0x1d2: {  	v53 =	vor.u32 s0, v0  }
0x1d3: {  	s21 =	simm.s32 $0x7;
	[tilespmem:v31+s18+$0x0] =	vst.idx.msk $0xffff, v41  }
0x1d4: {  	_ =	swait.ge [sflag:s21], $0x2000  }
0x1d5: {  	[sflag:s21] =	ssyncset.done $0x0  }
0x1d6: {  	s22 =	simm.s32 $0xC200;
	[sflag:s21] =	ssyncadd.s32 $0xFFFFE000  }
0x1d7: {  	v54 =	vld.idx.msk [tilespmem:v53+s22+$0x0], $0xffff  }
0x1d8: {  	v55 =	vor.u32 s0, v2;
	_ =	sdelay $0x3  }
0x1d9: {  	(v2sf) =	vpush v40, $0xF;
	[tilespmem:v32+s18+$0x0] =	vst.idx.msk $0xffff, v54  }
0x1da: {  	v56 =	vld.idx.msk [tilespmem:v55+s22+$0x0], $0xffff  }
0x1db: {  	v57 =	vor.u32 s0, v4;
	_ =	sdelay $0x3  }
0x1dc: {  	[tilespmem:v33+s18+$0x0] =	vst.idx.msk $0xffff, v56  }
0x1dd: {  	v40 =	vld.idx.msk [tilespmem:v57+s22+$0x0], $0xffff  }
0x1de: {  	v58 =	vor.u32 s0, v6;
	_ =	sdelay $0x3  }
0x1df: {  	[tilespmem:v34+s18+$0x0] =	vst.idx.msk $0xffff, v40  }
0x1e0: {  	v40 =	vld.idx.msk [tilespmem:v58+s22+$0x0], $0xffff;
	_ =	sdelay $0x1  }
0x1e1: {  	s24 =	spop (v2sf)  }
0x1e2: {  	s0 =	sand.u32 $0x7F, s24  }
0x1e3: {  	v59 =	vor.u32 s0, v0  }
0x1e4: {  	s25 =	simm.s32 $0x8;
	[tilespmem:v35+s18+$0x0] =	vst.idx.msk $0xffff, v40  }
0x1e5: {  	_ =	swait.ge [sflag:s25], $0x2000  }
0x1e6: {  	[sflag:s25] =	ssyncset.done $0x0  }
0x1e7: {  	s26 =	simm.s32 $0xE200;
	[sflag:s25] =	ssyncadd.s32 $0xFFFFE000  }
0x1e8: {  	v60 =	vld.idx.msk [tilespmem:v59+s26+$0x0], $0xffff  }
0x1e9: {  	v61 =	vor.u32 s0, v2;
	_ =	sdelay $0x3  }
0x1ea: {  	[tilespmem:v36+s18+$0x0] =	vst.idx.msk $0xffff, v60  }
0x1eb: {  	v40 =	vld.idx.msk [tilespmem:v61+s26+$0x0], $0xffff  }
0x1ec: {  	v62 =	vor.u32 s0, v4;
	_ =	sdelay $0x3  }
0x1ed: {  	[tilespmem:v37+s18+$0x0] =	vst.idx.msk $0xffff, v40  }
0x1ee: {  	v40 =	vld.idx.msk [tilespmem:v62+s26+$0x0], $0xffff  }
0x1ef: {  	v63 =	vor.u32 s0, v6;
	_ =	sdelay $0x3  }
0x1f0: {  	[tilespmem:v38+s18+$0x0] =	vst.idx.msk $0xffff, v40  }
0x1f1: {  	v40 =	vld.idx.msk [tilespmem:v63+s26+$0x0], $0xffff  }
0x1f2: {  	s28 =	simm.s32 $0x0  }
0x1f3: {  	s30 =	sand.u32 $0x70, s28  }
0x1f4: {  	s1 =	sadd.s32 s2, s30;
	s0 =	sand.u32 $0x1C000, s28  }
0x1f5: {  	s0 =	sadd.s32 s0, s1  }
0x1f6: {  	s31 =	simm.s32 $0x10200;
	s0 =	sadd.s32 s5, s0;
	[tilespmem:v39+s18+$0x0] =	vst.idx.msk $0xffff, v40  }
0x1f7: {  	[hbm4b:s0+s29] =	stream.strided.scatter [tilespmem:s31], [sflag:$0x9], $0x200, s8, s29, $0x38;
	[tilespmem:$0x18200] =	vst v63  }
0x1f8: {  	s3 =	simm.s32 $0x800;
	s0 =	simm.s32 $0x10  }
.LBB2_7:
0x1f9: {  	s1 =	sand.u32 $0x70, s0;
	s4 =	sand.u32 $0x1C000, s3;
	p0 =	sne.s32 s3, $0x1F800  }
.Ltmp4:
0x1fa: {  	s0 =	sadd.s32 $0x10, s0;
	s1 =	sadd.s32 s2, s1;
	(pc) =	sbr.rel @p0 .LBB2_7-.Ltmp4, $4  }
0x1fb: {  	s1 =	sadd.s32 s4, s1;
	s4 =	sshra.s32 s3, $0x2;
	_ =	swait.ge [sflag:s7], $0x200  }
0x1fc: {  	s4 =	sadd.s32 $0x10200, s4;
	s1 =	sadd.s32 s5, s1;
	[sflag:s7] =	ssyncset.done $0x0  }
0x1fd: {  	s3 =	sadd.s32 $0x800, s3;
	[sflag:s7] =	ssyncadd.s32 $0xFFFFFE00  }
0x1fe: {  	[hbm4b:s1+s29] =	stream.strided.scatter [tilespmem:s4], [sflag:$0x9], $0x200, s8, s29, $0x38;
	[tilespmem:$0x18200] =	vst v63  }
0x1ff: {  	_ =	swait.ge [sflag:s7], $0x200  }
0x200: {  	s1 =	rddreg [dreg:$0x6]  }
0x201: {  	s0 =	rddreg [dreg:$0x5];
	s1 =	sadd.s32 $0x1, s1  }
0x202: {  	p0 =	sne.s32 s1, s0  }
.Ltmp5:
0x203: {  	_ = 	snop;
	(pc) =	sbr.rel @p0 .LBB2_1-.Ltmp5, $3  }
0x204: {  	_ =	sdelay $0x1  }
0x205: {  	[sflag:s7] =	ssyncset.done $0x0  }
0x206: {  	[sflag:s7] =	ssyncadd.s32 $0xFFFFFE00  }
0x207: {  	_ =	sfence.sel $0x180000  }
0x208: {  	[bflag:$0x0] =	sbarrier.arrive $0xFFFF  }
0x209: {  	_ =	strace $0x90000047  }
0x20a: {  	s0 =	stileid.u32;
	[bflag:$0x2] =	sbarrier.arrive $0xFFFF  }
0x20b: {  	p0 =	sne.s32 s0, $0x0;
	s0 =	rddreg [dreg:$0x3]  }
0x20c: {  	s0 =	sadd.s32 @!p0 $0x100000, s0  }
0x20d: {  	[sflag:s0] =	ssyncadd.tile.s32 @!p0 $0x1;
	_ =	shalt  }
.Lfunc_end2:
_tile_overlayer_lowered:
.L_overlay_start_2:
0x20e: {  	(tag) =	ssettag $0x2  }
0x20f: {  	s0 =	rddreg [dreg:$0x0];
	s2 =	stileid.u32  }
0x210: {  	s1 =	rddreg [dreg:$0x1];
	p0 =	sne.s32 s2, $0x0  }
0x211: {  	s3 =	rddreg [dreg:$0x2];
	[bflag:$0x3] =	sbarrier.arrive $0xFFFF;
	s2 =	simm.s32 @!p0 $0x1C09  }
0x212: {  	[timem:s3], [sflag:s2] =	dma.local @!p0 [hbm:s0], s1  }
0x213: {  	s0 =	simm.s32 @!p0 $0x9  }
0x214: {  	_ =	swait.ge @!p0 [sflag:s0], s1  }
0x215: {  	s1 =	ssub.s32 @!p0 $0x0, s1;
	[sflag:s0] =	ssyncset.done @!p0 $0x0  }
0x216: {  	[sflag:s0] =	ssyncadd.s32 @!p0 s1  }
0x217: {  	[bflag:$0x3] =	sbarrier.arrive $0xFFFF  }
0x218: {  	_ =	shalt  }

</sc_bundles>
